<compile_context>
chip_gen: v7x
topology: tpu7x:2x2x1
jax: 0.10.2.dev20260603
libtpu: 0.0.44.dev20260713+nightly
codegen_flags: <defaults>
</compile_context>

<pallas_src>
import functools

import jax
import jax.numpy as jnp
from jax import lax
from jax.experimental import pallas as pl
from jax.experimental.pallas import tpu as pltpu
from jax.experimental.pallas import tpu_sc as plsc

_B, _S = 4096, 50
_EMBED = 128
_CAP_VOCAB = 4
_CAP_DIM = 32
_N = _B * _S
_CHUNK = 160
_NW = 32
_PER_W = _N // _NW
_JCHUNKS = _PER_W // _CHUNK
_OUT_D = _EMBED + _CAP_DIM
_L = 16


_NBUF = 4


def _sc_kernel(idx_hbm, cidx_hbm, table_hbm, cap_hbm, out_hbm,
               idx_v, cidx_v, cap_v,
               rows0, rows1, rows2, rows3, crows0, crows1, crows2, crows3,
               gs0, gs1, gs2, gs3, ws0, ws1, ws2, ws3):
    rows = [rows0, rows1, rows2, rows3]
    crows = [crows0, crows1, crows2, crows3]
    gsem = [gs0, gs1, gs2, gs3]
    wsem = [ws0, ws1, ws2, ws3]
    wid = lax.axis_index("s") * 2 + lax.axis_index("c")
    pltpu.sync_copy(idx_hbm.at[wid], idx_v)
    pltpu.sync_copy(cidx_hbm.at[wid], cidx_v)
    pltpu.sync_copy(cap_hbm, cap_v)
    base = wid * _PER_W
    lane_iota = lax.broadcasted_iota(jnp.int32, (_L,), 0)

    def fire_gather(j, b):
        pltpu.async_copy(table_hbm.at[idx_v.at[j]], rows[b], gsem[b])

    def drain_gather(b):
        pltpu.make_async_copy(out_hbm.at[pl.ds(0, _CHUNK), pl.ds(0, _EMBED)],
                              rows[b], gsem[b]).wait()

    def fire_write(j, b):
        r0 = base + j * _CHUNK
        pltpu.async_copy(rows[b],
                         out_hbm.at[pl.ds(r0, _CHUNK), pl.ds(0, _EMBED)],
                         wsem[b])
        pltpu.async_copy(crows[b],
                         out_hbm.at[pl.ds(r0, _CHUNK), pl.ds(_EMBED, _CAP_DIM)],
                         wsem[b])

    def drain_write(b):
        pltpu.make_async_copy(rows[b],
                              out_hbm.at[pl.ds(0, _CHUNK), pl.ds(0, _EMBED)],
                              wsem[b]).wait()
        pltpu.make_async_copy(crows[b],
                              out_hbm.at[pl.ds(0, _CHUNK),
                                         pl.ds(_EMBED, _CAP_DIM)],
                              wsem[b]).wait()

    def expand_cap(j, b):
        def group(g, carry):
            rowvec = g * _L + lane_iota
            cidxs = cidx_v.at[j][pl.ds(g * _L, _L)]
            for c in range(_CAP_DIM):
                cvec = jnp.full((_L,), c, jnp.int32)
                vals = plsc.load_gather(cap_v, [cidxs, cvec])
                plsc.store_scatter(crows[b], [rowvec, cvec], vals)
            return carry

        lax.fori_loop(0, _CHUNK // _L, group, 0)

    fire_gather(0, 0)
    fire_gather(1, 1)

    def body(i, carry):
        for b in range(_NBUF):
            j = _NBUF * i + b
            jn = j + 2
            bn = (b + 2) % _NBUF

            def _prep():
                @pl.when(jn >= _NBUF)
                def _retire():
                    drain_write(bn)

                fire_gather(jn, bn)

            if b >= _NBUF - 2:
                pl.when(jn < _JCHUNKS)(_prep)
            else:
                _prep()

            expand_cap(j, b)
            drain_gather(b)
            fire_write(j, b)
        return carry

    lax.fori_loop(0, _JCHUNKS // _NBUF, body, 0)
    for b in range(_NBUF):
        drain_write(b)


@functools.partial(
    pl.kernel,
    out_type=jax.ShapeDtypeStruct((_N, _OUT_D), jnp.float32),
    mesh=plsc.VectorSubcoreMesh(core_axis_name="c", subcore_axis_name="s"),
    scratch_types=[
        pltpu.VMEM((_JCHUNKS, _CHUNK), jnp.int32),
        pltpu.VMEM((_JCHUNKS, _CHUNK), jnp.int32),
        pltpu.VMEM((_CAP_VOCAB, _CAP_DIM), jnp.float32),
        pltpu.VMEM((_CHUNK, _EMBED), jnp.float32),
        pltpu.VMEM((_CHUNK, _EMBED), jnp.float32),
        pltpu.VMEM((_CHUNK, _EMBED), jnp.float32),
        pltpu.VMEM((_CHUNK, _EMBED), jnp.float32),
        pltpu.VMEM((_CHUNK, _CAP_DIM), jnp.float32),
        pltpu.VMEM((_CHUNK, _CAP_DIM), jnp.float32),
        pltpu.VMEM((_CHUNK, _CAP_DIM), jnp.float32),
        pltpu.VMEM((_CHUNK, _CAP_DIM), jnp.float32),
        pltpu.SemaphoreType.DMA,
        pltpu.SemaphoreType.DMA,
        pltpu.SemaphoreType.DMA,
        pltpu.SemaphoreType.DMA,
        pltpu.SemaphoreType.DMA,
        pltpu.SemaphoreType.DMA,
        pltpu.SemaphoreType.DMA,
        pltpu.SemaphoreType.DMA,
    ],
    compiler_params=pltpu.CompilerParams(use_tc_tiling_on_sc=False,
                                         needs_layout_passes=False),
)
def _embed_gather(*args):
    _sc_kernel(*args)


def kernel(sentences, cap_indices, table, cap_table):
    idx = sentences.reshape(_NW, _JCHUNKS, _CHUNK)
    cidx = cap_indices.reshape(_NW, _JCHUNKS, _CHUNK)
    out = _embed_gather(idx, cidx, table, cap_table)
    return out.reshape(_B, _S, _OUT_D)

# --- scband reference (transcript-rebuilt; emitter-appended) ---
"""Pipeline reference for scband-embeds-layer-43439299231940 (READ-ONLY COPY).

The authoritative reference and input builder live on the scoring server;
editing this copy changes nothing except your own understanding.
"""

import jax, jax.numpy as jnp
import numpy as np

VOCAB = 100000
EMBED = 128
CAP_VOCAB = 4
CAP_DIM = 32
B, S = 4096, 50

def setup_inputs(seed: int = 0) -> dict:
    key = jax.random.key(seed)
    k1, k2, k3, k4 = jax.random.split(key, 4)
    sentences = jax.random.randint(k1, (B, S), 0, VOCAB, dtype=jnp.int64 if jax.config.jax_enable_x64 else jnp.int32).astype(jnp.int32)
    cap_indices = jax.random.randint(k2, (B, S), 0, CAP_VOCAB).astype(jnp.int32)
    table = jax.random.normal(k3, (VOCAB, EMBED), dtype=jnp.float32)
    cap_table = jax.random.normal(k4, (CAP_VOCAB, CAP_DIM), dtype=jnp.float32)
    return {"sentences": sentences, "cap_indices": cap_indices, "table": table, "cap_table": cap_table}

def reference(sentences, cap_indices, table, cap_table):
    # embeds_layer.forward in eval mode (embed_dropout and word_dropout are identity)
    # embed_types == ['train_own'] -> plain trainable embedding, no flair, no reduce_layer
    embeds = jnp.take(table, sentences, axis=0)          # [B, S, EMBED]
    cap = jnp.take(cap_table, cap_indices, axis=0)       # [B, S, CAP_DIM]
    out = jnp.concatenate([embeds, cap], axis=2)         # [B, S, EMBED + CAP_DIM]
    return out

if __name__ == "__main__":
    import jax
    _d = setup_inputs()
    print(jax.jit(kernel)(*tuple(_d.values())))

</pallas_src>

<mosaic_0001>
#map = affine_map<(d0, d1) -> (0, 0, 0)>
#map1 = affine_map<(d0, d1) -> (0, 0)>
module attributes {stable_mosaic.version = 14 : i64} {
  func.func @_embed_gather(%arg0: i32, %arg1: i32, %arg2: memref<32x40x160xi32, #tpu.memory_space<hbm>>, %arg3: memref<32x40x160xi32, #tpu.memory_space<hbm>>, %arg4: memref<100000x128xf32, #tpu.memory_space<hbm>>, %arg5: memref<4x32xf32, #tpu.memory_space<hbm>>, %arg6: memref<204800x160xf32, #tpu.memory_space<hbm>>, %arg7: memref<40x160xi32, #tpu.memory_space<vmem>>, %arg8: memref<40x160xi32, #tpu.memory_space<vmem>>, %arg9: memref<4x32xf32, #tpu.memory_space<vmem>>, %arg10: memref<160x128xf32, #tpu.memory_space<vmem>>, %arg11: memref<160x128xf32, #tpu.memory_space<vmem>>, %arg12: memref<160x128xf32, #tpu.memory_space<vmem>>, %arg13: memref<160x128xf32, #tpu.memory_space<vmem>>, %arg14: memref<160x32xf32, #tpu.memory_space<vmem>>, %arg15: memref<160x32xf32, #tpu.memory_space<vmem>>, %arg16: memref<160x32xf32, #tpu.memory_space<vmem>>, %arg17: memref<160x32xf32, #tpu.memory_space<vmem>>, %arg18: memref<!tpu.dma_semaphore, #tpu.memory_space<semaphore_mem>>, %arg19: memref<!tpu.dma_semaphore, #tpu.memory_space<semaphore_mem>>, %arg20: memref<!tpu.dma_semaphore, #tpu.memory_space<semaphore_mem>>, %arg21: memref<!tpu.dma_semaphore, #tpu.memory_space<semaphore_mem>>, %arg22: memref<!tpu.dma_semaphore, #tpu.memory_space<semaphore_mem>>, %arg23: memref<!tpu.dma_semaphore, #tpu.memory_space<semaphore_mem>>, %arg24: memref<!tpu.dma_semaphore, #tpu.memory_space<semaphore_mem>>, %arg25: memref<!tpu.dma_semaphore, #tpu.memory_space<semaphore_mem>>) attributes {dimension_semantics = [#tpu.dimension_semantics<core_parallel>, #tpu.dimension_semantics<subcore_parallel>], iteration_bounds = array<i64: 2, 16>, scalar_prefetch = 0 : i64, scratch_operands = 19 : i64, tpu.core_type = #tpu.core_type<sc_vector_subcore>, window_params = [{transform_indices = #map}, {transform_indices = #map}, {transform_indices = #map1}, {transform_indices = #map1}, {transform_indices = #map1}]} {
    %mul3A = arith.constant 2 : i32
    %mul3A_0 = arith.muli %arg1, %mul3A : i32
    %add3A = arith.addi %mul3A_0, %arg0 : i32
    "tpu.region"() ({
      %run_scoped3A = tpu.sem_alloc : memref<!tpu.dma_semaphore, #tpu.memory_space<semaphore_mem>>
      %dma_start3A_68 = arith.constant 0 : i32
      %dma_start3A_69 = arith.constant 0 : i32
      %dma_start3A_70 = tpu.memref_slice %arg2[%add3A, %dma_start3A_68, %dma_start3A_69] : memref<32x40x160xi32, #tpu.memory_space<hbm>> -> memref<1x40x160xi32, #tpu.memory_space<hbm>>
      %dma_start3A_71 = tpu.memref_squeeze %dma_start3A_70 : memref<1x40x160xi32, #tpu.memory_space<hbm>> -> memref<40x160xi32, #tpu.memory_space<hbm>>
      %dma_start3A_72 = arith.constant 0 : i32
      %dma_start3A_73 = arith.constant 0 : i32
      %dma_start3A_74 = tpu.memref_slice %arg2[%add3A, %dma_start3A_72, %dma_start3A_73] : memref<32x40x160xi32, #tpu.memory_space<hbm>> -> memref<1x40x160xi32, #tpu.memory_space<hbm>>
      %dma_start3A_75 = tpu.memref_squeeze %dma_start3A_74 : memref<1x40x160xi32, #tpu.memory_space<hbm>> -> memref<40x160xi32, #tpu.memory_space<hbm>>
      tpu.enqueue_dma source(%dma_start3A_75 : memref<40x160xi32, #tpu.memory_space<hbm>>) target(%arg7 : memref<40x160xi32, #tpu.memory_space<vmem>>) target_semaphore(%run_scoped3A : memref<!tpu.dma_semaphore, #tpu.memory_space<semaphore_mem>>)
      %dma_wait3A_76 = arith.constant 0 : i32
      %dma_wait3A_77 = arith.constant 0 : i32
      %dma_wait3A_78 = tpu.memref_slice %arg2[%add3A, %dma_wait3A_76, %dma_wait3A_77] : memref<32x40x160xi32, #tpu.memory_space<hbm>> -> memref<1x40x160xi32, #tpu.memory_space<hbm>>
      %dma_wait3A_79 = tpu.memref_squeeze %dma_wait3A_78 : memref<1x40x160xi32, #tpu.memory_space<hbm>> -> memref<40x160xi32, #tpu.memory_space<hbm>>
      %dma_wait3A_80 = arith.constant 0 : i32
      %dma_wait3A_81 = arith.constant 0 : i32
      %dma_wait3A_82 = tpu.memref_slice %arg2[%add3A, %dma_wait3A_80, %dma_wait3A_81] : memref<32x40x160xi32, #tpu.memory_space<hbm>> -> memref<1x40x160xi32, #tpu.memory_space<hbm>>
      %dma_wait3A_83 = tpu.memref_squeeze %dma_wait3A_82 : memref<1x40x160xi32, #tpu.memory_space<hbm>> -> memref<40x160xi32, #tpu.memory_space<hbm>>
      tpu.wait_dma2 semaphore(%run_scoped3A : memref<!tpu.dma_semaphore, #tpu.memory_space<semaphore_mem>>) src(%dma_wait3A_83 : memref<40x160xi32, #tpu.memory_space<hbm>>) dst(%arg7 : memref<40x160xi32, #tpu.memory_space<vmem>>)
      tpu.yield
    }) : () -> ()
    "tpu.region"() ({
      %run_scoped3A = tpu.sem_alloc : memref<!tpu.dma_semaphore, #tpu.memory_space<semaphore_mem>>
      %dma_start3A_68 = arith.constant 0 : i32
      %dma_start3A_69 = arith.constant 0 : i32
      %dma_start3A_70 = tpu.memref_slice %arg3[%add3A, %dma_start3A_68, %dma_start3A_69] : memref<32x40x160xi32, #tpu.memory_space<hbm>> -> memref<1x40x160xi32, #tpu.memory_space<hbm>>
      %dma_start3A_71 = tpu.memref_squeeze %dma_start3A_70 : memref<1x40x160xi32, #tpu.memory_space<hbm>> -> memref<40x160xi32, #tpu.memory_space<hbm>>
      %dma_start3A_72 = arith.constant 0 : i32
      %dma_start3A_73 = arith.constant 0 : i32
      %dma_start3A_74 = tpu.memref_slice %arg3[%add3A, %dma_start3A_72, %dma_start3A_73] : memref<32x40x160xi32, #tpu.memory_space<hbm>> -> memref<1x40x160xi32, #tpu.memory_space<hbm>>
      %dma_start3A_75 = tpu.memref_squeeze %dma_start3A_74 : memref<1x40x160xi32, #tpu.memory_space<hbm>> -> memref<40x160xi32, #tpu.memory_space<hbm>>
      tpu.enqueue_dma source(%dma_start3A_75 : memref<40x160xi32, #tpu.memory_space<hbm>>) target(%arg8 : memref<40x160xi32, #tpu.memory_space<vmem>>) target_semaphore(%run_scoped3A : memref<!tpu.dma_semaphore, #tpu.memory_space<semaphore_mem>>)
      %dma_wait3A_76 = arith.constant 0 : i32
      %dma_wait3A_77 = arith.constant 0 : i32
      %dma_wait3A_78 = tpu.memref_slice %arg3[%add3A, %dma_wait3A_76, %dma_wait3A_77] : memref<32x40x160xi32, #tpu.memory_space<hbm>> -> memref<1x40x160xi32, #tpu.memory_space<hbm>>
      %dma_wait3A_79 = tpu.memref_squeeze %dma_wait3A_78 : memref<1x40x160xi32, #tpu.memory_space<hbm>> -> memref<40x160xi32, #tpu.memory_space<hbm>>
      %dma_wait3A_80 = arith.constant 0 : i32
      %dma_wait3A_81 = arith.constant 0 : i32
      %dma_wait3A_82 = tpu.memref_slice %arg3[%add3A, %dma_wait3A_80, %dma_wait3A_81] : memref<32x40x160xi32, #tpu.memory_space<hbm>> -> memref<1x40x160xi32, #tpu.memory_space<hbm>>
      %dma_wait3A_83 = tpu.memref_squeeze %dma_wait3A_82 : memref<1x40x160xi32, #tpu.memory_space<hbm>> -> memref<40x160xi32, #tpu.memory_space<hbm>>
      tpu.wait_dma2 semaphore(%run_scoped3A : memref<!tpu.dma_semaphore, #tpu.memory_space<semaphore_mem>>) src(%dma_wait3A_83 : memref<40x160xi32, #tpu.memory_space<hbm>>) dst(%arg8 : memref<40x160xi32, #tpu.memory_space<vmem>>)
      tpu.yield
    }) : () -> ()
    "tpu.region"() ({
      %run_scoped3A = tpu.sem_alloc : memref<!tpu.dma_semaphore, #tpu.memory_space<semaphore_mem>>
      tpu.enqueue_dma source(%arg5 : memref<4x32xf32, #tpu.memory_space<hbm>>) target(%arg9 : memref<4x32xf32, #tpu.memory_space<vmem>>) target_semaphore(%run_scoped3A : memref<!tpu.dma_semaphore, #tpu.memory_space<semaphore_mem>>)
      tpu.wait_dma2 semaphore(%run_scoped3A : memref<!tpu.dma_semaphore, #tpu.memory_space<semaphore_mem>>) src(%arg5 : memref<4x32xf32, #tpu.memory_space<hbm>>) dst(%arg9 : memref<4x32xf32, #tpu.memory_space<vmem>>)
      tpu.yield
    }) : () -> ()
    %mul3A_1 = arith.constant 6400 : i32
    %mul3A_2 = arith.muli %add3A, %mul3A_1 : i32
    %iota3A = tpu.iota {dimensions = array<i32: 0>} : vector<16xi32>
    %dma_start3A = arith.constant 0 : i32
    %dma_start3A_3 = arith.constant 0 : i32
    %dma_start3A_4 = tpu.memref_slice %arg7[%dma_start3A, %dma_start3A_3] : memref<40x160xi32, #tpu.memory_space<vmem>> -> memref<1x160xi32, #tpu.memory_space<vmem>>
    %dma_start3A_5 = tpu.memref_squeeze %dma_start3A_4 : memref<1x160xi32, #tpu.memory_space<vmem>> -> memref<160xi32, #tpu.memory_space<vmem>>
    %dma_start3A_6 = arith.constant 0 : i32
    %dma_start3A_7 = arith.constant 0 : i32
    %dma_start3A_8 = tpu.memref_slice %arg4[%dma_start3A_6, %dma_start3A_7] : memref<100000x128xf32, #tpu.memory_space<hbm>> -> memref<100000x128xf32, #tpu.memory_space<hbm>>
    tpu.enqueue_indirect_dma source(%dma_start3A_8 : memref<100000x128xf32, #tpu.memory_space<hbm>>) target(%arg10 : memref<160x128xf32, #tpu.memory_space<vmem>>) offsets(%dma_start3A_5 : memref<160xi32, #tpu.memory_space<vmem>>) semaphore(%arg18 : memref<!tpu.dma_semaphore, #tpu.memory_space<semaphore_mem>>)
    %dma_start3A_9 = arith.constant 1 : i32
    %dma_start3A_10 = arith.constant 0 : i32
    %dma_start3A_11 = tpu.memref_slice %arg7[%dma_start3A_9, %dma_start3A_10] : memref<40x160xi32, #tpu.memory_space<vmem>> -> memref<1x160xi32, #tpu.memory_space<vmem>>
    %dma_start3A_12 = tpu.memref_squeeze %dma_start3A_11 : memref<1x160xi32, #tpu.memory_space<vmem>> -> memref<160xi32, #tpu.memory_space<vmem>>
    %dma_start3A_13 = arith.constant 0 : i32
    %dma_start3A_14 = arith.constant 0 : i32
    %dma_start3A_15 = tpu.memref_slice %arg4[%dma_start3A_13, %dma_start3A_14] : memref<100000x128xf32, #tpu.memory_space<hbm>> -> memref<100000x128xf32, #tpu.memory_space<hbm>>
    tpu.enqueue_indirect_dma source(%dma_start3A_15 : memref<100000x128xf32, #tpu.memory_space<hbm>>) target(%arg11 : memref<160x128xf32, #tpu.memory_space<vmem>>) offsets(%dma_start3A_12 : memref<160xi32, #tpu.memory_space<vmem>>) semaphore(%arg19 : memref<!tpu.dma_semaphore, #tpu.memory_space<semaphore_mem>>)
    %scan3A = arith.constant 0 : i32
    %scan3A_16 = arith.constant 0 : i32
    %scan3A_17 = arith.constant 10 : i32
    %scan3A_18 = arith.addi %scan3A_16, %scan3A_17 : i32
    %scan3A_19 = arith.constant 1 : i32
    scf.for %scan3A_68 = %scan3A_16 to %scan3A_18 step %scan3A_19  : i32 {
      %mul3A_69 = arith.constant 4 : i32
      %mul3A_70 = arith.muli %mul3A_69, %scan3A_68 : i32
      %add3A_71 = arith.constant 0 : i32
      %add3A_72 = arith.addi %mul3A_70, %add3A_71 : i32
      %add3A_73 = arith.constant 2 : i32
      %add3A_74 = arith.addi %add3A_72, %add3A_73 : i32
      %ge3A = arith.constant 4 : i32
      %ge3A_75 = arith.cmpi sge, %add3A_74, %ge3A : i32
      %convert_element_type3A = arith.extui %ge3A_75 : i1 to i32
      %cond3A = arith.constant 0 : i32
      %cond3A_76 = arith.cmpi ne, %convert_element_type3A, %cond3A : i32
      scf.if %cond3A_76 {
        %dma_wait3A_213 = arith.constant 0 : i32
        %dma_wait3A_214 = arith.constant 0 : i32
        %dma_wait3A_215 = tpu.memref_slice %arg6[%dma_wait3A_213, %dma_wait3A_214] : memref<204800x160xf32, #tpu.memory_space<hbm>> -> memref<160x128xf32, #tpu.memory_space<hbm>>
        %dma_wait3A_216 = arith.constant 0 : i32
        %dma_wait3A_217 = arith.constant 0 : i32
        %dma_wait3A_218 = tpu.memref_slice %arg6[%dma_wait3A_216, %dma_wait3A_217] : memref<204800x160xf32, #tpu.memory_space<hbm>> -> memref<160x128xf32, #tpu.memory_space<hbm>>
        tpu.wait_dma2 semaphore(%arg24 : memref<!tpu.dma_semaphore, #tpu.memory_space<semaphore_mem>>) src(%arg12 : memref<160x128xf32, #tpu.memory_space<vmem>>) dst(%dma_wait3A_218 : memref<160x128xf32, #tpu.memory_space<hbm>>)
        %dma_wait3A_219 = arith.constant 0 : i32
        %dma_wait3A_220 = arith.constant 128 : i32
        %dma_wait3A_221 = tpu.memref_slice %arg6[%dma_wait3A_219, %dma_wait3A_220] : memref<204800x160xf32, #tpu.memory_space<hbm>> -> memref<160x32xf32, #tpu.memory_space<hbm>>
        %dma_wait3A_222 = arith.constant 0 : i32
        %dma_wait3A_223 = arith.constant 128 : i32
        %dma_wait3A_224 = tpu.memref_slice %arg6[%dma_wait3A_222, %dma_wait3A_223] : memref<204800x160xf32, #tpu.memory_space<hbm>> -> memref<160x32xf32, #tpu.memory_space<hbm>>
        tpu.wait_dma2 semaphore(%arg24 : memref<!tpu.dma_semaphore, #tpu.memory_space<semaphore_mem>>) src(%arg16 : memref<160x32xf32, #tpu.memory_space<vmem>>) dst(%dma_wait3A_224 : memref<160x32xf32, #tpu.memory_space<hbm>>)
      } else {
      }
      %dma_start3A_77 = arith.constant 0 : i32
      %dma_start3A_78 = tpu.memref_slice %arg7[%add3A_74, %dma_start3A_77] : memref<40x160xi32, #tpu.memory_space<vmem>> -> memref<1x160xi32, #tpu.memory_space<vmem>>
      %dma_start3A_79 = tpu.memref_squeeze %dma_start3A_78 : memref<1x160xi32, #tpu.memory_space<vmem>> -> memref<160xi32, #tpu.memory_space<vmem>>
      %dma_start3A_80 = arith.constant 0 : i32
      %dma_start3A_81 = arith.constant 0 : i32
      %dma_start3A_82 = tpu.memref_slice %arg4[%dma_start3A_80, %dma_start3A_81] : memref<100000x128xf32, #tpu.memory_space<hbm>> -> memref<100000x128xf32, #tpu.memory_space<hbm>>
      tpu.enqueue_indirect_dma source(%dma_start3A_82 : memref<100000x128xf32, #tpu.memory_space<hbm>>) target(%arg12 : memref<160x128xf32, #tpu.memory_space<vmem>>) offsets(%dma_start3A_79 : memref<160xi32, #tpu.memory_space<vmem>>) semaphore(%arg20 : memref<!tpu.dma_semaphore, #tpu.memory_space<semaphore_mem>>)
      %scan3A_83 = arith.constant 0 : i32
      %scan3A_84 = arith.constant 0 : i32
      %scan3A_85 = arith.constant 10 : i32
      %scan3A_86 = arith.addi %scan3A_84, %scan3A_85 : i32
      %scan3A_87 = arith.constant 1 : i32
      scf.for %scan3A_213 = %scan3A_84 to %scan3A_86 step %scan3A_87  : i32 {
        %mul3A_214 = arith.constant 16 : i32
        %mul3A_215 = arith.muli %scan3A_213, %mul3A_214 : i32
        %add3A_216 = vector.broadcast %mul3A_215 : i32 to vector<16xi32>
        %add3A_217 = arith.addi %add3A_216, %iota3A : vector<16xi32>
        %mul3A_218 = arith.constant 16 : i32
        %mul3A_219 = arith.muli %scan3A_213, %mul3A_218 : i32
        %get3A = arith.constant 0 : i32
        %get3A_220 = tpu.memref_slice %arg8[%add3A_72, %get3A] : memref<40x160xi32, #tpu.memory_space<vmem>> -> memref<1x160xi32, #tpu.memory_space<vmem>>
        %get3A_221 = tpu.memref_squeeze %get3A_220 : memref<1x160xi32, #tpu.memory_space<vmem>> -> memref<160xi32, #tpu.memory_space<vmem>>
        %get3A_222 = arith.index_cast %mul3A_219 : i32 to index
        %get3A_223 = tpu.vector_load %get3A_221[%get3A_222] {strides = array<i32>} : memref<160xi32, #tpu.memory_space<vmem>>, vector<16xi32>,
        %broadcast_in_dim3A = arith.constant 0 : i32
        %broadcast_in_dim3A_224 = vector.broadcast %broadcast_in_dim3A : i32 to vector<16xi32>
        %gather3A = tpu.vector_load_idx %arg9[%get3A_223, %broadcast_in_dim3A_224] : memref<4x32xf32, #tpu.memory_space<vmem>>[vector<16xi32>, vector<16xi32>], vector<16xf32>,
        tpu.vector_store_idx %arg14[%add3A_217, %broadcast_in_dim3A_224], %gather3A : memref<160x32xf32, #tpu.memory_space<vmem>>[vector<16xi32>, vector<16xi32>], vector<16xf32>,
        %broadcast_in_dim3A_225 = arith.constant 1 : i32
        %broadcast_in_dim3A_226 = vector.broadcast %broadcast_in_dim3A_225 : i32 to vector<16xi32>
        %gather3A_227 = tpu.vector_load_idx %arg9[%get3A_223, %broadcast_in_dim3A_226] : memref<4x32xf32, #tpu.memory_space<vmem>>[vector<16xi32>, vector<16xi32>], vector<16xf32>,
        tpu.vector_store_idx %arg14[%add3A_217, %broadcast_in_dim3A_226], %gather3A_227 : memref<160x32xf32, #tpu.memory_space<vmem>>[vector<16xi32>, vector<16xi32>], vector<16xf32>,
        %broadcast_in_dim3A_228 = arith.constant 2 : i32
        %broadcast_in_dim3A_229 = vector.broadcast %broadcast_in_dim3A_228 : i32 to vector<16xi32>
        %gather3A_230 = tpu.vector_load_idx %arg9[%get3A_223, %broadcast_in_dim3A_229] : memref<4x32xf32, #tpu.memory_space<vmem>>[vector<16xi32>, vector<16xi32>], vector<16xf32>,
        tpu.vector_store_idx %arg14[%add3A_217, %broadcast_in_dim3A_229], %gather3A_230 : memref<160x32xf32, #tpu.memory_space<vmem>>[vector<16xi32>, vector<16xi32>], vector<16xf32>,
        %broadcast_in_dim3A_231 = arith.constant 3 : i32
        %broadcast_in_dim3A_232 = vector.broadcast %broadcast_in_dim3A_231 : i32 to vector<16xi32>
        %gather3A_233 = tpu.vector_load_idx %arg9[%get3A_223, %broadcast_in_dim3A_232] : memref<4x32xf32, #tpu.memory_space<vmem>>[vector<16xi32>, vector<16xi32>], vector<16xf32>,
        tpu.vector_store_idx %arg14[%add3A_217, %broadcast_in_dim3A_232], %gather3A_233 : memref<160x32xf32, #tpu.memory_space<vmem>>[vector<16xi32>, vector<16xi32>], vector<16xf32>,
        %broadcast_in_dim3A_234 = arith.constant 4 : i32
        %broadcast_in_dim3A_235 = vector.broadcast %broadcast_in_dim3A_234 : i32 to vector<16xi32>
        %gather3A_236 = tpu.vector_load_idx %arg9[%get3A_223, %broadcast_in_dim3A_235] : memref<4x32xf32, #tpu.memory_space<vmem>>[vector<16xi32>, vector<16xi32>], vector<16xf32>,
        tpu.vector_store_idx %arg14[%add3A_217, %broadcast_in_dim3A_235], %gather3A_236 : memref<160x32xf32, #tpu.memory_space<vmem>>[vector<16xi32>, vector<16xi32>], vector<16xf32>,
        %broadcast_in_dim3A_237 = arith.constant 5 : i32
        %broadcast_in_dim3A_238 = vector.broadcast %broadcast_in_dim3A_237 : i32 to vector<16xi32>
        %gather3A_239 = tpu.vector_load_idx %arg9[%get3A_223, %broadcast_in_dim3A_238] : memref<4x32xf32, #tpu.memory_space<vmem>>[vector<16xi32>, vector<16xi32>], vector<16xf32>,
        tpu.vector_store_idx %arg14[%add3A_217, %broadcast_in_dim3A_238], %gather3A_239 : memref<160x32xf32, #tpu.memory_space<vmem>>[vector<16xi32>, vector<16xi32>], vector<16xf32>,
        %broadcast_in_dim3A_240 = arith.constant 6 : i32
        %broadcast_in_dim3A_241 = vector.broadcast %broadcast_in_dim3A_240 : i32 to vector<16xi32>
        %gather3A_242 = tpu.vector_load_idx %arg9[%get3A_223, %broadcast_in_dim3A_241] : memref<4x32xf32, #tpu.memory_space<vmem>>[vector<16xi32>, vector<16xi32>], vector<16xf32>,
        tpu.vector_store_idx %arg14[%add3A_217, %broadcast_in_dim3A_241], %gather3A_242 : memref<160x32xf32, #tpu.memory_space<vmem>>[vector<16xi32>, vector<16xi32>], vector<16xf32>,
        %broadcast_in_dim3A_243 = arith.constant 7 : i32
        %broadcast_in_dim3A_244 = vector.broadcast %broadcast_in_dim3A_243 : i32 to vector<16xi32>
        %gather3A_245 = tpu.vector_load_idx %arg9[%get3A_223, %broadcast_in_dim3A_244] : memref<4x32xf32, #tpu.memory_space<vmem>>[vector<16xi32>, vector<16xi32>], vector<16xf32>,
        tpu.vector_store_idx %arg14[%add3A_217, %broadcast_in_dim3A_244], %gather3A_245 : memref<160x32xf32, #tpu.memory_space<vmem>>[vector<16xi32>, vector<16xi32>], vector<16xf32>,
        %broadcast_in_dim3A_246 = arith.constant 8 : i32
        %broadcast_in_dim3A_247 = vector.broadcast %broadcast_in_dim3A_246 : i32 to vector<16xi32>
        %gather3A_248 = tpu.vector_load_idx %arg9[%get3A_223, %broadcast_in_dim3A_247] : memref<4x32xf32, #tpu.memory_space<vmem>>[vector<16xi32>, vector<16xi32>], vector<16xf32>,
        tpu.vector_store_idx %arg14[%add3A_217, %broadcast_in_dim3A_247], %gather3A_248 : memref<160x32xf32, #tpu.memory_space<vmem>>[vector<16xi32>, vector<16xi32>], vector<16xf32>,
        %broadcast_in_dim3A_249 = arith.constant 9 : i32
        %broadcast_in_dim3A_250 = vector.broadcast %broadcast_in_dim3A_249 : i32 to vector<16xi32>
        %gather3A_251 = tpu.vector_load_idx %arg9[%get3A_223, %broadcast_in_dim3A_250] : memref<4x32xf32, #tpu.memory_space<vmem>>[vector<16xi32>, vector<16xi32>], vector<16xf32>,
        tpu.vector_store_idx %arg14[%add3A_217, %broadcast_in_dim3A_250], %gather3A_251 : memref<160x32xf32, #tpu.memory_space<vmem>>[vector<16xi32>, vector<16xi32>], vector<16xf32>,
        %broadcast_in_dim3A_252 = arith.constant 10 : i32
        %broadcast_in_dim3A_253 = vector.broadcast %broadcast_in_dim3A_252 : i32 to vector<16xi32>
        %gather3A_254 = tpu.vector_load_idx %arg9[%get3A_223, %broadcast_in_dim3A_253] : memref<4x32xf32, #tpu.memory_space<vmem>>[vector<16xi32>, vector<16xi32>], vector<16xf32>,
        tpu.vector_store_idx %arg14[%add3A_217, %broadcast_in_dim3A_253], %gather3A_254 : memref<160x32xf32, #tpu.memory_space<vmem>>[vector<16xi32>, vector<16xi32>], vector<16xf32>,
        %broadcast_in_dim3A_255 = arith.constant 11 : i32
        %broadcast_in_dim3A_256 = vector.broadcast %broadcast_in_dim3A_255 : i32 to vector<16xi32>
        %gather3A_257 = tpu.vector_load_idx %arg9[%get3A_223, %broadcast_in_dim3A_256] : memref<4x32xf32, #tpu.memory_space<vmem>>[vector<16xi32>, vector<16xi32>], vector<16xf32>,
        tpu.vector_store_idx %arg14[%add3A_217, %broadcast_in_dim3A_256], %gather3A_257 : memref<160x32xf32, #tpu.memory_space<vmem>>[vector<16xi32>, vector<16xi32>], vector<16xf32>,
        %broadcast_in_dim3A_258 = arith.constant 12 : i32
        %broadcast_in_dim3A_259 = vector.broadcast %broadcast_in_dim3A_258 : i32 to vector<16xi32>
        %gather3A_260 = tpu.vector_load_idx %arg9[%get3A_223, %broadcast_in_dim3A_259] : memref<4x32xf32, #tpu.memory_space<vmem>>[vector<16xi32>, vector<16xi32>], vector<16xf32>,
        tpu.vector_store_idx %arg14[%add3A_217, %broadcast_in_dim3A_259], %gather3A_260 : memref<160x32xf32, #tpu.memory_space<vmem>>[vector<16xi32>, vector<16xi32>], vector<16xf32>,
        %broadcast_in_dim3A_261 = arith.constant 13 : i32
        %broadcast_in_dim3A_262 = vector.broadcast %broadcast_in_dim3A_261 : i32 to vector<16xi32>
        %gather3A_263 = tpu.vector_load_idx %arg9[%get3A_223, %broadcast_in_dim3A_262] : memref<4x32xf32, #tpu.memory_space<vmem>>[vector<16xi32>, vector<16xi32>], vector<16xf32>,
        tpu.vector_store_idx %arg14[%add3A_217, %broadcast_in_dim3A_262], %gather3A_263 : memref<160x32xf32, #tpu.memory_space<vmem>>[vector<16xi32>, vector<16xi32>], vector<16xf32>,
        %broadcast_in_dim3A_264 = arith.constant 14 : i32
        %broadcast_in_dim3A_265 = vector.broadcast %broadcast_in_dim3A_264 : i32 to vector<16xi32>
        %gather3A_266 = tpu.vector_load_idx %arg9[%get3A_223, %broadcast_in_dim3A_265] : memref<4x32xf32, #tpu.memory_space<vmem>>[vector<16xi32>, vector<16xi32>], vector<16xf32>,
        tpu.vector_store_idx %arg14[%add3A_217, %broadcast_in_dim3A_265], %gather3A_266 : memref<160x32xf32, #tpu.memory_space<vmem>>[vector<16xi32>, vector<16xi32>], vector<16xf32>,
        %broadcast_in_dim3A_267 = arith.constant 15 : i32
        %broadcast_in_dim3A_268 = vector.broadcast %broadcast_in_dim3A_267 : i32 to vector<16xi32>
        %gather3A_269 = tpu.vector_load_idx %arg9[%get3A_223, %broadcast_in_dim3A_268] : memref<4x32xf32, #tpu.memory_space<vmem>>[vector<16xi32>, vector<16xi32>], vector<16xf32>,
        tpu.vector_store_idx %arg14[%add3A_217, %broadcast_in_dim3A_268], %gather3A_269 : memref<160x32xf32, #tpu.memory_space<vmem>>[vector<16xi32>, vector<16xi32>], vector<16xf32>,
        %broadcast_in_dim3A_270 = arith.constant 16 : i32
        %broadcast_in_dim3A_271 = vector.broadcast %broadcast_in_dim3A_270 : i32 to vector<16xi32>
        %gather3A_272 = tpu.vector_load_idx %arg9[%get3A_223, %broadcast_in_dim3A_271] : memref<4x32xf32, #tpu.memory_space<vmem>>[vector<16xi32>, vector<16xi32>], vector<16xf32>,
        tpu.vector_store_idx %arg14[%add3A_217, %broadcast_in_dim3A_271], %gather3A_272 : memref<160x32xf32, #tpu.memory_space<vmem>>[vector<16xi32>, vector<16xi32>], vector<16xf32>,
        %broadcast_in_dim3A_273 = arith.constant 17 : i32
        %broadcast_in_dim3A_274 = vector.broadcast %broadcast_in_dim3A_273 : i32 to vector<16xi32>
        %gather3A_275 = tpu.vector_load_idx %arg9[%get3A_223, %broadcast_in_dim3A_274] : memref<4x32xf32, #tpu.memory_space<vmem>>[vector<16xi32>, vector<16xi32>], vector<16xf32>,
        tpu.vector_store_idx %arg14[%add3A_217, %broadcast_in_dim3A_274], %gather3A_275 : memref<160x32xf32, #tpu.memory_space<vmem>>[vector<16xi32>, vector<16xi32>], vector<16xf32>,
        %broadcast_in_dim3A_276 = arith.constant 18 : i32
        %broadcast_in_dim3A_277 = vector.broadcast %broadcast_in_dim3A_276 : i32 to vector<16xi32>
        %gather3A_278 = tpu.vector_load_idx %arg9[%get3A_223, %broadcast_in_dim3A_277] : memref<4x32xf32, #tpu.memory_space<vmem>>[vector<16xi32>, vector<16xi32>], vector<16xf32>,
        tpu.vector_store_idx %arg14[%add3A_217, %broadcast_in_dim3A_277], %gather3A_278 : memref<160x32xf32, #tpu.memory_space<vmem>>[vector<16xi32>, vector<16xi32>], vector<16xf32>,
        %broadcast_in_dim3A_279 = arith.constant 19 : i32
        %broadcast_in_dim3A_280 = vector.broadcast %broadcast_in_dim3A_279 : i32 to vector<16xi32>
        %gather3A_281 = tpu.vector_load_idx %arg9[%get3A_223, %broadcast_in_dim3A_280] : memref<4x32xf32, #tpu.memory_space<vmem>>[vector<16xi32>, vector<16xi32>], vector<16xf32>,
        tpu.vector_store_idx %arg14[%add3A_217, %broadcast_in_dim3A_280], %gather3A_281 : memref<160x32xf32, #tpu.memory_space<vmem>>[vector<16xi32>, vector<16xi32>], vector<16xf32>,
        %broadcast_in_dim3A_282 = arith.constant 20 : i32
        %broadcast_in_dim3A_283 = vector.broadcast %broadcast_in_dim3A_282 : i32 to vector<16xi32>
        %gather3A_284 = tpu.vector_load_idx %arg9[%get3A_223, %broadcast_in_dim3A_283] : memref<4x32xf32, #tpu.memory_space<vmem>>[vector<16xi32>, vector<16xi32>], vector<16xf32>,
        tpu.vector_store_idx %arg14[%add3A_217, %broadcast_in_dim3A_283], %gather3A_284 : memref<160x32xf32, #tpu.memory_space<vmem>>[vector<16xi32>, vector<16xi32>], vector<16xf32>,
        %broadcast_in_dim3A_285 = arith.constant 21 : i32
        %broadcast_in_dim3A_286 = vector.broadcast %broadcast_in_dim3A_285 : i32 to vector<16xi32>
        %gather3A_287 = tpu.vector_load_idx %arg9[%get3A_223, %broadcast_in_dim3A_286] : memref<4x32xf32, #tpu.memory_space<vmem>>[vector<16xi32>, vector<16xi32>], vector<16xf32>,
        tpu.vector_store_idx %arg14[%add3A_217, %broadcast_in_dim3A_286], %gather3A_287 : memref<160x32xf32, #tpu.memory_space<vmem>>[vector<16xi32>, vector<16xi32>], vector<16xf32>,
        %broadcast_in_dim3A_288 = arith.constant 22 : i32
        %broadcast_in_dim3A_289 = vector.broadcast %broadcast_in_dim3A_288 : i32 to vector<16xi32>
        %gather3A_290 = tpu.vector_load_idx %arg9[%get3A_223, %broadcast_in_dim3A_289] : memref<4x32xf32, #tpu.memory_space<vmem>>[vector<16xi32>, vector<16xi32>], vector<16xf32>,
        tpu.vector_store_idx %arg14[%add3A_217, %broadcast_in_dim3A_289], %gather3A_290 : memref<160x32xf32, #tpu.memory_space<vmem>>[vector<16xi32>, vector<16xi32>], vector<16xf32>,
        %broadcast_in_dim3A_291 = arith.constant 23 : i32
        %broadcast_in_dim3A_292 = vector.broadcast %broadcast_in_dim3A_291 : i32 to vector<16xi32>
        %gather3A_293 = tpu.vector_load_idx %arg9[%get3A_223, %broadcast_in_dim3A_292] : memref<4x32xf32, #tpu.memory_space<vmem>>[vector<16xi32>, vector<16xi32>], vector<16xf32>,
        tpu.vector_store_idx %arg14[%add3A_217, %broadcast_in_dim3A_292], %gather3A_293 : memref<160x32xf32, #tpu.memory_space<vmem>>[vector<16xi32>, vector<16xi32>], vector<16xf32>,
        %broadcast_in_dim3A_294 = arith.constant 24 : i32
        %broadcast_in_dim3A_295 = vector.broadcast %broadcast_in_dim3A_294 : i32 to vector<16xi32>
        %gather3A_296 = tpu.vector_load_idx %arg9[%get3A_223, %broadcast_in_dim3A_295] : memref<4x32xf32, #tpu.memory_space<vmem>>[vector<16xi32>, vector<16xi32>], vector<16xf32>,
        tpu.vector_store_idx %arg14[%add3A_217, %broadcast_in_dim3A_295], %gather3A_296 : memref<160x32xf32, #tpu.memory_space<vmem>>[vector<16xi32>, vector<16xi32>], vector<16xf32>,
        %broadcast_in_dim3A_297 = arith.constant 25 : i32
        %broadcast_in_dim3A_298 = vector.broadcast %broadcast_in_dim3A_297 : i32 to vector<16xi32>
        %gather3A_299 = tpu.vector_load_idx %arg9[%get3A_223, %broadcast_in_dim3A_298] : memref<4x32xf32, #tpu.memory_space<vmem>>[vector<16xi32>, vector<16xi32>], vector<16xf32>,
        tpu.vector_store_idx %arg14[%add3A_217, %broadcast_in_dim3A_298], %gather3A_299 : memref<160x32xf32, #tpu.memory_space<vmem>>[vector<16xi32>, vector<16xi32>], vector<16xf32>,
        %broadcast_in_dim3A_300 = arith.constant 26 : i32
        %broadcast_in_dim3A_301 = vector.broadcast %broadcast_in_dim3A_300 : i32 to vector<16xi32>
        %gather3A_302 = tpu.vector_load_idx %arg9[%get3A_223, %broadcast_in_dim3A_301] : memref<4x32xf32, #tpu.memory_space<vmem>>[vector<16xi32>, vector<16xi32>], vector<16xf32>,
        tpu.vector_store_idx %arg14[%add3A_217, %broadcast_in_dim3A_301], %gather3A_302 : memref<160x32xf32, #tpu.memory_space<vmem>>[vector<16xi32>, vector<16xi32>], vector<16xf32>,
        %broadcast_in_dim3A_303 = arith.constant 27 : i32
        %broadcast_in_dim3A_304 = vector.broadcast %broadcast_in_dim3A_303 : i32 to vector<16xi32>
        %gather3A_305 = tpu.vector_load_idx %arg9[%get3A_223, %broadcast_in_dim3A_304] : memref<4x32xf32, #tpu.memory_space<vmem>>[vector<16xi32>, vector<16xi32>], vector<16xf32>,
        tpu.vector_store_idx %arg14[%add3A_217, %broadcast_in_dim3A_304], %gather3A_305 : memref<160x32xf32, #tpu.memory_space<vmem>>[vector<16xi32>, vector<16xi32>], vector<16xf32>,
        %broadcast_in_dim3A_306 = arith.constant 28 : i32
        %broadcast_in_dim3A_307 = vector.broadcast %broadcast_in_dim3A_306 : i32 to vector<16xi32>
        %gather3A_308 = tpu.vector_load_idx %arg9[%get3A_223, %broadcast_in_dim3A_307] : memref<4x32xf32, #tpu.memory_space<vmem>>[vector<16xi32>, vector<16xi32>], vector<16xf32>,
        tpu.vector_store_idx %arg14[%add3A_217, %broadcast_in_dim3A_307], %gather3A_308 : memref<160x32xf32, #tpu.memory_space<vmem>>[vector<16xi32>, vector<16xi32>], vector<16xf32>,
        %broadcast_in_dim3A_309 = arith.constant 29 : i32
        %broadcast_in_dim3A_310 = vector.broadcast %broadcast_in_dim3A_309 : i32 to vector<16xi32>
        %gather3A_311 = tpu.vector_load_idx %arg9[%get3A_223, %broadcast_in_dim3A_310] : memref<4x32xf32, #tpu.memory_space<vmem>>[vector<16xi32>, vector<16xi32>], vector<16xf32>,
        tpu.vector_store_idx %arg14[%add3A_217, %broadcast_in_dim3A_310], %gather3A_311 : memref<160x32xf32, #tpu.memory_space<vmem>>[vector<16xi32>, vector<16xi32>], vector<16xf32>,
        %broadcast_in_dim3A_312 = arith.constant 30 : i32
        %broadcast_in_dim3A_313 = vector.broadcast %broadcast_in_dim3A_312 : i32 to vector<16xi32>
        %gather3A_314 = tpu.vector_load_idx %arg9[%get3A_223, %broadcast_in_dim3A_313] : memref<4x32xf32, #tpu.memory_space<vmem>>[vector<16xi32>, vector<16xi32>], vector<16xf32>,
        tpu.vector_store_idx %arg14[%add3A_217, %broadcast_in_dim3A_313], %gather3A_314 : memref<160x32xf32, #tpu.memory_space<vmem>>[vector<16xi32>, vector<16xi32>], vector<16xf32>,
        %broadcast_in_dim3A_315 = arith.constant 31 : i32
        %broadcast_in_dim3A_316 = vector.broadcast %broadcast_in_dim3A_315 : i32 to vector<16xi32>
        %gather3A_317 = tpu.vector_load_idx %arg9[%get3A_223, %broadcast_in_dim3A_316] : memref<4x32xf32, #tpu.memory_space<vmem>>[vector<16xi32>, vector<16xi32>], vector<16xf32>,
        tpu.vector_store_idx %arg14[%add3A_217, %broadcast_in_dim3A_316], %gather3A_317 : memref<160x32xf32, #tpu.memory_space<vmem>>[vector<16xi32>, vector<16xi32>], vector<16xf32>,
      }
      %scan3A_88 = arith.constant 10 : i32
      %dma_wait3A_89 = arith.constant 0 : i32
      %dma_wait3A_90 = arith.constant 0 : i32
      %dma_wait3A_91 = tpu.memref_slice %arg6[%dma_wait3A_89, %dma_wait3A_90] : memref<204800x160xf32, #tpu.memory_space<hbm>> -> memref<160x128xf32, #tpu.memory_space<hbm>>
      %dma_wait3A_92 = arith.constant 0 : i32
      %dma_wait3A_93 = arith.constant 0 : i32
      %dma_wait3A_94 = tpu.memref_slice %arg6[%dma_wait3A_92, %dma_wait3A_93] : memref<204800x160xf32, #tpu.memory_space<hbm>> -> memref<160x128xf32, #tpu.memory_space<hbm>>
      tpu.wait_dma2 semaphore(%arg18 : memref<!tpu.dma_semaphore, #tpu.memory_space<semaphore_mem>>) src(%dma_wait3A_94 : memref<160x128xf32, #tpu.memory_space<hbm>>) dst(%arg10 : memref<160x128xf32, #tpu.memory_space<vmem>>)
      %mul3A_95 = arith.constant 160 : i32
      %mul3A_96 = arith.muli %add3A_72, %mul3A_95 : i32
      %add3A_97 = arith.addi %mul3A_2, %mul3A_96 : i32
      %dma_start3A_98 = arith.constant 0 : i32
      %dma_start3A_99 = tpu.memref_slice %arg6[%add3A_97, %dma_start3A_98] : memref<204800x160xf32, #tpu.memory_space<hbm>> -> memref<160x128xf32, #tpu.memory_space<hbm>>
      %dma_start3A_100 = arith.constant 0 : i32
      %dma_start3A_101 = tpu.memref_slice %arg6[%add3A_97, %dma_start3A_100] : memref<204800x160xf32, #tpu.memory_space<hbm>> -> memref<160x128xf32, #tpu.memory_space<hbm>>
      tpu.enqueue_dma source(%arg10 : memref<160x128xf32, #tpu.memory_space<vmem>>) target(%dma_start3A_101 : memref<160x128xf32, #tpu.memory_space<hbm>>) target_semaphore(%arg22 : memref<!tpu.dma_semaphore, #tpu.memory_space<semaphore_mem>>)
      %dma_start3A_102 = arith.constant 128 : i32
      %dma_start3A_103 = tpu.memref_slice %arg6[%add3A_97, %dma_start3A_102] : memref<204800x160xf32, #tpu.memory_space<hbm>> -> memref<160x32xf32, #tpu.memory_space<hbm>>
      %dma_start3A_104 = arith.constant 128 : i32
      %dma_start3A_105 = tpu.memref_slice %arg6[%add3A_97, %dma_start3A_104] : memref<204800x160xf32, #tpu.memory_space<hbm>> -> memref<160x32xf32, #tpu.memory_space<hbm>>
      tpu.enqueue_dma source(%arg14 : memref<160x32xf32, #tpu.memory_space<vmem>>) target(%dma_start3A_105 : memref<160x32xf32, #tpu.memory_space<hbm>>) target_semaphore(%arg22 : memref<!tpu.dma_semaphore, #tpu.memory_space<semaphore_mem>>)
      %mul3A_106 = arith.constant 4 : i32
      %mul3A_107 = arith.muli %mul3A_106, %scan3A_68 : i32
      %add3A_108 = arith.constant 1 : i32
      %add3A_109 = arith.addi %mul3A_107, %add3A_108 : i32
      %add3A_110 = arith.constant 2 : i32
      %add3A_111 = arith.addi %add3A_109, %add3A_110 : i32
      %ge3A_112 = arith.constant 4 : i32
      %ge3A_113 = arith.cmpi sge, %add3A_111, %ge3A_112 : i32
      %convert_element_type3A_114 = arith.extui %ge3A_113 : i1 to i32
      %cond3A_115 = arith.constant 0 : i32
      %cond3A_116 = arith.cmpi ne, %convert_element_type3A_114, %cond3A_115 : i32
      scf.if %cond3A_116 {
        %dma_wait3A_213 = arith.constant 0 : i32
        %dma_wait3A_214 = arith.constant 0 : i32
        %dma_wait3A_215 = tpu.memref_slice %arg6[%dma_wait3A_213, %dma_wait3A_214] : memref<204800x160xf32, #tpu.memory_space<hbm>> -> memref<160x128xf32, #tpu.memory_space<hbm>>
        %dma_wait3A_216 = arith.constant 0 : i32
        %dma_wait3A_217 = arith.constant 0 : i32
        %dma_wait3A_218 = tpu.memref_slice %arg6[%dma_wait3A_216, %dma_wait3A_217] : memref<204800x160xf32, #tpu.memory_space<hbm>> -> memref<160x128xf32, #tpu.memory_space<hbm>>
        tpu.wait_dma2 semaphore(%arg25 : memref<!tpu.dma_semaphore, #tpu.memory_space<semaphore_mem>>) src(%arg13 : memref<160x128xf32, #tpu.memory_space<vmem>>) dst(%dma_wait3A_218 : memref<160x128xf32, #tpu.memory_space<hbm>>)
        %dma_wait3A_219 = arith.constant 0 : i32
        %dma_wait3A_220 = arith.constant 128 : i32
        %dma_wait3A_221 = tpu.memref_slice %arg6[%dma_wait3A_219, %dma_wait3A_220] : memref<204800x160xf32, #tpu.memory_space<hbm>> -> memref<160x32xf32, #tpu.memory_space<hbm>>
        %dma_wait3A_222 = arith.constant 0 : i32
        %dma_wait3A_223 = arith.constant 128 : i32
        %dma_wait3A_224 = tpu.memref_slice %arg6[%dma_wait3A_222, %dma_wait3A_223] : memref<204800x160xf32, #tpu.memory_space<hbm>> -> memref<160x32xf32, #tpu.memory_space<hbm>>
        tpu.wait_dma2 semaphore(%arg25 : memref<!tpu.dma_semaphore, #tpu.memory_space<semaphore_mem>>) src(%arg17 : memref<160x32xf32, #tpu.memory_space<vmem>>) dst(%dma_wait3A_224 : memref<160x32xf32, #tpu.memory_space<hbm>>)
      } else {
      }
      %dma_start3A_117 = arith.constant 0 : i32
      %dma_start3A_118 = tpu.memref_slice %arg7[%add3A_111, %dma_start3A_117] : memref<40x160xi32, #tpu.memory_space<vmem>> -> memref<1x160xi32, #tpu.memory_space<vmem>>
      %dma_start3A_119 = tpu.memref_squeeze %dma_start3A_118 : memref<1x160xi32, #tpu.memory_space<vmem>> -> memref<160xi32, #tpu.memory_space<vmem>>
      %dma_start3A_120 = arith.constant 0 : i32
      %dma_start3A_121 = arith.constant 0 : i32
      %dma_start3A_122 = tpu.memref_slice %arg4[%dma_start3A_120, %dma_start3A_121] : memref<100000x128xf32, #tpu.memory_space<hbm>> -> memref<100000x128xf32, #tpu.memory_space<hbm>>
      tpu.enqueue_indirect_dma source(%dma_start3A_122 : memref<100000x128xf32, #tpu.memory_space<hbm>>) target(%arg13 : memref<160x128xf32, #tpu.memory_space<vmem>>) offsets(%dma_start3A_119 : memref<160xi32, #tpu.memory_space<vmem>>) semaphore(%arg21 : memref<!tpu.dma_semaphore, #tpu.memory_space<semaphore_mem>>)
      %scan3A_123 = arith.constant 0 : i32
      %scan3A_124 = arith.constant 0 : i32
      %scan3A_125 = arith.constant 10 : i32
      %scan3A_126 = arith.addi %scan3A_124, %scan3A_125 : i32
      %scan3A_127 = arith.constant 1 : i32
      scf.for %scan3A_213 = %scan3A_124 to %scan3A_126 step %scan3A_127  : i32 {
        %mul3A_214 = arith.constant 16 : i32
        %mul3A_215 = arith.muli %scan3A_213, %mul3A_214 : i32
        %add3A_216 = vector.broadcast %mul3A_215 : i32 to vector<16xi32>
        %add3A_217 = arith.addi %add3A_216, %iota3A : vector<16xi32>
        %mul3A_218 = arith.constant 16 : i32
        %mul3A_219 = arith.muli %scan3A_213, %mul3A_218 : i32
        %get3A = arith.constant 0 : i32
        %get3A_220 = tpu.memref_slice %arg8[%add3A_109, %get3A] : memref<40x160xi32, #tpu.memory_space<vmem>> -> memref<1x160xi32, #tpu.memory_space<vmem>>
        %get3A_221 = tpu.memref_squeeze %get3A_220 : memref<1x160xi32, #tpu.memory_space<vmem>> -> memref<160xi32, #tpu.memory_space<vmem>>
        %get3A_222 = arith.index_cast %mul3A_219 : i32 to index
        %get3A_223 = tpu.vector_load %get3A_221[%get3A_222] {strides = array<i32>} : memref<160xi32, #tpu.memory_space<vmem>>, vector<16xi32>,
        %broadcast_in_dim3A = arith.constant 0 : i32
        %broadcast_in_dim3A_224 = vector.broadcast %broadcast_in_dim3A : i32 to vector<16xi32>
        %gather3A = tpu.vector_load_idx %arg9[%get3A_223, %broadcast_in_dim3A_224] : memref<4x32xf32, #tpu.memory_space<vmem>>[vector<16xi32>, vector<16xi32>], vector<16xf32>,
        tpu.vector_store_idx %arg15[%add3A_217, %broadcast_in_dim3A_224], %gather3A : memref<160x32xf32, #tpu.memory_space<vmem>>[vector<16xi32>, vector<16xi32>], vector<16xf32>,
        %broadcast_in_dim3A_225 = arith.constant 1 : i32
        %broadcast_in_dim3A_226 = vector.broadcast %broadcast_in_dim3A_225 : i32 to vector<16xi32>
        %gather3A_227 = tpu.vector_load_idx %arg9[%get3A_223, %broadcast_in_dim3A_226] : memref<4x32xf32, #tpu.memory_space<vmem>>[vector<16xi32>, vector<16xi32>], vector<16xf32>,
        tpu.vector_store_idx %arg15[%add3A_217, %broadcast_in_dim3A_226], %gather3A_227 : memref<160x32xf32, #tpu.memory_space<vmem>>[vector<16xi32>, vector<16xi32>], vector<16xf32>,
        %broadcast_in_dim3A_228 = arith.constant 2 : i32
        %broadcast_in_dim3A_229 = vector.broadcast %broadcast_in_dim3A_228 : i32 to vector<16xi32>
        %gather3A_230 = tpu.vector_load_idx %arg9[%get3A_223, %broadcast_in_dim3A_229] : memref<4x32xf32, #tpu.memory_space<vmem>>[vector<16xi32>, vector<16xi32>], vector<16xf32>,
        tpu.vector_store_idx %arg15[%add3A_217, %broadcast_in_dim3A_229], %gather3A_230 : memref<160x32xf32, #tpu.memory_space<vmem>>[vector<16xi32>, vector<16xi32>], vector<16xf32>,
        %broadcast_in_dim3A_231 = arith.constant 3 : i32
        %broadcast_in_dim3A_232 = vector.broadcast %broadcast_in_dim3A_231 : i32 to vector<16xi32>
        %gather3A_233 = tpu.vector_load_idx %arg9[%get3A_223, %broadcast_in_dim3A_232] : memref<4x32xf32, #tpu.memory_space<vmem>>[vector<16xi32>, vector<16xi32>], vector<16xf32>,
        tpu.vector_store_idx %arg15[%add3A_217, %broadcast_in_dim3A_232], %gather3A_233 : memref<160x32xf32, #tpu.memory_space<vmem>>[vector<16xi32>, vector<16xi32>], vector<16xf32>,
        %broadcast_in_dim3A_234 = arith.constant 4 : i32
        %broadcast_in_dim3A_235 = vector.broadcast %broadcast_in_dim3A_234 : i32 to vector<16xi32>
        %gather3A_236 = tpu.vector_load_idx %arg9[%get3A_223, %broadcast_in_dim3A_235] : memref<4x32xf32, #tpu.memory_space<vmem>>[vector<16xi32>, vector<16xi32>], vector<16xf32>,
        tpu.vector_store_idx %arg15[%add3A_217, %broadcast_in_dim3A_235], %gather3A_236 : memref<160x32xf32, #tpu.memory_space<vmem>>[vector<16xi32>, vector<16xi32>], vector<16xf32>,
        %broadcast_in_dim3A_237 = arith.constant 5 : i32
        %broadcast_in_dim3A_238 = vector.broadcast %broadcast_in_dim3A_237 : i32 to vector<16xi32>
        %gather3A_239 = tpu.vector_load_idx %arg9[%get3A_223, %broadcast_in_dim3A_238] : memref<4x32xf32, #tpu.memory_space<vmem>>[vector<16xi32>, vector<16xi32>], vector<16xf32>,
        tpu.vector_store_idx %arg15[%add3A_217, %broadcast_in_dim3A_238], %gather3A_239 : memref<160x32xf32, #tpu.memory_space<vmem>>[vector<16xi32>, vector<16xi32>], vector<16xf32>,
        %broadcast_in_dim3A_240 = arith.constant 6 : i32
        %broadcast_in_dim3A_241 = vector.broadcast %broadcast_in_dim3A_240 : i32 to vector<16xi32>
        %gather3A_242 = tpu.vector_load_idx %arg9[%get3A_223, %broadcast_in_dim3A_241] : memref<4x32xf32, #tpu.memory_space<vmem>>[vector<16xi32>, vector<16xi32>], vector<16xf32>,
        tpu.vector_store_idx %arg15[%add3A_217, %broadcast_in_dim3A_241], %gather3A_242 : memref<160x32xf32, #tpu.memory_space<vmem>>[vector<16xi32>, vector<16xi32>], vector<16xf32>,
        %broadcast_in_dim3A_243 = arith.constant 7 : i32
        %broadcast_in_dim3A_244 = vector.broadcast %broadcast_in_dim3A_243 : i32 to vector<16xi32>
        %gather3A_245 = tpu.vector_load_idx %arg9[%get3A_223, %broadcast_in_dim3A_244] : memref<4x32xf32, #tpu.memory_space<vmem>>[vector<16xi32>, vector<16xi32>], vector<16xf32>,
        tpu.vector_store_idx %arg15[%add3A_217, %broadcast_in_dim3A_244], %gather3A_245 : memref<160x32xf32, #tpu.memory_space<vmem>>[vector<16xi32>, vector<16xi32>], vector<16xf32>,
        %broadcast_in_dim3A_246 = arith.constant 8 : i32
        %broadcast_in_dim3A_247 = vector.broadcast %broadcast_in_dim3A_246 : i32 to vector<16xi32>
        %gather3A_248 = tpu.vector_load_idx %arg9[%get3A_223, %broadcast_in_dim3A_247] : memref<4x32xf32, #tpu.memory_space<vmem>>[vector<16xi32>, vector<16xi32>], vector<16xf32>,
        tpu.vector_store_idx %arg15[%add3A_217, %broadcast_in_dim3A_247], %gather3A_248 : memref<160x32xf32, #tpu.memory_space<vmem>>[vector<16xi32>, vector<16xi32>], vector<16xf32>,
        %broadcast_in_dim3A_249 = arith.constant 9 : i32
        %broadcast_in_dim3A_250 = vector.broadcast %broadcast_in_dim3A_249 : i32 to vector<16xi32>
        %gather3A_251 = tpu.vector_load_idx %arg9[%get3A_223, %broadcast_in_dim3A_250] : memref<4x32xf32, #tpu.memory_space<vmem>>[vector<16xi32>, vector<16xi32>], vector<16xf32>,
        tpu.vector_store_idx %arg15[%add3A_217, %broadcast_in_dim3A_250], %gather3A_251 : memref<160x32xf32, #tpu.memory_space<vmem>>[vector<16xi32>, vector<16xi32>], vector<16xf32>,
        %broadcast_in_dim3A_252 = arith.constant 10 : i32
        %broadcast_in_dim3A_253 = vector.broadcast %broadcast_in_dim3A_252 : i32 to vector<16xi32>
        %gather3A_254 = tpu.vector_load_idx %arg9[%get3A_223, %broadcast_in_dim3A_253] : memref<4x32xf32, #tpu.memory_space<vmem>>[vector<16xi32>, vector<16xi32>], vector<16xf32>,
        tpu.vector_store_idx %arg15[%add3A_217, %broadcast_in_dim3A_253], %gather3A_254 : memref<160x32xf32, #tpu.memory_space<vmem>>[vector<16xi32>, vector<16xi32>], vector<16xf32>,
        %broadcast_in_dim3A_255 = arith.constant 11 : i32
        %broadcast_in_dim3A_256 = vector.broadcast %broadcast_in_dim3A_255 : i32 to vector<16xi32>
        %gather3A_257 = tpu.vector_load_idx %arg9[%get3A_223, %broadcast_in_dim3A_256] : memref<4x32xf32, #tpu.memory_space<vmem>>[vector<16xi32>, vector<16xi32>], vector<16xf32>,
        tpu.vector_store_idx %arg15[%add3A_217, %broadcast_in_dim3A_256], %gather3A_257 : memref<160x32xf32, #tpu.memory_space<vmem>>[vector<16xi32>, vector<16xi32>], vector<16xf32>,
        %broadcast_in_dim3A_258 = arith.constant 12 : i32
        %broadcast_in_dim3A_259 = vector.broadcast %broadcast_in_dim3A_258 : i32 to vector<16xi32>
        %gather3A_260 = tpu.vector_load_idx %arg9[%get3A_223, %broadcast_in_dim3A_259] : memref<4x32xf32, #tpu.memory_space<vmem>>[vector<16xi32>, vector<16xi32>], vector<16xf32>,
        tpu.vector_store_idx %arg15[%add3A_217, %broadcast_in_dim3A_259], %gather3A_260 : memref<160x32xf32, #tpu.memory_space<vmem>>[vector<16xi32>, vector<16xi32>], vector<16xf32>,
        %broadcast_in_dim3A_261 = arith.constant 13 : i32
        %broadcast_in_dim3A_262 = vector.broadcast %broadcast_in_dim3A_261 : i32 to vector<16xi32>
        %gather3A_263 = tpu.vector_load_idx %arg9[%get3A_223, %broadcast_in_dim3A_262] : memref<4x32xf32, #tpu.memory_space<vmem>>[vector<16xi32>, vector<16xi32>], vector<16xf32>,
        tpu.vector_store_idx %arg15[%add3A_217, %broadcast_in_dim3A_262], %gather3A_263 : memref<160x32xf32, #tpu.memory_space<vmem>>[vector<16xi32>, vector<16xi32>], vector<16xf32>,
        %broadcast_in_dim3A_264 = arith.constant 14 : i32
        %broadcast_in_dim3A_265 = vector.broadcast %broadcast_in_dim3A_264 : i32 to vector<16xi32>
        %gather3A_266 = tpu.vector_load_idx %arg9[%get3A_223, %broadcast_in_dim3A_265] : memref<4x32xf32, #tpu.memory_space<vmem>>[vector<16xi32>, vector<16xi32>], vector<16xf32>,
        tpu.vector_store_idx %arg15[%add3A_217, %broadcast_in_dim3A_265], %gather3A_266 : memref<160x32xf32, #tpu.memory_space<vmem>>[vector<16xi32>, vector<16xi32>], vector<16xf32>,
        %broadcast_in_dim3A_267 = arith.constant 15 : i32
        %broadcast_in_dim3A_268 = vector.broadcast %broadcast_in_dim3A_267 : i32 to vector<16xi32>
        %gather3A_269 = tpu.vector_load_idx %arg9[%get3A_223, %broadcast_in_dim3A_268] : memref<4x32xf32, #tpu.memory_space<vmem>>[vector<16xi32>, vector<16xi32>], vector<16xf32>,
        tpu.vector_store_idx %arg15[%add3A_217, %broadcast_in_dim3A_268], %gather3A_269 : memref<160x32xf32, #tpu.memory_space<vmem>>[vector<16xi32>, vector<16xi32>], vector<16xf32>,
        %broadcast_in_dim3A_270 = arith.constant 16 : i32
        %broadcast_in_dim3A_271 = vector.broadcast %broadcast_in_dim3A_270 : i32 to vector<16xi32>
        %gather3A_272 = tpu.vector_load_idx %arg9[%get3A_223, %broadcast_in_dim3A_271] : memref<4x32xf32, #tpu.memory_space<vmem>>[vector<16xi32>, vector<16xi32>], vector<16xf32>,
        tpu.vector_store_idx %arg15[%add3A_217, %broadcast_in_dim3A_271], %gather3A_272 : memref<160x32xf32, #tpu.memory_space<vmem>>[vector<16xi32>, vector<16xi32>], vector<16xf32>,
        %broadcast_in_dim3A_273 = arith.constant 17 : i32
        %broadcast_in_dim3A_274 = vector.broadcast %broadcast_in_dim3A_273 : i32 to vector<16xi32>
        %gather3A_275 = tpu.vector_load_idx %arg9[%get3A_223, %broadcast_in_dim3A_274] : memref<4x32xf32, #tpu.memory_space<vmem>>[vector<16xi32>, vector<16xi32>], vector<16xf32>,
        tpu.vector_store_idx %arg15[%add3A_217, %broadcast_in_dim3A_274], %gather3A_275 : memref<160x32xf32, #tpu.memory_space<vmem>>[vector<16xi32>, vector<16xi32>], vector<16xf32>,
        %broadcast_in_dim3A_276 = arith.constant 18 : i32
        %broadcast_in_dim3A_277 = vector.broadcast %broadcast_in_dim3A_276 : i32 to vector<16xi32>
        %gather3A_278 = tpu.vector_load_idx %arg9[%get3A_223, %broadcast_in_dim3A_277] : memref<4x32xf32, #tpu.memory_space<vmem>>[vector<16xi32>, vector<16xi32>], vector<16xf32>,
        tpu.vector_store_idx %arg15[%add3A_217, %broadcast_in_dim3A_277], %gather3A_278 : memref<160x32xf32, #tpu.memory_space<vmem>>[vector<16xi32>, vector<16xi32>], vector<16xf32>,
        %broadcast_in_dim3A_279 = arith.constant 19 : i32
        %broadcast_in_dim3A_280 = vector.broadcast %broadcast_in_dim3A_279 : i32 to vector<16xi32>
        %gather3A_281 = tpu.vector_load_idx %arg9[%get3A_223, %broadcast_in_dim3A_280] : memref<4x32xf32, #tpu.memory_space<vmem>>[vector<16xi32>, vector<16xi32>], vector<16xf32>,
        tpu.vector_store_idx %arg15[%add3A_217, %broadcast_in_dim3A_280], %gather3A_281 : memref<160x32xf32, #tpu.memory_space<vmem>>[vector<16xi32>, vector<16xi32>], vector<16xf32>,
        %broadcast_in_dim3A_282 = arith.constant 20 : i32
        %broadcast_in_dim3A_283 = vector.broadcast %broadcast_in_dim3A_282 : i32 to vector<16xi32>
        %gather3A_284 = tpu.vector_load_idx %arg9[%get3A_223, %broadcast_in_dim3A_283] : memref<4x32xf32, #tpu.memory_space<vmem>>[vector<16xi32>, vector<16xi32>], vector<16xf32>,
        tpu.vector_store_idx %arg15[%add3A_217, %broadcast_in_dim3A_283], %gather3A_284 : memref<160x32xf32, #tpu.memory_space<vmem>>[vector<16xi32>, vector<16xi32>], vector<16xf32>,
        %broadcast_in_dim3A_285 = arith.constant 21 : i32
        %broadcast_in_dim3A_286 = vector.broadcast %broadcast_in_dim3A_285 : i32 to vector<16xi32>
        %gather3A_287 = tpu.vector_load_idx %arg9[%get3A_223, %broadcast_in_dim3A_286] : memref<4x32xf32, #tpu.memory_space<vmem>>[vector<16xi32>, vector<16xi32>], vector<16xf32>,
        tpu.vector_store_idx %arg15[%add3A_217, %broadcast_in_dim3A_286], %gather3A_287 : memref<160x32xf32, #tpu.memory_space<vmem>>[vector<16xi32>, vector<16xi32>], vector<16xf32>,
        %broadcast_in_dim3A_288 = arith.constant 22 : i32
        %broadcast_in_dim3A_289 = vector.broadcast %broadcast_in_dim3A_288 : i32 to vector<16xi32>
        %gather3A_290 = tpu.vector_load_idx %arg9[%get3A_223, %broadcast_in_dim3A_289] : memref<4x32xf32, #tpu.memory_space<vmem>>[vector<16xi32>, vector<16xi32>], vector<16xf32>,
        tpu.vector_store_idx %arg15[%add3A_217, %broadcast_in_dim3A_289], %gather3A_290 : memref<160x32xf32, #tpu.memory_space<vmem>>[vector<16xi32>, vector<16xi32>], vector<16xf32>,
        %broadcast_in_dim3A_291 = arith.constant 23 : i32
        %broadcast_in_dim3A_292 = vector.broadcast %broadcast_in_dim3A_291 : i32 to vector<16xi32>
        %gather3A_293 = tpu.vector_load_idx %arg9[%get3A_223, %broadcast_in_dim3A_292] : memref<4x32xf32, #tpu.memory_space<vmem>>[vector<16xi32>, vector<16xi32>], vector<16xf32>,
        tpu.vector_store_idx %arg15[%add3A_217, %broadcast_in_dim3A_292], %gather3A_293 : memref<160x32xf32, #tpu.memory_space<vmem>>[vector<16xi32>, vector<16xi32>], vector<16xf32>,
        %broadcast_in_dim3A_294 = arith.constant 24 : i32
        %broadcast_in_dim3A_295 = vector.broadcast %broadcast_in_dim3A_294 : i32 to vector<16xi32>
        %gather3A_296 = tpu.vector_load_idx %arg9[%get3A_223, %broadcast_in_dim3A_295] : memref<4x32xf32, #tpu.memory_space<vmem>>[vector<16xi32>, vector<16xi32>], vector<16xf32>,
        tpu.vector_store_idx %arg15[%add3A_217, %broadcast_in_dim3A_295], %gather3A_296 : memref<160x32xf32, #tpu.memory_space<vmem>>[vector<16xi32>, vector<16xi32>], vector<16xf32>,
        %broadcast_in_dim3A_297 = arith.constant 25 : i32
        %broadcast_in_dim3A_298 = vector.broadcast %broadcast_in_dim3A_297 : i32 to vector<16xi32>
        %gather3A_299 = tpu.vector_load_idx %arg9[%get3A_223, %broadcast_in_dim3A_298] : memref<4x32xf32, #tpu.memory_space<vmem>>[vector<16xi32>, vector<16xi32>], vector<16xf32>,
        tpu.vector_store_idx %arg15[%add3A_217, %broadcast_in_dim3A_298], %gather3A_299 : memref<160x32xf32, #tpu.memory_space<vmem>>[vector<16xi32>, vector<16xi32>], vector<16xf32>,
        %broadcast_in_dim3A_300 = arith.constant 26 : i32
        %broadcast_in_dim3A_301 = vector.broadcast %broadcast_in_dim3A_300 : i32 to vector<16xi32>
        %gather3A_302 = tpu.vector_load_idx %arg9[%get3A_223, %broadcast_in_dim3A_301] : memref<4x32xf32, #tpu.memory_space<vmem>>[vector<16xi32>, vector<16xi32>], vector<16xf32>,
        tpu.vector_store_idx %arg15[%add3A_217, %broadcast_in_dim3A_301], %gather3A_302 : memref<160x32xf32, #tpu.memory_space<vmem>>[vector<16xi32>, vector<16xi32>], vector<16xf32>,
        %broadcast_in_dim3A_303 = arith.constant 27 : i32
        %broadcast_in_dim3A_304 = vector.broadcast %broadcast_in_dim3A_303 : i32 to vector<16xi32>
        %gather3A_305 = tpu.vector_load_idx %arg9[%get3A_223, %broadcast_in_dim3A_304] : memref<4x32xf32, #tpu.memory_space<vmem>>[vector<16xi32>, vector<16xi32>], vector<16xf32>,
        tpu.vector_store_idx %arg15[%add3A_217, %broadcast_in_dim3A_304], %gather3A_305 : memref<160x32xf32, #tpu.memory_space<vmem>>[vector<16xi32>, vector<16xi32>], vector<16xf32>,
        %broadcast_in_dim3A_306 = arith.constant 28 : i32
        %broadcast_in_dim3A_307 = vector.broadcast %broadcast_in_dim3A_306 : i32 to vector<16xi32>
        %gather3A_308 = tpu.vector_load_idx %arg9[%get3A_223, %broadcast_in_dim3A_307] : memref<4x32xf32, #tpu.memory_space<vmem>>[vector<16xi32>, vector<16xi32>], vector<16xf32>,
        tpu.vector_store_idx %arg15[%add3A_217, %broadcast_in_dim3A_307], %gather3A_308 : memref<160x32xf32, #tpu.memory_space<vmem>>[vector<16xi32>, vector<16xi32>], vector<16xf32>,
        %broadcast_in_dim3A_309 = arith.constant 29 : i32
        %broadcast_in_dim3A_310 = vector.broadcast %broadcast_in_dim3A_309 : i32 to vector<16xi32>
        %gather3A_311 = tpu.vector_load_idx %arg9[%get3A_223, %broadcast_in_dim3A_310] : memref<4x32xf32, #tpu.memory_space<vmem>>[vector<16xi32>, vector<16xi32>], vector<16xf32>,
        tpu.vector_store_idx %arg15[%add3A_217, %broadcast_in_dim3A_310], %gather3A_311 : memref<160x32xf32, #tpu.memory_space<vmem>>[vector<16xi32>, vector<16xi32>], vector<16xf32>,
        %broadcast_in_dim3A_312 = arith.constant 30 : i32
        %broadcast_in_dim3A_313 = vector.broadcast %broadcast_in_dim3A_312 : i32 to vector<16xi32>
        %gather3A_314 = tpu.vector_load_idx %arg9[%get3A_223, %broadcast_in_dim3A_313] : memref<4x32xf32, #tpu.memory_space<vmem>>[vector<16xi32>, vector<16xi32>], vector<16xf32>,
        tpu.vector_store_idx %arg15[%add3A_217, %broadcast_in_dim3A_313], %gather3A_314 : memref<160x32xf32, #tpu.memory_space<vmem>>[vector<16xi32>, vector<16xi32>], vector<16xf32>,
        %broadcast_in_dim3A_315 = arith.constant 31 : i32
        %broadcast_in_dim3A_316 = vector.broadcast %broadcast_in_dim3A_315 : i32 to vector<16xi32>
        %gather3A_317 = tpu.vector_load_idx %arg9[%get3A_223, %broadcast_in_dim3A_316] : memref<4x32xf32, #tpu.memory_space<vmem>>[vector<16xi32>, vector<16xi32>], vector<16xf32>,
        tpu.vector_store_idx %arg15[%add3A_217, %broadcast_in_dim3A_316], %gather3A_317 : memref<160x32xf32, #tpu.memory_space<vmem>>[vector<16xi32>, vector<16xi32>], vector<16xf32>,
      }
      %scan3A_128 = arith.constant 10 : i32
      %dma_wait3A_129 = arith.constant 0 : i32
      %dma_wait3A_130 = arith.constant 0 : i32
      %dma_wait3A_131 = tpu.memref_slice %arg6[%dma_wait3A_129, %dma_wait3A_130] : memref<204800x160xf32, #tpu.memory_space<hbm>> -> memref<160x128xf32, #tpu.memory_space<hbm>>
      %dma_wait3A_132 = arith.constant 0 : i32
      %dma_wait3A_133 = arith.constant 0 : i32
      %dma_wait3A_134 = tpu.memref_slice %arg6[%dma_wait3A_132, %dma_wait3A_133] : memref<204800x160xf32, #tpu.memory_space<hbm>> -> memref<160x128xf32, #tpu.memory_space<hbm>>
      tpu.wait_dma2 semaphore(%arg19 : memref<!tpu.dma_semaphore, #tpu.memory_space<semaphore_mem>>) src(%dma_wait3A_134 : memref<160x128xf32, #tpu.memory_space<hbm>>) dst(%arg11 : memref<160x128xf32, #tpu.memory_space<vmem>>)
      %mul3A_135 = arith.constant 160 : i32
      %mul3A_136 = arith.muli %add3A_109, %mul3A_135 : i32
      %add3A_137 = arith.addi %mul3A_2, %mul3A_136 : i32
      %dma_start3A_138 = arith.constant 0 : i32
      %dma_start3A_139 = tpu.memref_slice %arg6[%add3A_137, %dma_start3A_138] : memref<204800x160xf32, #tpu.memory_space<hbm>> -> memref<160x128xf32, #tpu.memory_space<hbm>>
      %dma_start3A_140 = arith.constant 0 : i32
      %dma_start3A_141 = tpu.memref_slice %arg6[%add3A_137, %dma_start3A_140] : memref<204800x160xf32, #tpu.memory_space<hbm>> -> memref<160x128xf32, #tpu.memory_space<hbm>>
      tpu.enqueue_dma source(%arg11 : memref<160x128xf32, #tpu.memory_space<vmem>>) target(%dma_start3A_141 : memref<160x128xf32, #tpu.memory_space<hbm>>) target_semaphore(%arg23 : memref<!tpu.dma_semaphore, #tpu.memory_space<semaphore_mem>>)
      %dma_start3A_142 = arith.constant 128 : i32
      %dma_start3A_143 = tpu.memref_slice %arg6[%add3A_137, %dma_start3A_142] : memref<204800x160xf32, #tpu.memory_space<hbm>> -> memref<160x32xf32, #tpu.memory_space<hbm>>
      %dma_start3A_144 = arith.constant 128 : i32
      %dma_start3A_145 = tpu.memref_slice %arg6[%add3A_137, %dma_start3A_144] : memref<204800x160xf32, #tpu.memory_space<hbm>> -> memref<160x32xf32, #tpu.memory_space<hbm>>
      tpu.enqueue_dma source(%arg15 : memref<160x32xf32, #tpu.memory_space<vmem>>) target(%dma_start3A_145 : memref<160x32xf32, #tpu.memory_space<hbm>>) target_semaphore(%arg23 : memref<!tpu.dma_semaphore, #tpu.memory_space<semaphore_mem>>)
      %mul3A_146 = arith.constant 4 : i32
      %mul3A_147 = arith.muli %mul3A_146, %scan3A_68 : i32
      %add3A_148 = arith.constant 2 : i32
      %add3A_149 = arith.addi %mul3A_147, %add3A_148 : i32
      %add3A_150 = arith.constant 2 : i32
      %add3A_151 = arith.addi %add3A_149, %add3A_150 : i32
      %lt3A = arith.constant 40 : i32
      %lt3A_152 = arith.cmpi slt, %add3A_151, %lt3A : i32
      %convert_element_type3A_153 = arith.extui %lt3A_152 : i1 to i32
      %cond3A_154 = arith.constant 0 : i32
      %cond3A_155 = arith.cmpi ne, %convert_element_type3A_153, %cond3A_154 : i32
      scf.if %cond3A_155 {
        %ge3A_213 = arith.constant 4 : i32
        %ge3A_214 = arith.cmpi sge, %add3A_151, %ge3A_213 : i32
        %convert_element_type3A_215 = arith.extui %ge3A_214 : i1 to i32
        %cond3A_216 = arith.constant 0 : i32
        %cond3A_217 = arith.cmpi ne, %convert_element_type3A_215, %cond3A_216 : i32
        scf.if %cond3A_217 {
          %dma_wait3A_224 = arith.constant 0 : i32
          %dma_wait3A_225 = arith.constant 0 : i32
          %dma_wait3A_226 = tpu.memref_slice %arg6[%dma_wait3A_224, %dma_wait3A_225] : memref<204800x160xf32, #tpu.memory_space<hbm>> -> memref<160x128xf32, #tpu.memory_space<hbm>>
          %dma_wait3A_227 = arith.constant 0 : i32
          %dma_wait3A_228 = arith.constant 0 : i32
          %dma_wait3A_229 = tpu.memref_slice %arg6[%dma_wait3A_227, %dma_wait3A_228] : memref<204800x160xf32, #tpu.memory_space<hbm>> -> memref<160x128xf32, #tpu.memory_space<hbm>>
          tpu.wait_dma2 semaphore(%arg22 : memref<!tpu.dma_semaphore, #tpu.memory_space<semaphore_mem>>) src(%arg10 : memref<160x128xf32, #tpu.memory_space<vmem>>) dst(%dma_wait3A_229 : memref<160x128xf32, #tpu.memory_space<hbm>>)
          %dma_wait3A_230 = arith.constant 0 : i32
          %dma_wait3A_231 = arith.constant 128 : i32
          %dma_wait3A_232 = tpu.memref_slice %arg6[%dma_wait3A_230, %dma_wait3A_231] : memref<204800x160xf32, #tpu.memory_space<hbm>> -> memref<160x32xf32, #tpu.memory_space<hbm>>
          %dma_wait3A_233 = arith.constant 0 : i32
          %dma_wait3A_234 = arith.constant 128 : i32
          %dma_wait3A_235 = tpu.memref_slice %arg6[%dma_wait3A_233, %dma_wait3A_234] : memref<204800x160xf32, #tpu.memory_space<hbm>> -> memref<160x32xf32, #tpu.memory_space<hbm>>
          tpu.wait_dma2 semaphore(%arg22 : memref<!tpu.dma_semaphore, #tpu.memory_space<semaphore_mem>>) src(%arg14 : memref<160x32xf32, #tpu.memory_space<vmem>>) dst(%dma_wait3A_235 : memref<160x32xf32, #tpu.memory_space<hbm>>)
        } else {
        }
        %dma_start3A_218 = arith.constant 0 : i32
        %dma_start3A_219 = tpu.memref_slice %arg7[%add3A_151, %dma_start3A_218] : memref<40x160xi32, #tpu.memory_space<vmem>> -> memref<1x160xi32, #tpu.memory_space<vmem>>
        %dma_start3A_220 = tpu.memref_squeeze %dma_start3A_219 : memref<1x160xi32, #tpu.memory_space<vmem>> -> memref<160xi32, #tpu.memory_space<vmem>>
        %dma_start3A_221 = arith.constant 0 : i32
        %dma_start3A_222 = arith.constant 0 : i32
        %dma_start3A_223 = tpu.memref_slice %arg4[%dma_start3A_221, %dma_start3A_222] : memref<100000x128xf32, #tpu.memory_space<hbm>> -> memref<100000x128xf32, #tpu.memory_space<hbm>>
        tpu.enqueue_indirect_dma source(%dma_start3A_223 : memref<100000x128xf32, #tpu.memory_space<hbm>>) target(%arg10 : memref<160x128xf32, #tpu.memory_space<vmem>>) offsets(%dma_start3A_220 : memref<160xi32, #tpu.memory_space<vmem>>) semaphore(%arg18 : memref<!tpu.dma_semaphore, #tpu.memory_space<semaphore_mem>>)
      } else {
      }
      %scan3A_156 = arith.constant 0 : i32
      %scan3A_157 = arith.constant 0 : i32
      %scan3A_158 = arith.constant 10 : i32
      %scan3A_159 = arith.addi %scan3A_157, %scan3A_158 : i32
      %scan3A_160 = arith.constant 1 : i32
      scf.for %scan3A_213 = %scan3A_157 to %scan3A_159 step %scan3A_160  : i32 {
        %mul3A_214 = arith.constant 16 : i32
        %mul3A_215 = arith.muli %scan3A_213, %mul3A_214 : i32
        %add3A_216 = vector.broadcast %mul3A_215 : i32 to vector<16xi32>
        %add3A_217 = arith.addi %add3A_216, %iota3A : vector<16xi32>
        %mul3A_218 = arith.constant 16 : i32
        %mul3A_219 = arith.muli %scan3A_213, %mul3A_218 : i32
        %get3A = arith.constant 0 : i32
        %get3A_220 = tpu.memref_slice %arg8[%add3A_149, %get3A] : memref<40x160xi32, #tpu.memory_space<vmem>> -> memref<1x160xi32, #tpu.memory_space<vmem>>
        %get3A_221 = tpu.memref_squeeze %get3A_220 : memref<1x160xi32, #tpu.memory_space<vmem>> -> memref<160xi32, #tpu.memory_space<vmem>>
        %get3A_222 = arith.index_cast %mul3A_219 : i32 to index
        %get3A_223 = tpu.vector_load %get3A_221[%get3A_222] {strides = array<i32>} : memref<160xi32, #tpu.memory_space<vmem>>, vector<16xi32>,
        %broadcast_in_dim3A = arith.constant 0 : i32
        %broadcast_in_dim3A_224 = vector.broadcast %broadcast_in_dim3A : i32 to vector<16xi32>
        %gather3A = tpu.vector_load_idx %arg9[%get3A_223, %broadcast_in_dim3A_224] : memref<4x32xf32, #tpu.memory_space<vmem>>[vector<16xi32>, vector<16xi32>], vector<16xf32>,
        tpu.vector_store_idx %arg16[%add3A_217, %broadcast_in_dim3A_224], %gather3A : memref<160x32xf32, #tpu.memory_space<vmem>>[vector<16xi32>, vector<16xi32>], vector<16xf32>,
        %broadcast_in_dim3A_225 = arith.constant 1 : i32
        %broadcast_in_dim3A_226 = vector.broadcast %broadcast_in_dim3A_225 : i32 to vector<16xi32>
        %gather3A_227 = tpu.vector_load_idx %arg9[%get3A_223, %broadcast_in_dim3A_226] : memref<4x32xf32, #tpu.memory_space<vmem>>[vector<16xi32>, vector<16xi32>], vector<16xf32>,
        tpu.vector_store_idx %arg16[%add3A_217, %broadcast_in_dim3A_226], %gather3A_227 : memref<160x32xf32, #tpu.memory_space<vmem>>[vector<16xi32>, vector<16xi32>], vector<16xf32>,
        %broadcast_in_dim3A_228 = arith.constant 2 : i32
        %broadcast_in_dim3A_229 = vector.broadcast %broadcast_in_dim3A_228 : i32 to vector<16xi32>
        %gather3A_230 = tpu.vector_load_idx %arg9[%get3A_223, %broadcast_in_dim3A_229] : memref<4x32xf32, #tpu.memory_space<vmem>>[vector<16xi32>, vector<16xi32>], vector<16xf32>,
        tpu.vector_store_idx %arg16[%add3A_217, %broadcast_in_dim3A_229], %gather3A_230 : memref<160x32xf32, #tpu.memory_space<vmem>>[vector<16xi32>, vector<16xi32>], vector<16xf32>,
        %broadcast_in_dim3A_231 = arith.constant 3 : i32
        %broadcast_in_dim3A_232 = vector.broadcast %broadcast_in_dim3A_231 : i32 to vector<16xi32>
        %gather3A_233 = tpu.vector_load_idx %arg9[%get3A_223, %broadcast_in_dim3A_232] : memref<4x32xf32, #tpu.memory_space<vmem>>[vector<16xi32>, vector<16xi32>], vector<16xf32>,
        tpu.vector_store_idx %arg16[%add3A_217, %broadcast_in_dim3A_232], %gather3A_233 : memref<160x32xf32, #tpu.memory_space<vmem>>[vector<16xi32>, vector<16xi32>], vector<16xf32>,
        %broadcast_in_dim3A_234 = arith.constant 4 : i32
        %broadcast_in_dim3A_235 = vector.broadcast %broadcast_in_dim3A_234 : i32 to vector<16xi32>
        %gather3A_236 = tpu.vector_load_idx %arg9[%get3A_223, %broadcast_in_dim3A_235] : memref<4x32xf32, #tpu.memory_space<vmem>>[vector<16xi32>, vector<16xi32>], vector<16xf32>,
        tpu.vector_store_idx %arg16[%add3A_217, %broadcast_in_dim3A_235], %gather3A_236 : memref<160x32xf32, #tpu.memory_space<vmem>>[vector<16xi32>, vector<16xi32>], vector<16xf32>,
        %broadcast_in_dim3A_237 = arith.constant 5 : i32
        %broadcast_in_dim3A_238 = vector.broadcast %broadcast_in_dim3A_237 : i32 to vector<16xi32>
        %gather3A_239 = tpu.vector_load_idx %arg9[%get3A_223, %broadcast_in_dim3A_238] : memref<4x32xf32, #tpu.memory_space<vmem>>[vector<16xi32>, vector<16xi32>], vector<16xf32>,
        tpu.vector_store_idx %arg16[%add3A_217, %broadcast_in_dim3A_238], %gather3A_239 : memref<160x32xf32, #tpu.memory_space<vmem>>[vector<16xi32>, vector<16xi32>], vector<16xf32>,
        %broadcast_in_dim3A_240 = arith.constant 6 : i32
        %broadcast_in_dim3A_241 = vector.broadcast %broadcast_in_dim3A_240 : i32 to vector<16xi32>
        %gather3A_242 = tpu.vector_load_idx %arg9[%get3A_223, %broadcast_in_dim3A_241] : memref<4x32xf32, #tpu.memory_space<vmem>>[vector<16xi32>, vector<16xi32>], vector<16xf32>,
        tpu.vector_store_idx %arg16[%add3A_217, %broadcast_in_dim3A_241], %gather3A_242 : memref<160x32xf32, #tpu.memory_space<vmem>>[vector<16xi32>, vector<16xi32>], vector<16xf32>,
        %broadcast_in_dim3A_243 = arith.constant 7 : i32
        %broadcast_in_dim3A_244 = vector.broadcast %broadcast_in_dim3A_243 : i32 to vector<16xi32>
        %gather3A_245 = tpu.vector_load_idx %arg9[%get3A_223, %broadcast_in_dim3A_244] : memref<4x32xf32, #tpu.memory_space<vmem>>[vector<16xi32>, vector<16xi32>], vector<16xf32>,
        tpu.vector_store_idx %arg16[%add3A_217, %broadcast_in_dim3A_244], %gather3A_245 : memref<160x32xf32, #tpu.memory_space<vmem>>[vector<16xi32>, vector<16xi32>], vector<16xf32>,
        %broadcast_in_dim3A_246 = arith.constant 8 : i32
        %broadcast_in_dim3A_247 = vector.broadcast %broadcast_in_dim3A_246 : i32 to vector<16xi32>
        %gather3A_248 = tpu.vector_load_idx %arg9[%get3A_223, %broadcast_in_dim3A_247] : memref<4x32xf32, #tpu.memory_space<vmem>>[vector<16xi32>, vector<16xi32>], vector<16xf32>,
        tpu.vector_store_idx %arg16[%add3A_217, %broadcast_in_dim3A_247], %gather3A_248 : memref<160x32xf32, #tpu.memory_space<vmem>>[vector<16xi32>, vector<16xi32>], vector<16xf32>,
        %broadcast_in_dim3A_249 = arith.constant 9 : i32
        %broadcast_in_dim3A_250 = vector.broadcast %broadcast_in_dim3A_249 : i32 to vector<16xi32>
        %gather3A_251 = tpu.vector_load_idx %arg9[%get3A_223, %broadcast_in_dim3A_250] : memref<4x32xf32, #tpu.memory_space<vmem>>[vector<16xi32>, vector<16xi32>], vector<16xf32>,
        tpu.vector_store_idx %arg16[%add3A_217, %broadcast_in_dim3A_250], %gather3A_251 : memref<160x32xf32, #tpu.memory_space<vmem>>[vector<16xi32>, vector<16xi32>], vector<16xf32>,
        %broadcast_in_dim3A_252 = arith.constant 10 : i32
        %broadcast_in_dim3A_253 = vector.broadcast %broadcast_in_dim3A_252 : i32 to vector<16xi32>
        %gather3A_254 = tpu.vector_load_idx %arg9[%get3A_223, %broadcast_in_dim3A_253] : memref<4x32xf32, #tpu.memory_space<vmem>>[vector<16xi32>, vector<16xi32>], vector<16xf32>,
        tpu.vector_store_idx %arg16[%add3A_217, %broadcast_in_dim3A_253], %gather3A_254 : memref<160x32xf32, #tpu.memory_space<vmem>>[vector<16xi32>, vector<16xi32>], vector<16xf32>,
        %broadcast_in_dim3A_255 = arith.constant 11 : i32
        %broadcast_in_dim3A_256 = vector.broadcast %broadcast_in_dim3A_255 : i32 to vector<16xi32>
        %gather3A_257 = tpu.vector_load_idx %arg9[%get3A_223, %broadcast_in_dim3A_256] : memref<4x32xf32, #tpu.memory_space<vmem>>[vector<16xi32>, vector<16xi32>], vector<16xf32>,
        tpu.vector_store_idx %arg16[%add3A_217, %broadcast_in_dim3A_256], %gather3A_257 : memref<160x32xf32, #tpu.memory_space<vmem>>[vector<16xi32>, vector<16xi32>], vector<16xf32>,
        %broadcast_in_dim3A_258 = arith.constant 12 : i32
        %broadcast_in_dim3A_259 = vector.broadcast %broadcast_in_dim3A_258 : i32 to vector<16xi32>
        %gather3A_260 = tpu.vector_load_idx %arg9[%get3A_223, %broadcast_in_dim3A_259] : memref<4x32xf32, #tpu.memory_space<vmem>>[vector<16xi32>, vector<16xi32>], vector<16xf32>,
        tpu.vector_store_idx %arg16[%add3A_217, %broadcast_in_dim3A_259], %gather3A_260 : memref<160x32xf32, #tpu.memory_space<vmem>>[vector<16xi32>, vector<16xi32>], vector<16xf32>,
        %broadcast_in_dim3A_261 = arith.constant 13 : i32
        %broadcast_in_dim3A_262 = vector.broadcast %broadcast_in_dim3A_261 : i32 to vector<16xi32>
        %gather3A_263 = tpu.vector_load_idx %arg9[%get3A_223, %broadcast_in_dim3A_262] : memref<4x32xf32, #tpu.memory_space<vmem>>[vector<16xi32>, vector<16xi32>], vector<16xf32>,
        tpu.vector_store_idx %arg16[%add3A_217, %broadcast_in_dim3A_262], %gather3A_263 : memref<160x32xf32, #tpu.memory_space<vmem>>[vector<16xi32>, vector<16xi32>], vector<16xf32>,
        %broadcast_in_dim3A_264 = arith.constant 14 : i32
        %broadcast_in_dim3A_265 = vector.broadcast %broadcast_in_dim3A_264 : i32 to vector<16xi32>
        %gather3A_266 = tpu.vector_load_idx %arg9[%get3A_223, %broadcast_in_dim3A_265] : memref<4x32xf32, #tpu.memory_space<vmem>>[vector<16xi32>, vector<16xi32>], vector<16xf32>,
        tpu.vector_store_idx %arg16[%add3A_217, %broadcast_in_dim3A_265], %gather3A_266 : memref<160x32xf32, #tpu.memory_space<vmem>>[vector<16xi32>, vector<16xi32>], vector<16xf32>,
        %broadcast_in_dim3A_267 = arith.constant 15 : i32
        %broadcast_in_dim3A_268 = vector.broadcast %broadcast_in_dim3A_267 : i32 to vector<16xi32>
        %gather3A_269 = tpu.vector_load_idx %arg9[%get3A_223, %broadcast_in_dim3A_268] : memref<4x32xf32, #tpu.memory_space<vmem>>[vector<16xi32>, vector<16xi32>], vector<16xf32>,
        tpu.vector_store_idx %arg16[%add3A_217, %broadcast_in_dim3A_268], %gather3A_269 : memref<160x32xf32, #tpu.memory_space<vmem>>[vector<16xi32>, vector<16xi32>], vector<16xf32>,
        %broadcast_in_dim3A_270 = arith.constant 16 : i32
        %broadcast_in_dim3A_271 = vector.broadcast %broadcast_in_dim3A_270 : i32 to vector<16xi32>
        %gather3A_272 = tpu.vector_load_idx %arg9[%get3A_223, %broadcast_in_dim3A_271] : memref<4x32xf32, #tpu.memory_space<vmem>>[vector<16xi32>, vector<16xi32>], vector<16xf32>,
        tpu.vector_store_idx %arg16[%add3A_217, %broadcast_in_dim3A_271], %gather3A_272 : memref<160x32xf32, #tpu.memory_space<vmem>>[vector<16xi32>, vector<16xi32>], vector<16xf32>,
        %broadcast_in_dim3A_273 = arith.constant 17 : i32
        %broadcast_in_dim3A_274 = vector.broadcast %broadcast_in_dim3A_273 : i32 to vector<16xi32>
        %gather3A_275 = tpu.vector_load_idx %arg9[%get3A_223, %broadcast_in_dim3A_274] : memref<4x32xf32, #tpu.memory_space<vmem>>[vector<16xi32>, vector<16xi32>], vector<16xf32>,
        tpu.vector_store_idx %arg16[%add3A_217, %broadcast_in_dim3A_274], %gather3A_275 : memref<160x32xf32, #tpu.memory_space<vmem>>[vector<16xi32>, vector<16xi32>], vector<16xf32>,
        %broadcast_in_dim3A_276 = arith.constant 18 : i32
        %broadcast_in_dim3A_277 = vector.broadcast %broadcast_in_dim3A_276 : i32 to vector<16xi32>
        %gather3A_278 = tpu.vector_load_idx %arg9[%get3A_223, %broadcast_in_dim3A_277] : memref<4x32xf32, #tpu.memory_space<vmem>>[vector<16xi32>, vector<16xi32>], vector<16xf32>,
        tpu.vector_store_idx %arg16[%add3A_217, %broadcast_in_dim3A_277], %gather3A_278 : memref<160x32xf32, #tpu.memory_space<vmem>>[vector<16xi32>, vector<16xi32>], vector<16xf32>,
        %broadcast_in_dim3A_279 = arith.constant 19 : i32
        %broadcast_in_dim3A_280 = vector.broadcast %broadcast_in_dim3A_279 : i32 to vector<16xi32>
        %gather3A_281 = tpu.vector_load_idx %arg9[%get3A_223, %broadcast_in_dim3A_280] : memref<4x32xf32, #tpu.memory_space<vmem>>[vector<16xi32>, vector<16xi32>], vector<16xf32>,
        tpu.vector_store_idx %arg16[%add3A_217, %broadcast_in_dim3A_280], %gather3A_281 : memref<160x32xf32, #tpu.memory_space<vmem>>[vector<16xi32>, vector<16xi32>], vector<16xf32>,
        %broadcast_in_dim3A_282 = arith.constant 20 : i32
        %broadcast_in_dim3A_283 = vector.broadcast %broadcast_in_dim3A_282 : i32 to vector<16xi32>
        %gather3A_284 = tpu.vector_load_idx %arg9[%get3A_223, %broadcast_in_dim3A_283] : memref<4x32xf32, #tpu.memory_space<vmem>>[vector<16xi32>, vector<16xi32>], vector<16xf32>,
        tpu.vector_store_idx %arg16[%add3A_217, %broadcast_in_dim3A_283], %gather3A_284 : memref<160x32xf32, #tpu.memory_space<vmem>>[vector<16xi32>, vector<16xi32>], vector<16xf32>,
        %broadcast_in_dim3A_285 = arith.constant 21 : i32
        %broadcast_in_dim3A_286 = vector.broadcast %broadcast_in_dim3A_285 : i32 to vector<16xi32>
        %gather3A_287 = tpu.vector_load_idx %arg9[%get3A_223, %broadcast_in_dim3A_286] : memref<4x32xf32, #tpu.memory_space<vmem>>[vector<16xi32>, vector<16xi32>], vector<16xf32>,
        tpu.vector_store_idx %arg16[%add3A_217, %broadcast_in_dim3A_286], %gather3A_287 : memref<160x32xf32, #tpu.memory_space<vmem>>[vector<16xi32>, vector<16xi32>], vector<16xf32>,
        %broadcast_in_dim3A_288 = arith.constant 22 : i32
        %broadcast_in_dim3A_289 = vector.broadcast %broadcast_in_dim3A_288 : i32 to vector<16xi32>
        %gather3A_290 = tpu.vector_load_idx %arg9[%get3A_223, %broadcast_in_dim3A_289] : memref<4x32xf32, #tpu.memory_space<vmem>>[vector<16xi32>, vector<16xi32>], vector<16xf32>,
        tpu.vector_store_idx %arg16[%add3A_217, %broadcast_in_dim3A_289], %gather3A_290 : memref<160x32xf32, #tpu.memory_space<vmem>>[vector<16xi32>, vector<16xi32>], vector<16xf32>,
        %broadcast_in_dim3A_291 = arith.constant 23 : i32
        %broadcast_in_dim3A_292 = vector.broadcast %broadcast_in_dim3A_291 : i32 to vector<16xi32>
        %gather3A_293 = tpu.vector_load_idx %arg9[%get3A_223, %broadcast_in_dim3A_292] : memref<4x32xf32, #tpu.memory_space<vmem>>[vector<16xi32>, vector<16xi32>], vector<16xf32>,
        tpu.vector_store_idx %arg16[%add3A_217, %broadcast_in_dim3A_292], %gather3A_293 : memref<160x32xf32, #tpu.memory_space<vmem>>[vector<16xi32>, vector<16xi32>], vector<16xf32>,
        %broadcast_in_dim3A_294 = arith.constant 24 : i32
        %broadcast_in_dim3A_295 = vector.broadcast %broadcast_in_dim3A_294 : i32 to vector<16xi32>
        %gather3A_296 = tpu.vector_load_idx %arg9[%get3A_223, %broadcast_in_dim3A_295] : memref<4x32xf32, #tpu.memory_space<vmem>>[vector<16xi32>, vector<16xi32>], vector<16xf32>,
        tpu.vector_store_idx %arg16[%add3A_217, %broadcast_in_dim3A_295], %gather3A_296 : memref<160x32xf32, #tpu.memory_space<vmem>>[vector<16xi32>, vector<16xi32>], vector<16xf32>,
        %broadcast_in_dim3A_297 = arith.constant 25 : i32
        %broadcast_in_dim3A_298 = vector.broadcast %broadcast_in_dim3A_297 : i32 to vector<16xi32>
        %gather3A_299 = tpu.vector_load_idx %arg9[%get3A_223, %broadcast_in_dim3A_298] : memref<4x32xf32, #tpu.memory_space<vmem>>[vector<16xi32>, vector<16xi32>], vector<16xf32>,
        tpu.vector_store_idx %arg16[%add3A_217, %broadcast_in_dim3A_298], %gather3A_299 : memref<160x32xf32, #tpu.memory_space<vmem>>[vector<16xi32>, vector<16xi32>], vector<16xf32>,
        %broadcast_in_dim3A_300 = arith.constant 26 : i32
        %broadcast_in_dim3A_301 = vector.broadcast %broadcast_in_dim3A_300 : i32 to vector<16xi32>
        %gather3A_302 = tpu.vector_load_idx %arg9[%get3A_223, %broadcast_in_dim3A_301] : memref<4x32xf32, #tpu.memory_space<vmem>>[vector<16xi32>, vector<16xi32>], vector<16xf32>,
        tpu.vector_store_idx %arg16[%add3A_217, %broadcast_in_dim3A_301], %gather3A_302 : memref<160x32xf32, #tpu.memory_space<vmem>>[vector<16xi32>, vector<16xi32>], vector<16xf32>,
        %broadcast_in_dim3A_303 = arith.constant 27 : i32
        %broadcast_in_dim3A_304 = vector.broadcast %broadcast_in_dim3A_303 : i32 to vector<16xi32>
        %gather3A_305 = tpu.vector_load_idx %arg9[%get3A_223, %broadcast_in_dim3A_304] : memref<4x32xf32, #tpu.memory_space<vmem>>[vector<16xi32>, vector<16xi32>], vector<16xf32>,
        tpu.vector_store_idx %arg16[%add3A_217, %broadcast_in_dim3A_304], %gather3A_305 : memref<160x32xf32, #tpu.memory_space<vmem>>[vector<16xi32>, vector<16xi32>], vector<16xf32>,
        %broadcast_in_dim3A_306 = arith.constant 28 : i32
        %broadcast_in_dim3A_307 = vector.broadcast %broadcast_in_dim3A_306 : i32 to vector<16xi32>
        %gather3A_308 = tpu.vector_load_idx %arg9[%get3A_223, %broadcast_in_dim3A_307] : memref<4x32xf32, #tpu.memory_space<vmem>>[vector<16xi32>, vector<16xi32>], vector<16xf32>,
        tpu.vector_store_idx %arg16[%add3A_217, %broadcast_in_dim3A_307], %gather3A_308 : memref<160x32xf32, #tpu.memory_space<vmem>>[vector<16xi32>, vector<16xi32>], vector<16xf32>,
        %broadcast_in_dim3A_309 = arith.constant 29 : i32
        %broadcast_in_dim3A_310 = vector.broadcast %broadcast_in_dim3A_309 : i32 to vector<16xi32>
        %gather3A_311 = tpu.vector_load_idx %arg9[%get3A_223, %broadcast_in_dim3A_310] : memref<4x32xf32, #tpu.memory_space<vmem>>[vector<16xi32>, vector<16xi32>], vector<16xf32>,
        tpu.vector_store_idx %arg16[%add3A_217, %broadcast_in_dim3A_310], %gather3A_311 : memref<160x32xf32, #tpu.memory_space<vmem>>[vector<16xi32>, vector<16xi32>], vector<16xf32>,
        %broadcast_in_dim3A_312 = arith.constant 30 : i32
        %broadcast_in_dim3A_313 = vector.broadcast %broadcast_in_dim3A_312 : i32 to vector<16xi32>
        %gather3A_314 = tpu.vector_load_idx %arg9[%get3A_223, %broadcast_in_dim3A_313] : memref<4x32xf32, #tpu.memory_space<vmem>>[vector<16xi32>, vector<16xi32>], vector<16xf32>,
        tpu.vector_store_idx %arg16[%add3A_217, %broadcast_in_dim3A_313], %gather3A_314 : memref<160x32xf32, #tpu.memory_space<vmem>>[vector<16xi32>, vector<16xi32>], vector<16xf32>,
        %broadcast_in_dim3A_315 = arith.constant 31 : i32
        %broadcast_in_dim3A_316 = vector.broadcast %broadcast_in_dim3A_315 : i32 to vector<16xi32>
        %gather3A_317 = tpu.vector_load_idx %arg9[%get3A_223, %broadcast_in_dim3A_316] : memref<4x32xf32, #tpu.memory_space<vmem>>[vector<16xi32>, vector<16xi32>], vector<16xf32>,
        tpu.vector_store_idx %arg16[%add3A_217, %broadcast_in_dim3A_316], %gather3A_317 : memref<160x32xf32, #tpu.memory_space<vmem>>[vector<16xi32>, vector<16xi32>], vector<16xf32>,
      }
      %scan3A_161 = arith.constant 10 : i32
      %dma_wait3A_162 = arith.constant 0 : i32
      %dma_wait3A_163 = arith.constant 0 : i32
      %dma_wait3A_164 = tpu.memref_slice %arg6[%dma_wait3A_162, %dma_wait3A_163] : memref<204800x160xf32, #tpu.memory_space<hbm>> -> memref<160x128xf32, #tpu.memory_space<hbm>>
      %dma_wait3A_165 = arith.constant 0 : i32
      %dma_wait3A_166 = arith.constant 0 : i32
      %dma_wait3A_167 = tpu.memref_slice %arg6[%dma_wait3A_165, %dma_wait3A_166] : memref<204800x160xf32, #tpu.memory_space<hbm>> -> memref<160x128xf32, #tpu.memory_space<hbm>>
      tpu.wait_dma2 semaphore(%arg20 : memref<!tpu.dma_semaphore, #tpu.memory_space<semaphore_mem>>) src(%dma_wait3A_167 : memref<160x128xf32, #tpu.memory_space<hbm>>) dst(%arg12 : memref<160x128xf32, #tpu.memory_space<vmem>>)
      %mul3A_168 = arith.constant 160 : i32
      %mul3A_169 = arith.muli %add3A_149, %mul3A_168 : i32
      %add3A_170 = arith.addi %mul3A_2, %mul3A_169 : i32
      %dma_start3A_171 = arith.constant 0 : i32
      %dma_start3A_172 = tpu.memref_slice %arg6[%add3A_170, %dma_start3A_171] : memref<204800x160xf32, #tpu.memory_space<hbm>> -> memref<160x128xf32, #tpu.memory_space<hbm>>
      %dma_start3A_173 = arith.constant 0 : i32
      %dma_start3A_174 = tpu.memref_slice %arg6[%add3A_170, %dma_start3A_173] : memref<204800x160xf32, #tpu.memory_space<hbm>> -> memref<160x128xf32, #tpu.memory_space<hbm>>
      tpu.enqueue_dma source(%arg12 : memref<160x128xf32, #tpu.memory_space<vmem>>) target(%dma_start3A_174 : memref<160x128xf32, #tpu.memory_space<hbm>>) target_semaphore(%arg24 : memref<!tpu.dma_semaphore, #tpu.memory_space<semaphore_mem>>)
      %dma_start3A_175 = arith.constant 128 : i32
      %dma_start3A_176 = tpu.memref_slice %arg6[%add3A_170, %dma_start3A_175] : memref<204800x160xf32, #tpu.memory_space<hbm>> -> memref<160x32xf32, #tpu.memory_space<hbm>>
      %dma_start3A_177 = arith.constant 128 : i32
      %dma_start3A_178 = tpu.memref_slice %arg6[%add3A_170, %dma_start3A_177] : memref<204800x160xf32, #tpu.memory_space<hbm>> -> memref<160x32xf32, #tpu.memory_space<hbm>>
      tpu.enqueue_dma source(%arg16 : memref<160x32xf32, #tpu.memory_space<vmem>>) target(%dma_start3A_178 : memref<160x32xf32, #tpu.memory_space<hbm>>) target_semaphore(%arg24 : memref<!tpu.dma_semaphore, #tpu.memory_space<semaphore_mem>>)
      %mul3A_179 = arith.constant 4 : i32
      %mul3A_180 = arith.muli %mul3A_179, %scan3A_68 : i32
      %add3A_181 = arith.constant 3 : i32
      %add3A_182 = arith.addi %mul3A_180, %add3A_181 : i32
      %add3A_183 = arith.constant 2 : i32
      %add3A_184 = arith.addi %add3A_182, %add3A_183 : i32
      %lt3A_185 = arith.constant 40 : i32
      %lt3A_186 = arith.cmpi slt, %add3A_184, %lt3A_185 : i32
      %convert_element_type3A_187 = arith.extui %lt3A_186 : i1 to i32
      %cond3A_188 = arith.constant 0 : i32
      %cond3A_189 = arith.cmpi ne, %convert_element_type3A_187, %cond3A_188 : i32
      scf.if %cond3A_189 {
        %ge3A_213 = arith.constant 4 : i32
        %ge3A_214 = arith.cmpi sge, %add3A_184, %ge3A_213 : i32
        %convert_element_type3A_215 = arith.extui %ge3A_214 : i1 to i32
        %cond3A_216 = arith.constant 0 : i32
        %cond3A_217 = arith.cmpi ne, %convert_element_type3A_215, %cond3A_216 : i32
        scf.if %cond3A_217 {
          %dma_wait3A_224 = arith.constant 0 : i32
          %dma_wait3A_225 = arith.constant 0 : i32
          %dma_wait3A_226 = tpu.memref_slice %arg6[%dma_wait3A_224, %dma_wait3A_225] : memref<204800x160xf32, #tpu.memory_space<hbm>> -> memref<160x128xf32, #tpu.memory_space<hbm>>
          %dma_wait3A_227 = arith.constant 0 : i32
          %dma_wait3A_228 = arith.constant 0 : i32
          %dma_wait3A_229 = tpu.memref_slice %arg6[%dma_wait3A_227, %dma_wait3A_228] : memref<204800x160xf32, #tpu.memory_space<hbm>> -> memref<160x128xf32, #tpu.memory_space<hbm>>
          tpu.wait_dma2 semaphore(%arg23 : memref<!tpu.dma_semaphore, #tpu.memory_space<semaphore_mem>>) src(%arg11 : memref<160x128xf32, #tpu.memory_space<vmem>>) dst(%dma_wait3A_229 : memref<160x128xf32, #tpu.memory_space<hbm>>)
          %dma_wait3A_230 = arith.constant 0 : i32
          %dma_wait3A_231 = arith.constant 128 : i32
          %dma_wait3A_232 = tpu.memref_slice %arg6[%dma_wait3A_230, %dma_wait3A_231] : memref<204800x160xf32, #tpu.memory_space<hbm>> -> memref<160x32xf32, #tpu.memory_space<hbm>>
          %dma_wait3A_233 = arith.constant 0 : i32
          %dma_wait3A_234 = arith.constant 128 : i32
          %dma_wait3A_235 = tpu.memref_slice %arg6[%dma_wait3A_233, %dma_wait3A_234] : memref<204800x160xf32, #tpu.memory_space<hbm>> -> memref<160x32xf32, #tpu.memory_space<hbm>>
          tpu.wait_dma2 semaphore(%arg23 : memref<!tpu.dma_semaphore, #tpu.memory_space<semaphore_mem>>) src(%arg15 : memref<160x32xf32, #tpu.memory_space<vmem>>) dst(%dma_wait3A_235 : memref<160x32xf32, #tpu.memory_space<hbm>>)
        } else {
        }
        %dma_start3A_218 = arith.constant 0 : i32
        %dma_start3A_219 = tpu.memref_slice %arg7[%add3A_184, %dma_start3A_218] : memref<40x160xi32, #tpu.memory_space<vmem>> -> memref<1x160xi32, #tpu.memory_space<vmem>>
        %dma_start3A_220 = tpu.memref_squeeze %dma_start3A_219 : memref<1x160xi32, #tpu.memory_space<vmem>> -> memref<160xi32, #tpu.memory_space<vmem>>
        %dma_start3A_221 = arith.constant 0 : i32
        %dma_start3A_222 = arith.constant 0 : i32
        %dma_start3A_223 = tpu.memref_slice %arg4[%dma_start3A_221, %dma_start3A_222] : memref<100000x128xf32, #tpu.memory_space<hbm>> -> memref<100000x128xf32, #tpu.memory_space<hbm>>
        tpu.enqueue_indirect_dma source(%dma_start3A_223 : memref<100000x128xf32, #tpu.memory_space<hbm>>) target(%arg11 : memref<160x128xf32, #tpu.memory_space<vmem>>) offsets(%dma_start3A_220 : memref<160xi32, #tpu.memory_space<vmem>>) semaphore(%arg19 : memref<!tpu.dma_semaphore, #tpu.memory_space<semaphore_mem>>)
      } else {
      }
      %scan3A_190 = arith.constant 0 : i32
      %scan3A_191 = arith.constant 0 : i32
      %scan3A_192 = arith.constant 10 : i32
      %scan3A_193 = arith.addi %scan3A_191, %scan3A_192 : i32
      %scan3A_194 = arith.constant 1 : i32
      scf.for %scan3A_213 = %scan3A_191 to %scan3A_193 step %scan3A_194  : i32 {
        %mul3A_214 = arith.constant 16 : i32
        %mul3A_215 = arith.muli %scan3A_213, %mul3A_214 : i32
        %add3A_216 = vector.broadcast %mul3A_215 : i32 to vector<16xi32>
        %add3A_217 = arith.addi %add3A_216, %iota3A : vector<16xi32>
        %mul3A_218 = arith.constant 16 : i32
        %mul3A_219 = arith.muli %scan3A_213, %mul3A_218 : i32
        %get3A = arith.constant 0 : i32
        %get3A_220 = tpu.memref_slice %arg8[%add3A_182, %get3A] : memref<40x160xi32, #tpu.memory_space<vmem>> -> memref<1x160xi32, #tpu.memory_space<vmem>>
        %get3A_221 = tpu.memref_squeeze %get3A_220 : memref<1x160xi32, #tpu.memory_space<vmem>> -> memref<160xi32, #tpu.memory_space<vmem>>
        %get3A_222 = arith.index_cast %mul3A_219 : i32 to index
        %get3A_223 = tpu.vector_load %get3A_221[%get3A_222] {strides = array<i32>} : memref<160xi32, #tpu.memory_space<vmem>>, vector<16xi32>,
        %broadcast_in_dim3A = arith.constant 0 : i32
        %broadcast_in_dim3A_224 = vector.broadcast %broadcast_in_dim3A : i32 to vector<16xi32>
        %gather3A = tpu.vector_load_idx %arg9[%get3A_223, %broadcast_in_dim3A_224] : memref<4x32xf32, #tpu.memory_space<vmem>>[vector<16xi32>, vector<16xi32>], vector<16xf32>,
        tpu.vector_store_idx %arg17[%add3A_217, %broadcast_in_dim3A_224], %gather3A : memref<160x32xf32, #tpu.memory_space<vmem>>[vector<16xi32>, vector<16xi32>], vector<16xf32>,
        %broadcast_in_dim3A_225 = arith.constant 1 : i32
        %broadcast_in_dim3A_226 = vector.broadcast %broadcast_in_dim3A_225 : i32 to vector<16xi32>
        %gather3A_227 = tpu.vector_load_idx %arg9[%get3A_223, %broadcast_in_dim3A_226] : memref<4x32xf32, #tpu.memory_space<vmem>>[vector<16xi32>, vector<16xi32>], vector<16xf32>,
        tpu.vector_store_idx %arg17[%add3A_217, %broadcast_in_dim3A_226], %gather3A_227 : memref<160x32xf32, #tpu.memory_space<vmem>>[vector<16xi32>, vector<16xi32>], vector<16xf32>,
        %broadcast_in_dim3A_228 = arith.constant 2 : i32
        %broadcast_in_dim3A_229 = vector.broadcast %broadcast_in_dim3A_228 : i32 to vector<16xi32>
        %gather3A_230 = tpu.vector_load_idx %arg9[%get3A_223, %broadcast_in_dim3A_229] : memref<4x32xf32, #tpu.memory_space<vmem>>[vector<16xi32>, vector<16xi32>], vector<16xf32>,
        tpu.vector_store_idx %arg17[%add3A_217, %broadcast_in_dim3A_229], %gather3A_230 : memref<160x32xf32, #tpu.memory_space<vmem>>[vector<16xi32>, vector<16xi32>], vector<16xf32>,
        %broadcast_in_dim3A_231 = arith.constant 3 : i32
        %broadcast_in_dim3A_232 = vector.broadcast %broadcast_in_dim3A_231 : i32 to vector<16xi32>
        %gather3A_233 = tpu.vector_load_idx %arg9[%get3A_223, %broadcast_in_dim3A_232] : memref<4x32xf32, #tpu.memory_space<vmem>>[vector<16xi32>, vector<16xi32>], vector<16xf32>,
        tpu.vector_store_idx %arg17[%add3A_217, %broadcast_in_dim3A_232], %gather3A_233 : memref<160x32xf32, #tpu.memory_space<vmem>>[vector<16xi32>, vector<16xi32>], vector<16xf32>,
        %broadcast_in_dim3A_234 = arith.constant 4 : i32
        %broadcast_in_dim3A_235 = vector.broadcast %broadcast_in_dim3A_234 : i32 to vector<16xi32>
        %gather3A_236 = tpu.vector_load_idx %arg9[%get3A_223, %broadcast_in_dim3A_235] : memref<4x32xf32, #tpu.memory_space<vmem>>[vector<16xi32>, vector<16xi32>], vector<16xf32>,
        tpu.vector_store_idx %arg17[%add3A_217, %broadcast_in_dim3A_235], %gather3A_236 : memref<160x32xf32, #tpu.memory_space<vmem>>[vector<16xi32>, vector<16xi32>], vector<16xf32>,
        %broadcast_in_dim3A_237 = arith.constant 5 : i32
        %broadcast_in_dim3A_238 = vector.broadcast %broadcast_in_dim3A_237 : i32 to vector<16xi32>
        %gather3A_239 = tpu.vector_load_idx %arg9[%get3A_223, %broadcast_in_dim3A_238] : memref<4x32xf32, #tpu.memory_space<vmem>>[vector<16xi32>, vector<16xi32>], vector<16xf32>,
        tpu.vector_store_idx %arg17[%add3A_217, %broadcast_in_dim3A_238], %gather3A_239 : memref<160x32xf32, #tpu.memory_space<vmem>>[vector<16xi32>, vector<16xi32>], vector<16xf32>,
        %broadcast_in_dim3A_240 = arith.constant 6 : i32
        %broadcast_in_dim3A_241 = vector.broadcast %broadcast_in_dim3A_240 : i32 to vector<16xi32>
        %gather3A_242 = tpu.vector_load_idx %arg9[%get3A_223, %broadcast_in_dim3A_241] : memref<4x32xf32, #tpu.memory_space<vmem>>[vector<16xi32>, vector<16xi32>], vector<16xf32>,
        tpu.vector_store_idx %arg17[%add3A_217, %broadcast_in_dim3A_241], %gather3A_242 : memref<160x32xf32, #tpu.memory_space<vmem>>[vector<16xi32>, vector<16xi32>], vector<16xf32>,
        %broadcast_in_dim3A_243 = arith.constant 7 : i32
        %broadcast_in_dim3A_244 = vector.broadcast %broadcast_in_dim3A_243 : i32 to vector<16xi32>
        %gather3A_245 = tpu.vector_load_idx %arg9[%get3A_223, %broadcast_in_dim3A_244] : memref<4x32xf32, #tpu.memory_space<vmem>>[vector<16xi32>, vector<16xi32>], vector<16xf32>,
        tpu.vector_store_idx %arg17[%add3A_217, %broadcast_in_dim3A_244], %gather3A_245 : memref<160x32xf32, #tpu.memory_space<vmem>>[vector<16xi32>, vector<16xi32>], vector<16xf32>,
        %broadcast_in_dim3A_246 = arith.constant 8 : i32
        %broadcast_in_dim3A_247 = vector.broadcast %broadcast_in_dim3A_246 : i32 to vector<16xi32>
        %gather3A_248 = tpu.vector_load_idx %arg9[%get3A_223, %broadcast_in_dim3A_247] : memref<4x32xf32, #tpu.memory_space<vmem>>[vector<16xi32>, vector<16xi32>], vector<16xf32>,
        tpu.vector_store_idx %arg17[%add3A_217, %broadcast_in_dim3A_247], %gather3A_248 : memref<160x32xf32, #tpu.memory_space<vmem>>[vector<16xi32>, vector<16xi32>], vector<16xf32>,
        %broadcast_in_dim3A_249 = arith.constant 9 : i32
        %broadcast_in_dim3A_250 = vector.broadcast %broadcast_in_dim3A_249 : i32 to vector<16xi32>
        %gather3A_251 = tpu.vector_load_idx %arg9[%get3A_223, %broadcast_in_dim3A_250] : memref<4x32xf32, #tpu.memory_space<vmem>>[vector<16xi32>, vector<16xi32>], vector<16xf32>,
        tpu.vector_store_idx %arg17[%add3A_217, %broadcast_in_dim3A_250], %gather3A_251 : memref<160x32xf32, #tpu.memory_space<vmem>>[vector<16xi32>, vector<16xi32>], vector<16xf32>,
        %broadcast_in_dim3A_252 = arith.constant 10 : i32
        %broadcast_in_dim3A_253 = vector.broadcast %broadcast_in_dim3A_252 : i32 to vector<16xi32>
        %gather3A_254 = tpu.vector_load_idx %arg9[%get3A_223, %broadcast_in_dim3A_253] : memref<4x32xf32, #tpu.memory_space<vmem>>[vector<16xi32>, vector<16xi32>], vector<16xf32>,
        tpu.vector_store_idx %arg17[%add3A_217, %broadcast_in_dim3A_253], %gather3A_254 : memref<160x32xf32, #tpu.memory_space<vmem>>[vector<16xi32>, vector<16xi32>], vector<16xf32>,
        %broadcast_in_dim3A_255 = arith.constant 11 : i32
        %broadcast_in_dim3A_256 = vector.broadcast %broadcast_in_dim3A_255 : i32 to vector<16xi32>
        %gather3A_257 = tpu.vector_load_idx %arg9[%get3A_223, %broadcast_in_dim3A_256] : memref<4x32xf32, #tpu.memory_space<vmem>>[vector<16xi32>, vector<16xi32>], vector<16xf32>,
        tpu.vector_store_idx %arg17[%add3A_217, %broadcast_in_dim3A_256], %gather3A_257 : memref<160x32xf32, #tpu.memory_space<vmem>>[vector<16xi32>, vector<16xi32>], vector<16xf32>,
        %broadcast_in_dim3A_258 = arith.constant 12 : i32
        %broadcast_in_dim3A_259 = vector.broadcast %broadcast_in_dim3A_258 : i32 to vector<16xi32>
        %gather3A_260 = tpu.vector_load_idx %arg9[%get3A_223, %broadcast_in_dim3A_259] : memref<4x32xf32, #tpu.memory_space<vmem>>[vector<16xi32>, vector<16xi32>], vector<16xf32>,
        tpu.vector_store_idx %arg17[%add3A_217, %broadcast_in_dim3A_259], %gather3A_260 : memref<160x32xf32, #tpu.memory_space<vmem>>[vector<16xi32>, vector<16xi32>], vector<16xf32>,
        %broadcast_in_dim3A_261 = arith.constant 13 : i32
        %broadcast_in_dim3A_262 = vector.broadcast %broadcast_in_dim3A_261 : i32 to vector<16xi32>
        %gather3A_263 = tpu.vector_load_idx %arg9[%get3A_223, %broadcast_in_dim3A_262] : memref<4x32xf32, #tpu.memory_space<vmem>>[vector<16xi32>, vector<16xi32>], vector<16xf32>,
        tpu.vector_store_idx %arg17[%add3A_217, %broadcast_in_dim3A_262], %gather3A_263 : memref<160x32xf32, #tpu.memory_space<vmem>>[vector<16xi32>, vector<16xi32>], vector<16xf32>,
        %broadcast_in_dim3A_264 = arith.constant 14 : i32
        %broadcast_in_dim3A_265 = vector.broadcast %broadcast_in_dim3A_264 : i32 to vector<16xi32>
        %gather3A_266 = tpu.vector_load_idx %arg9[%get3A_223, %broadcast_in_dim3A_265] : memref<4x32xf32, #tpu.memory_space<vmem>>[vector<16xi32>, vector<16xi32>], vector<16xf32>,
        tpu.vector_store_idx %arg17[%add3A_217, %broadcast_in_dim3A_265], %gather3A_266 : memref<160x32xf32, #tpu.memory_space<vmem>>[vector<16xi32>, vector<16xi32>], vector<16xf32>,
        %broadcast_in_dim3A_267 = arith.constant 15 : i32
        %broadcast_in_dim3A_268 = vector.broadcast %broadcast_in_dim3A_267 : i32 to vector<16xi32>
        %gather3A_269 = tpu.vector_load_idx %arg9[%get3A_223, %broadcast_in_dim3A_268] : memref<4x32xf32, #tpu.memory_space<vmem>>[vector<16xi32>, vector<16xi32>], vector<16xf32>,
        tpu.vector_store_idx %arg17[%add3A_217, %broadcast_in_dim3A_268], %gather3A_269 : memref<160x32xf32, #tpu.memory_space<vmem>>[vector<16xi32>, vector<16xi32>], vector<16xf32>,
        %broadcast_in_dim3A_270 = arith.constant 16 : i32
        %broadcast_in_dim3A_271 = vector.broadcast %broadcast_in_dim3A_270 : i32 to vector<16xi32>
        %gather3A_272 = tpu.vector_load_idx %arg9[%get3A_223, %broadcast_in_dim3A_271] : memref<4x32xf32, #tpu.memory_space<vmem>>[vector<16xi32>, vector<16xi32>], vector<16xf32>,
        tpu.vector_store_idx %arg17[%add3A_217, %broadcast_in_dim3A_271], %gather3A_272 : memref<160x32xf32, #tpu.memory_space<vmem>>[vector<16xi32>, vector<16xi32>], vector<16xf32>,
        %broadcast_in_dim3A_273 = arith.constant 17 : i32
        %broadcast_in_dim3A_274 = vector.broadcast %broadcast_in_dim3A_273 : i32 to vector<16xi32>
        %gather3A_275 = tpu.vector_load_idx %arg9[%get3A_223, %broadcast_in_dim3A_274] : memref<4x32xf32, #tpu.memory_space<vmem>>[vector<16xi32>, vector<16xi32>], vector<16xf32>,
        tpu.vector_store_idx %arg17[%add3A_217, %broadcast_in_dim3A_274], %gather3A_275 : memref<160x32xf32, #tpu.memory_space<vmem>>[vector<16xi32>, vector<16xi32>], vector<16xf32>,
        %broadcast_in_dim3A_276 = arith.constant 18 : i32
        %broadcast_in_dim3A_277 = vector.broadcast %broadcast_in_dim3A_276 : i32 to vector<16xi32>
        %gather3A_278 = tpu.vector_load_idx %arg9[%get3A_223, %broadcast_in_dim3A_277] : memref<4x32xf32, #tpu.memory_space<vmem>>[vector<16xi32>, vector<16xi32>], vector<16xf32>,
        tpu.vector_store_idx %arg17[%add3A_217, %broadcast_in_dim3A_277], %gather3A_278 : memref<160x32xf32, #tpu.memory_space<vmem>>[vector<16xi32>, vector<16xi32>], vector<16xf32>,
        %broadcast_in_dim3A_279 = arith.constant 19 : i32
        %broadcast_in_dim3A_280 = vector.broadcast %broadcast_in_dim3A_279 : i32 to vector<16xi32>
        %gather3A_281 = tpu.vector_load_idx %arg9[%get3A_223, %broadcast_in_dim3A_280] : memref<4x32xf32, #tpu.memory_space<vmem>>[vector<16xi32>, vector<16xi32>], vector<16xf32>,
        tpu.vector_store_idx %arg17[%add3A_217, %broadcast_in_dim3A_280], %gather3A_281 : memref<160x32xf32, #tpu.memory_space<vmem>>[vector<16xi32>, vector<16xi32>], vector<16xf32>,
        %broadcast_in_dim3A_282 = arith.constant 20 : i32
        %broadcast_in_dim3A_283 = vector.broadcast %broadcast_in_dim3A_282 : i32 to vector<16xi32>
        %gather3A_284 = tpu.vector_load_idx %arg9[%get3A_223, %broadcast_in_dim3A_283] : memref<4x32xf32, #tpu.memory_space<vmem>>[vector<16xi32>, vector<16xi32>], vector<16xf32>,
        tpu.vector_store_idx %arg17[%add3A_217, %broadcast_in_dim3A_283], %gather3A_284 : memref<160x32xf32, #tpu.memory_space<vmem>>[vector<16xi32>, vector<16xi32>], vector<16xf32>,
        %broadcast_in_dim3A_285 = arith.constant 21 : i32
        %broadcast_in_dim3A_286 = vector.broadcast %broadcast_in_dim3A_285 : i32 to vector<16xi32>
        %gather3A_287 = tpu.vector_load_idx %arg9[%get3A_223, %broadcast_in_dim3A_286] : memref<4x32xf32, #tpu.memory_space<vmem>>[vector<16xi32>, vector<16xi32>], vector<16xf32>,
        tpu.vector_store_idx %arg17[%add3A_217, %broadcast_in_dim3A_286], %gather3A_287 : memref<160x32xf32, #tpu.memory_space<vmem>>[vector<16xi32>, vector<16xi32>], vector<16xf32>,
        %broadcast_in_dim3A_288 = arith.constant 22 : i32
        %broadcast_in_dim3A_289 = vector.broadcast %broadcast_in_dim3A_288 : i32 to vector<16xi32>
        %gather3A_290 = tpu.vector_load_idx %arg9[%get3A_223, %broadcast_in_dim3A_289] : memref<4x32xf32, #tpu.memory_space<vmem>>[vector<16xi32>, vector<16xi32>], vector<16xf32>,
        tpu.vector_store_idx %arg17[%add3A_217, %broadcast_in_dim3A_289], %gather3A_290 : memref<160x32xf32, #tpu.memory_space<vmem>>[vector<16xi32>, vector<16xi32>], vector<16xf32>,
        %broadcast_in_dim3A_291 = arith.constant 23 : i32
        %broadcast_in_dim3A_292 = vector.broadcast %broadcast_in_dim3A_291 : i32 to vector<16xi32>
        %gather3A_293 = tpu.vector_load_idx %arg9[%get3A_223, %broadcast_in_dim3A_292] : memref<4x32xf32, #tpu.memory_space<vmem>>[vector<16xi32>, vector<16xi32>], vector<16xf32>,
        tpu.vector_store_idx %arg17[%add3A_217, %broadcast_in_dim3A_292], %gather3A_293 : memref<160x32xf32, #tpu.memory_space<vmem>>[vector<16xi32>, vector<16xi32>], vector<16xf32>,
        %broadcast_in_dim3A_294 = arith.constant 24 : i32
        %broadcast_in_dim3A_295 = vector.broadcast %broadcast_in_dim3A_294 : i32 to vector<16xi32>
        %gather3A_296 = tpu.vector_load_idx %arg9[%get3A_223, %broadcast_in_dim3A_295] : memref<4x32xf32, #tpu.memory_space<vmem>>[vector<16xi32>, vector<16xi32>], vector<16xf32>,
        tpu.vector_store_idx %arg17[%add3A_217, %broadcast_in_dim3A_295], %gather3A_296 : memref<160x32xf32, #tpu.memory_space<vmem>>[vector<16xi32>, vector<16xi32>], vector<16xf32>,
        %broadcast_in_dim3A_297 = arith.constant 25 : i32
        %broadcast_in_dim3A_298 = vector.broadcast %broadcast_in_dim3A_297 : i32 to vector<16xi32>
        %gather3A_299 = tpu.vector_load_idx %arg9[%get3A_223, %broadcast_in_dim3A_298] : memref<4x32xf32, #tpu.memory_space<vmem>>[vector<16xi32>, vector<16xi32>], vector<16xf32>,
        tpu.vector_store_idx %arg17[%add3A_217, %broadcast_in_dim3A_298], %gather3A_299 : memref<160x32xf32, #tpu.memory_space<vmem>>[vector<16xi32>, vector<16xi32>], vector<16xf32>,
        %broadcast_in_dim3A_300 = arith.constant 26 : i32
        %broadcast_in_dim3A_301 = vector.broadcast %broadcast_in_dim3A_300 : i32 to vector<16xi32>
        %gather3A_302 = tpu.vector_load_idx %arg9[%get3A_223, %broadcast_in_dim3A_301] : memref<4x32xf32, #tpu.memory_space<vmem>>[vector<16xi32>, vector<16xi32>], vector<16xf32>,
        tpu.vector_store_idx %arg17[%add3A_217, %broadcast_in_dim3A_301], %gather3A_302 : memref<160x32xf32, #tpu.memory_space<vmem>>[vector<16xi32>, vector<16xi32>], vector<16xf32>,
        %broadcast_in_dim3A_303 = arith.constant 27 : i32
        %broadcast_in_dim3A_304 = vector.broadcast %broadcast_in_dim3A_303 : i32 to vector<16xi32>
        %gather3A_305 = tpu.vector_load_idx %arg9[%get3A_223, %broadcast_in_dim3A_304] : memref<4x32xf32, #tpu.memory_space<vmem>>[vector<16xi32>, vector<16xi32>], vector<16xf32>,
        tpu.vector_store_idx %arg17[%add3A_217, %broadcast_in_dim3A_304], %gather3A_305 : memref<160x32xf32, #tpu.memory_space<vmem>>[vector<16xi32>, vector<16xi32>], vector<16xf32>,
        %broadcast_in_dim3A_306 = arith.constant 28 : i32
        %broadcast_in_dim3A_307 = vector.broadcast %broadcast_in_dim3A_306 : i32 to vector<16xi32>
        %gather3A_308 = tpu.vector_load_idx %arg9[%get3A_223, %broadcast_in_dim3A_307] : memref<4x32xf32, #tpu.memory_space<vmem>>[vector<16xi32>, vector<16xi32>], vector<16xf32>,
        tpu.vector_store_idx %arg17[%add3A_217, %broadcast_in_dim3A_307], %gather3A_308 : memref<160x32xf32, #tpu.memory_space<vmem>>[vector<16xi32>, vector<16xi32>], vector<16xf32>,
        %broadcast_in_dim3A_309 = arith.constant 29 : i32
        %broadcast_in_dim3A_310 = vector.broadcast %broadcast_in_dim3A_309 : i32 to vector<16xi32>
        %gather3A_311 = tpu.vector_load_idx %arg9[%get3A_223, %broadcast_in_dim3A_310] : memref<4x32xf32, #tpu.memory_space<vmem>>[vector<16xi32>, vector<16xi32>], vector<16xf32>,
        tpu.vector_store_idx %arg17[%add3A_217, %broadcast_in_dim3A_310], %gather3A_311 : memref<160x32xf32, #tpu.memory_space<vmem>>[vector<16xi32>, vector<16xi32>], vector<16xf32>,
        %broadcast_in_dim3A_312 = arith.constant 30 : i32
        %broadcast_in_dim3A_313 = vector.broadcast %broadcast_in_dim3A_312 : i32 to vector<16xi32>
        %gather3A_314 = tpu.vector_load_idx %arg9[%get3A_223, %broadcast_in_dim3A_313] : memref<4x32xf32, #tpu.memory_space<vmem>>[vector<16xi32>, vector<16xi32>], vector<16xf32>,
        tpu.vector_store_idx %arg17[%add3A_217, %broadcast_in_dim3A_313], %gather3A_314 : memref<160x32xf32, #tpu.memory_space<vmem>>[vector<16xi32>, vector<16xi32>], vector<16xf32>,
        %broadcast_in_dim3A_315 = arith.constant 31 : i32
        %broadcast_in_dim3A_316 = vector.broadcast %broadcast_in_dim3A_315 : i32 to vector<16xi32>
        %gather3A_317 = tpu.vector_load_idx %arg9[%get3A_223, %broadcast_in_dim3A_316] : memref<4x32xf32, #tpu.memory_space<vmem>>[vector<16xi32>, vector<16xi32>], vector<16xf32>,
        tpu.vector_store_idx %arg17[%add3A_217, %broadcast_in_dim3A_316], %gather3A_317 : memref<160x32xf32, #tpu.memory_space<vmem>>[vector<16xi32>, vector<16xi32>], vector<16xf32>,
      }
      %scan3A_195 = arith.constant 10 : i32
      %dma_wait3A_196 = arith.constant 0 : i32
      %dma_wait3A_197 = arith.constant 0 : i32
      %dma_wait3A_198 = tpu.memref_slice %arg6[%dma_wait3A_196, %dma_wait3A_197] : memref<204800x160xf32, #tpu.memory_space<hbm>> -> memref<160x128xf32, #tpu.memory_space<hbm>>
      %dma_wait3A_199 = arith.constant 0 : i32
      %dma_wait3A_200 = arith.constant 0 : i32
      %dma_wait3A_201 = tpu.memref_slice %arg6[%dma_wait3A_199, %dma_wait3A_200] : memref<204800x160xf32, #tpu.memory_space<hbm>> -> memref<160x128xf32, #tpu.memory_space<hbm>>
      tpu.wait_dma2 semaphore(%arg21 : memref<!tpu.dma_semaphore, #tpu.memory_space<semaphore_mem>>) src(%dma_wait3A_201 : memref<160x128xf32, #tpu.memory_space<hbm>>) dst(%arg13 : memref<160x128xf32, #tpu.memory_space<vmem>>)
      %mul3A_202 = arith.constant 160 : i32
      %mul3A_203 = arith.muli %add3A_182, %mul3A_202 : i32
      %add3A_204 = arith.addi %mul3A_2, %mul3A_203 : i32
      %dma_start3A_205 = arith.constant 0 : i32
      %dma_start3A_206 = tpu.memref_slice %arg6[%add3A_204, %dma_start3A_205] : memref<204800x160xf32, #tpu.memory_space<hbm>> -> memref<160x128xf32, #tpu.memory_space<hbm>>
      %dma_start3A_207 = arith.constant 0 : i32
      %dma_start3A_208 = tpu.memref_slice %arg6[%add3A_204, %dma_start3A_207] : memref<204800x160xf32, #tpu.memory_space<hbm>> -> memref<160x128xf32, #tpu.memory_space<hbm>>
      tpu.enqueue_dma source(%arg13 : memref<160x128xf32, #tpu.memory_space<vmem>>) target(%dma_start3A_208 : memref<160x128xf32, #tpu.memory_space<hbm>>) target_semaphore(%arg25 : memref<!tpu.dma_semaphore, #tpu.memory_space<semaphore_mem>>)
      %dma_start3A_209 = arith.constant 128 : i32
      %dma_start3A_210 = tpu.memref_slice %arg6[%add3A_204, %dma_start3A_209] : memref<204800x160xf32, #tpu.memory_space<hbm>> -> memref<160x32xf32, #tpu.memory_space<hbm>>
      %dma_start3A_211 = arith.constant 128 : i32
      %dma_start3A_212 = tpu.memref_slice %arg6[%add3A_204, %dma_start3A_211] : memref<204800x160xf32, #tpu.memory_space<hbm>> -> memref<160x32xf32, #tpu.memory_space<hbm>>
      tpu.enqueue_dma source(%arg17 : memref<160x32xf32, #tpu.memory_space<vmem>>) target(%dma_start3A_212 : memref<160x32xf32, #tpu.memory_space<hbm>>) target_semaphore(%arg25 : memref<!tpu.dma_semaphore, #tpu.memory_space<semaphore_mem>>)
    }
    %scan3A_20 = arith.constant 10 : i32
    %dma_wait3A = arith.constant 0 : i32
    %dma_wait3A_21 = arith.constant 0 : i32
    %dma_wait3A_22 = tpu.memref_slice %arg6[%dma_wait3A, %dma_wait3A_21] : memref<204800x160xf32, #tpu.memory_space<hbm>> -> memref<160x128xf32, #tpu.memory_space<hbm>>
    %dma_wait3A_23 = arith.constant 0 : i32
    %dma_wait3A_24 = arith.constant 0 : i32
    %dma_wait3A_25 = tpu.memref_slice %arg6[%dma_wait3A_23, %dma_wait3A_24] : memref<204800x160xf32, #tpu.memory_space<hbm>> -> memref<160x128xf32, #tpu.memory_space<hbm>>
    tpu.wait_dma2 semaphore(%arg22 : memref<!tpu.dma_semaphore, #tpu.memory_space<semaphore_mem>>) src(%arg10 : memref<160x128xf32, #tpu.memory_space<vmem>>) dst(%dma_wait3A_25 : memref<160x128xf32, #tpu.memory_space<hbm>>)
    %dma_wait3A_26 = arith.constant 0 : i32
    %dma_wait3A_27 = arith.constant 128 : i32
    %dma_wait3A_28 = tpu.memref_slice %arg6[%dma_wait3A_26, %dma_wait3A_27] : memref<204800x160xf32, #tpu.memory_space<hbm>> -> memref<160x32xf32, #tpu.memory_space<hbm>>
    %dma_wait3A_29 = arith.constant 0 : i32
    %dma_wait3A_30 = arith.constant 128 : i32
    %dma_wait3A_31 = tpu.memref_slice %arg6[%dma_wait3A_29, %dma_wait3A_30] : memref<204800x160xf32, #tpu.memory_space<hbm>> -> memref<160x32xf32, #tpu.memory_space<hbm>>
    tpu.wait_dma2 semaphore(%arg22 : memref<!tpu.dma_semaphore, #tpu.memory_space<semaphore_mem>>) src(%arg14 : memref<160x32xf32, #tpu.memory_space<vmem>>) dst(%dma_wait3A_31 : memref<160x32xf32, #tpu.memory_space<hbm>>)
    %dma_wait3A_32 = arith.constant 0 : i32
    %dma_wait3A_33 = arith.constant 0 : i32
    %dma_wait3A_34 = tpu.memref_slice %arg6[%dma_wait3A_32, %dma_wait3A_33] : memref<204800x160xf32, #tpu.memory_space<hbm>> -> memref<160x128xf32, #tpu.memory_space<hbm>>
    %dma_wait3A_35 = arith.constant 0 : i32
    %dma_wait3A_36 = arith.constant 0 : i32
    %dma_wait3A_37 = tpu.memref_slice %arg6[%dma_wait3A_35, %dma_wait3A_36] : memref<204800x160xf32, #tpu.memory_space<hbm>> -> memref<160x128xf32, #tpu.memory_space<hbm>>
    tpu.wait_dma2 semaphore(%arg23 : memref<!tpu.dma_semaphore, #tpu.memory_space<semaphore_mem>>) src(%arg11 : memref<160x128xf32, #tpu.memory_space<vmem>>) dst(%dma_wait3A_37 : memref<160x128xf32, #tpu.memory_space<hbm>>)
    %dma_wait3A_38 = arith.constant 0 : i32
    %dma_wait3A_39 = arith.constant 128 : i32
    %dma_wait3A_40 = tpu.memref_slice %arg6[%dma_wait3A_38, %dma_wait3A_39] : memref<204800x160xf32, #tpu.memory_space<hbm>> -> memref<160x32xf32, #tpu.memory_space<hbm>>
    %dma_wait3A_41 = arith.constant 0 : i32
    %dma_wait3A_42 = arith.constant 128 : i32
    %dma_wait3A_43 = tpu.memref_slice %arg6[%dma_wait3A_41, %dma_wait3A_42] : memref<204800x160xf32, #tpu.memory_space<hbm>> -> memref<160x32xf32, #tpu.memory_space<hbm>>
    tpu.wait_dma2 semaphore(%arg23 : memref<!tpu.dma_semaphore, #tpu.memory_space<semaphore_mem>>) src(%arg15 : memref<160x32xf32, #tpu.memory_space<vmem>>) dst(%dma_wait3A_43 : memref<160x32xf32, #tpu.memory_space<hbm>>)
    %dma_wait3A_44 = arith.constant 0 : i32
    %dma_wait3A_45 = arith.constant 0 : i32
    %dma_wait3A_46 = tpu.memref_slice %arg6[%dma_wait3A_44, %dma_wait3A_45] : memref<204800x160xf32, #tpu.memory_space<hbm>> -> memref<160x128xf32, #tpu.memory_space<hbm>>
    %dma_wait3A_47 = arith.constant 0 : i32
    %dma_wait3A_48 = arith.constant 0 : i32
    %dma_wait3A_49 = tpu.memref_slice %arg6[%dma_wait3A_47, %dma_wait3A_48] : memref<204800x160xf32, #tpu.memory_space<hbm>> -> memref<160x128xf32, #tpu.memory_space<hbm>>
    tpu.wait_dma2 semaphore(%arg24 : memref<!tpu.dma_semaphore, #tpu.memory_space<semaphore_mem>>) src(%arg12 : memref<160x128xf32, #tpu.memory_space<vmem>>) dst(%dma_wait3A_49 : memref<160x128xf32, #tpu.memory_space<hbm>>)
    %dma_wait3A_50 = arith.constant 0 : i32
    %dma_wait3A_51 = arith.constant 128 : i32
    %dma_wait3A_52 = tpu.memref_slice %arg6[%dma_wait3A_50, %dma_wait3A_51] : memref<204800x160xf32, #tpu.memory_space<hbm>> -> memref<160x32xf32, #tpu.memory_space<hbm>>
    %dma_wait3A_53 = arith.constant 0 : i32
    %dma_wait3A_54 = arith.constant 128 : i32
    %dma_wait3A_55 = tpu.memref_slice %arg6[%dma_wait3A_53, %dma_wait3A_54] : memref<204800x160xf32, #tpu.memory_space<hbm>> -> memref<160x32xf32, #tpu.memory_space<hbm>>
    tpu.wait_dma2 semaphore(%arg24 : memref<!tpu.dma_semaphore, #tpu.memory_space<semaphore_mem>>) src(%arg16 : memref<160x32xf32, #tpu.memory_space<vmem>>) dst(%dma_wait3A_55 : memref<160x32xf32, #tpu.memory_space<hbm>>)
    %dma_wait3A_56 = arith.constant 0 : i32
    %dma_wait3A_57 = arith.constant 0 : i32
    %dma_wait3A_58 = tpu.memref_slice %arg6[%dma_wait3A_56, %dma_wait3A_57] : memref<204800x160xf32, #tpu.memory_space<hbm>> -> memref<160x128xf32, #tpu.memory_space<hbm>>
    %dma_wait3A_59 = arith.constant 0 : i32
    %dma_wait3A_60 = arith.constant 0 : i32
    %dma_wait3A_61 = tpu.memref_slice %arg6[%dma_wait3A_59, %dma_wait3A_60] : memref<204800x160xf32, #tpu.memory_space<hbm>> -> memref<160x128xf32, #tpu.memory_space<hbm>>
    tpu.wait_dma2 semaphore(%arg25 : memref<!tpu.dma_semaphore, #tpu.memory_space<semaphore_mem>>) src(%arg13 : memref<160x128xf32, #tpu.memory_space<vmem>>) dst(%dma_wait3A_61 : memref<160x128xf32, #tpu.memory_space<hbm>>)
    %dma_wait3A_62 = arith.constant 0 : i32
    %dma_wait3A_63 = arith.constant 128 : i32
    %dma_wait3A_64 = tpu.memref_slice %arg6[%dma_wait3A_62, %dma_wait3A_63] : memref<204800x160xf32, #tpu.memory_space<hbm>> -> memref<160x32xf32, #tpu.memory_space<hbm>>
    %dma_wait3A_65 = arith.constant 0 : i32
    %dma_wait3A_66 = arith.constant 128 : i32
    %dma_wait3A_67 = tpu.memref_slice %arg6[%dma_wait3A_65, %dma_wait3A_66] : memref<204800x160xf32, #tpu.memory_space<hbm>> -> memref<160x32xf32, #tpu.memory_space<hbm>>
    tpu.wait_dma2 semaphore(%arg25 : memref<!tpu.dma_semaphore, #tpu.memory_space<semaphore_mem>>) src(%arg17 : memref<160x32xf32, #tpu.memory_space<vmem>>) dst(%dma_wait3A_67 : memref<160x32xf32, #tpu.memory_space<hbm>>)
    return
  }
}

</mosaic_0001>

<sc_bundles>
// kernel: kernel.3.cloned.1.call-start
scs
__scs_entry_jumppad:
0x0: {  	(pc) =	sbr.rel $0x88, $3  }
0x1: {  	(tag) =	ssettag $0x0;
	lr =	simm.s32 $0x1  }
0x2: {  	[smem:$0x3F9D] =	sst lr;
	_ =	strace $0xD0000000  }
0x3: {  	_ = 	snop  }
0x4: {  	_ = 	snop  }
0x5: {  	_ = 	snop  }
0x6: {  	_ = 	snop  }
0x7: {  	_ = 	snop  }
__scs_overlays_trampoline_lowered:
0x8: {  	[smem:$0x3FAC] =	sst s0  }
0x9: {  	[smem:$0x3FAD] =	sst s1  }
0xa: {  	[smem:$0x3FAE] =	sst s2  }
0xb: {  	[smem:$0x3FAF] =	sst s3  }
0xc: {  	[smem:$0x3FB0] =	sst s4  }
0xd: {  	[smem:$0x3FB1] =	sst s5  }
0xe: {  	[smem:$0x3FB2] =	sst s6  }
0xf: {  	[smem:$0x3FB3] =	sst s7  }
0x10: {  	[smem:$0x3FB4] =	sst s8  }
0x11: {  	[smem:$0x3FB5] =	sst s9;
	s0 =	simm.s32 @!p0 $0x0  }
0x12: {  	s1 =	sld [smem:$0x3F9B];
	s0 =	simm.s32 @p0 $0x1  }
0x13: {  	[smem:$0x3FB6] =	sst s0;
	s0 =	simm.s32 @!p1 $0x0  }
0x14: {  	s2 =	sld [smem:$0x3F9A];
	s0 =	simm.s32 @p1 $0x1  }
0x15: {  	[smem:$0x3FB7] =	sst s0;
	s0 =	simm.s32 @!p2 $0x0  }
0x16: {  	s3 =	sld [smem:$0x3FDB];
	s0 =	simm.s32 @p2 $0x1  }
0x17: {  	s4 =	simm.s32 $0x1BF5;
	[smem:$0x3FB9] =	sst s0  }
0x18: {  	s0 =	sld [smem:$0x3F9C];
	_ =	swait.ge [sflag:s4], $0x0  }
0x19: {  	s7 =	sld [smem:$0x3F9D]  }
0x1a: {  	s8 =	sadd.s32 $0xFFFFE003, lr  }
0x1b: {  	s9 =	sadd.s32 $0xFFFFFEF7, lr;
	s5 =	simm.s32 $0xFFFFFFFF;
	p2 =	slt.u32 s8, $0xFFFFF086  }
0x1c: {  	p1 =	slt.u32 s9, $0xF7A;
	s5 =	simm.s32 @!p2 $0x0  }
0x1d: {  	s5 =	simm.s32 @p1 $0x1;
	p0 =	seq.s32 s7, s2  }
0x1e: {  	s7 =	smul.u32 @!p0 $0xF7A, s2;
	p2 =	seq.s32 @!p0 s5, $0x0  }
0x1f: {  	s9 =	smul.u32 $0xF7A, s1;
	s8 =	simm.s32 @!p0 $0x1BF5;
	p2 =	por !p2, p0  }
0x20: {  	[sflag:s8] =	ssyncset.s32 @!p0 $0xFFFFF086;
	s6 =	sadd.s32 @!p0 s3, s7;
	s7 =	simm.s32 @!p0 $0x108  }
0x21: {  	s3 =	sadd.s32 s3, s9;
	s6 =	sadd.s32 @!p0 $0x88, s6;
	s7 =	simm.s32 @p2 $0x1082  }
0x22: {  	[simem:s7], [sflag:s8] =	dma.local @!p0 [hbm:s6], $0xF7A  }
0x23: {  	s9 =	sor.u32 $0xD0000000, s2;
	s6 =	simm.s32 $0x108;
	_ =	swait.ge @!p0 [sflag:s8], $0x0  }
0x24: {  	s3 =	sadd.s32 $0x88, s3;
	s6 =	simm.s32 @!p1 $0x1082;
	[sflag:s4] =	ssyncset.s32 $0xFFFFF086  }
0x25: {  	[simem:s6], [sflag:s4] =	dma.local [hbm:s3], $0xF7A  }
0x26: {  	[smem:$0x3F9D] =	sst s1;
	(tag) =	ssettag s2;
	_ =	strace s9  }
0x27: {  	s1 =	sld [smem:$0x3FAD]  }
0x28: {  	s2 =	sld [smem:$0x3FAE]  }
0x29: {  	s4 =	sld [smem:$0x3FB0]  }
0x2a: {  	p0 =	seq.s32 s5, $0x0;
	s5 =	sld [smem:$0x3FB1]  }
0x2b: {  	s6 =	sld [smem:$0x3FB2]  }
0x2c: {  	s7 =	sld [smem:$0x3FB3]  }
0x2d: {  	s3 =	simm.s32 $0x108;
	s8 =	sld [smem:$0x3FB4]  }
0x2e: {  	s3 =	simm.s32 @!p0 $0x1082;
	s9 =	sld [smem:$0x3FB5]  }
0x2f: {  	lr =	sadd.s32 s0, s3;
	s0 =	sld [smem:$0x3FAC]  }
0x30: {  	s3 =	sld [smem:$0x3FAF]  }
0x31: {  	[smem:$0x3FB8] =	sst s10  }
0x32: {  	s10 =	sld [smem:$0x3FB6];
	_ =	sdelay $0x3  }
0x33: {  	p0 =	seq.s32 s10, $0x1;
	s10 =	sld [smem:$0x3FB8];
	_ =	sdelay $0x3  }
0x34: {  	[smem:$0x3FB8] =	sst s10  }
0x35: {  	s10 =	sld [smem:$0x3FB7];
	_ =	sdelay $0x3  }
0x36: {  	p1 =	seq.s32 s10, $0x1;
	s10 =	sld [smem:$0x3FB8];
	_ =	sdelay $0x3  }
0x37: {  	[smem:$0x3FB8] =	sst s10  }
0x38: {  	s10 =	sld [smem:$0x3FB9]  }
0x39: {  	_ = 	snop;
	(pc) =	sbr.ind lr, $3  }
0x3a: {  	_ = 	snop  }
0x3b: {  	_ = 	snop  }
0x3c: {  	p2 =	seq.s32 s10, $0x1;
	s10 =	sld [smem:$0x3FB8]  }
0x3d: {  	_ =	shalt  }
0x3e: {  	_ =	shalt  }
0x3f: {  	_ =	shalt  }
0x40: {  	_ =	shalt  }
0x41: {  	_ =	shalt  }
0x42: {  	_ =	shalt  }
0x43: {  	_ =	shalt  }
0x44: {  	_ =	shalt  }
0x45: {  	_ =	shalt  }
0x46: {  	_ =	shalt  }
0x47: {  	_ =	shalt  }
0x48: {  	_ =	shalt  }
0x49: {  	_ =	shalt  }
0x4a: {  	_ =	shalt  }
0x4b: {  	_ =	shalt  }
0x4c: {  	_ =	shalt  }
0x4d: {  	_ =	shalt  }
0x4e: {  	_ =	shalt  }
0x4f: {  	_ =	shalt  }
0x50: {  	_ =	shalt  }
0x51: {  	_ =	shalt  }
0x52: {  	_ =	shalt  }
0x53: {  	_ =	shalt  }
0x54: {  	_ =	shalt  }
0x55: {  	_ =	shalt  }
0x56: {  	_ =	shalt  }
0x57: {  	_ =	shalt  }
0x58: {  	_ =	shalt  }
0x59: {  	_ =	shalt  }
0x5a: {  	_ =	shalt  }
0x5b: {  	_ =	shalt  }
0x5c: {  	_ =	shalt  }
0x5d: {  	_ =	shalt  }
0x5e: {  	_ =	shalt  }
0x5f: {  	_ =	shalt  }
0x60: {  	_ =	shalt  }
0x61: {  	_ =	shalt  }
0x62: {  	_ =	shalt  }
0x63: {  	_ =	shalt  }
0x64: {  	_ =	shalt  }
0x65: {  	_ =	shalt  }
0x66: {  	_ =	shalt  }
0x67: {  	_ =	shalt  }
0x68: {  	_ =	shalt  }
0x69: {  	_ =	shalt  }
0x6a: {  	_ =	shalt  }
0x6b: {  	_ =	shalt  }
0x6c: {  	_ =	shalt  }
0x6d: {  	_ =	shalt  }
0x6e: {  	_ =	shalt  }
0x6f: {  	_ =	shalt  }
0x70: {  	_ =	shalt  }
0x71: {  	_ =	shalt  }
0x72: {  	_ =	shalt  }
0x73: {  	_ =	shalt  }
0x74: {  	_ =	shalt  }
0x75: {  	_ =	shalt  }
0x76: {  	_ =	shalt  }
0x77: {  	_ =	shalt  }
0x78: {  	_ =	shalt  }
0x79: {  	_ =	shalt  }
0x7a: {  	_ =	shalt  }
0x7b: {  	_ =	shalt  }
0x7c: {  	_ =	shalt  }
0x7d: {  	_ =	shalt  }
0x7e: {  	_ =	shalt  }
0x7f: {  	_ =	shalt  }
0x80: {  	_ =	shalt  }
0x81: {  	_ =	shalt  }
0x82: {  	_ =	shalt  }
0x83: {  	_ =	shalt  }
0x84: {  	_ =	shalt  }
0x85: {  	_ =	shalt  }
0x86: {  	_ =	shalt  }
0x87: {  	_ =	shalt  }
.Lfunc_end0:
.L_simem_size_0:
called_computation.1_lowered:
.L_overlay_start_0:
0x88: {  	s2 =	sld [smem:$0x3FD9]  }
0x89: {  	s3 =	sld [smem:$0x3FFE];
	_ =	sdelay $0x1  }
0x8a: {  	s1 =	srdreg.scid  }
0x8b: {  	s0 =	sand.u32 $0x1, s1  }
0x8c: {  	s17 =	sshll.u32 s0, $0xA;
	s2 =	sadd.s32 s3, s2  }
0x8d: {  	s2 =	sadd.s32 s2, s17  }
0x8e: {  	[smem:$0x3FC4] =	sst s2  }
0x8f: {  	_ = 	snop  }
0x90: {  	s2 =	sld [smem:$0x3FC7]  }
0x91: {  	s18 =	sld [smem:$0x3FD0];
	(tm) =	ssettm $0x1  }
0x92: {  	s4 =	sld [smem:$0x3FFB];
	_ =	sdelay $0x3  }
0x93: {  	_ =	strace s4  }
0x94: {  	s4 =	sld [smem:$0x3FFC];
	_ =	sdelay $0x3  }
0x95: {  	_ =	strace s4  }
0x96: {  	s4 =	sld [smem:$0x3FFD];
	_ =	sdelay $0x3  }
0x97: {  	_ =	strace s4  }
0x98: {  	_ =	strace $0x8FFFFFFF  }
0x99: {  	s19 =	sld [smem:$0x3FDB];
	_ =	sdelay $0x1  }
0x9a: {  	s5 =	simm.s32 $_scs_section_size  }
0x9b: {  	s6 =	simm.s32 $_size__tile_overlayer_lowered;
	s7 =	simm.s32 $_tile_overlayer_lowered  }
0x9c: {  	s22 =	simm.s32 $0x1BFF;
	s21 =	sshll.u32 s7, $0x1;
	s4 =	sadd.s32 s5, s19  }
0x9d: {  	s8 =	simm.s32 $0x0;
	s20 =	sshll.u32 s6, $0x1;
	s6 =	sadd.s32 s21, s4  }
0x9e: {  	[timem:s8], [sflag:s22] =	dma.local [hbm:s6], s20  }
0x9f: {  	_ =	swait.ge [sflag:s22], s20  }
0xa0: {  	s5 =	ssub.s32 $0x0, s20;
	[sflag:s22] =	ssyncset.done $0x0  }
0xa1: {  	[sflag:s22] =	ssyncadd.s32 s5;
	_ =	sdelay $0x1  }
0xa2: {  	s23 =	simm.s32 $0x1B8B  }
0xa3: {  	_ =	swait.ge [sflag:s23], $0x1  }
0xa4: {  	[sflag:s23] =	ssyncset.done $0x0  }
0xa5: {  	s25 =	simm.s32 $0x1B8E;
	s24 =	sld [smem:$0x3FFE];
	[sflag:s23] =	ssyncadd.s32 $0xFFFFFFFF  }
0xa6: {  	s26 =	simm.s32 $execute0_lowered;
	[smem:$0x3FD2] =	sst s25  }
0xa7: {  	s6 =	sshll.u32 s26, $0x1;
	_ =	strace $0x80000046;
	[dreg:$0x1] =	wrdreg $0xFFFFFFFF  }
0xa8: {  	s28 =	simm.s32 $_size_execute0_lowered;
	s4 =	sadd.s32 s4, s6;
	[dreg:$0x0] =	wrdreg $0x0  }
0xa9: {  	s6 =	sshll.u32 s28, $0x1;
	[dreg:$0x2] =	wrdreg s4  }
0xaa: {  	[dreg:$0x3] =	wrdreg s6  }
0xab: {  	[dreg:$0x4] =	wrdreg $0xC0  }
0xac: {  	_ =	task [dreg:s8], $0x5FFFF  }
0xad: {  	[dreg:$0x1] =	wrdreg $0xFFFFFFFF  }
0xae: {  	[dreg:$0x0] =	wrdreg $0x60  }
0xaf: {  	[dreg:$0x2] =	wrdreg s24  }
0xb0: {  	[dreg:$0x3] =	wrdreg s2  }
0xb1: {  	[dreg:$0x4] =	wrdreg s18  }
0xb2: {  	[dreg:$0x5] =	wrdreg $0x9  }
0xb3: {  	_ =	task.clear_ibuf [dreg:s8], $0x6FFFF;
	_ =	strace $0x90000046  }
0xb4: {  	s29 =	simm.s32 $0x9;
	_ =	strace $0x80000048  }
0xb5: {  	_ =	swait.ge [sflag:s29], $0x1  }
0xb6: {  	[sflag:s29] =	ssyncadd.s32 $0xFFFFFFFF  }
0xb7: {  	_ =	strace $0x90000048  }
0xb8: {  	_ =	sfence  }
0xb9: {  	s30 =	sld [smem:$0x0];
	_ =	sdelay $0x2  }
0xba: {  	s31 =	sshll.u32 s1, $0xD;
	s1 =	sshrl.u32 s1, $0x2  }
0xbb: {  	s3 =	sand.u32 $0x4000, s31;
	s1 =	sadd.s32 s1, s30  }
0xbc: {  	s0 =	sor.u32 s3, s0;
	s1 =	sshll.u32 s1, $0x11  }
0xbd: {  	s0 =	sor.u32 s1, s0  }
0xbe: {  	s0 =	sadd.s32 $0x8F2B, s0  }
0xbf: {  	[sflag:s0] =	ssyncadd.remote.s32 $0x1  }
0xc0: {  	_ =	sfence.sel $0xFFFF  }
0xc1: {  	[dreg:$0x0] =	wrdreg $0xFFFFFFFF;
	(pc) =	sbr.abs _section_cstart, $3  }
0xc2: {  	[dreg:$0x1] =	wrdreg $0xFFFFFFFF  }
0xc3: {  	_ =	task.clear_ibuf [dreg:s8], $0x2FFFF;
	_ =	strace $0x9FFFFFFF  }
0xc4: {  	(tm) =	ssettm $0x7FFFFFFF  }
0xc5: {  	_ =	shalt  }
tec
execute0_lowered:
.L_overlay_start_1:
0x0: {  	(tag) =	ssettag $0x1  }
0x1: {  	s0 =	rddreg [dreg:$0x0]  }
0x2: {  	s1 =	srdreg.scid;
	s3 =	stileid.u32  }
0x3: {  	s2 =	rddreg [dreg:$0x1];
	s6 =	simm.s32 $0x0;
	s12 =	simm.s32 $0x3200  }
0x4: {  	s13 =	simm.s32 $0xA0;
	s15 =	simm.s32 $0x8280;
	s16 =	simm.s32 $0xD280  }
0x5: {  	s17 =	simm.s32 $0x17280;
	s18 =	simm.s32 $0x1;
	s19 =	simm.s32 $0x80  }
0x6: {  	s20 =	simm.s32 $0x20;
	s1 =	sand.u32 $0x1, s1;
	s4 =	sshll.u32 s3, $0x1  }
0x7: {  	s21 =	simm.s32 $0x12280;
	s22 =	simm.s32 $0x18680;
	s4 =	sor.u32 s1, s4  }
0x8: {  	s23 =	simm.s32 $0x2;
	s24 =	simm.s32 $0x19A80;
	s5 =	smul.u32 $0x1900, s4  }
0x9: {  	s25 =	simm.s32 $0x3;
	s26 =	simm.s32 $0x1AE80;
	[smem:$0x7FF] =	sst s6  }
0xa: {  	s3 =	rddreg [dreg:$0x2];
	_ =	strace $0x80000047;
	s4 =	sshrl.u32 s5, $0x3  }
0xb: {  	s1 =	ssub.s32 $0x2, s1;
	s4 =	sadd.s32 s4, s0;
	s0 =	sadd.s32 $0x800, s0  }
0xc: {  	s29 =	sshrl.u32 s1, $0x1;
	[dreg:$0x4] =	wrdreg s0;
	s30 =	sadd.s32 $0xA00, s4  }
0xd: {  	s0 =	ssub.s32 s1, s29;
	s31 =	sadd.s32 $0x6E00, s4;
	[dreg:$0x5] =	wrdreg s30  }
0xe: {  	v0 =	vlaneseq.u32;
	s28 =	simm.s32 $0x4;
	[dreg:$0x6] =	wrdreg s31;
	s0 =	smax.u32 s0, $0x1  }
0xf: {  	v0 =	vmul.u32 $0x20, v0;
	s9 =	sadd.s32 $0x10, s3;
	s4 =	simm.s32 $0x0;
	[dreg:$0x7] =	wrdreg s0  }
.LBB2_1:
0x10: {  	[dreg:$0x8] =	wrdreg s4  }
0x11: {  	s1 =	simm.s32 $0x0;
	s0 =	rddreg [dreg:$0x5];
	s6 =	simm.s32 $0x9  }
0x12: {  	[tilespmem:s1], [sflag:$0x9] =	stream.linear.gather [hbm4b:s0+s1], $0x1900, $0x38;
	[tilespmem:$0x1C280] =	vst v63  }
0x13: {  	_ =	swait.ge [sflag:s6], $0x1900  }
0x14: {  	[sflag:s6] =	ssyncset.done $0x0  }
0x15: {  	s0 =	simm.s32 $0x1900;
	s29 =	rddreg [dreg:$0x6];
	[sflag:s6] =	ssyncadd.s32 $0xFFFFE700  }
0x16: {  	[tilespmem:s0], [sflag:$0x9] =	stream.linear.gather [hbm4b:s29+s1], $0x1900, $0x38;
	[tilespmem:$0x1C280] =	vst v63  }
0x17: {  	_ =	swait.ge [sflag:s6], $0x1900  }
0x18: {  	[sflag:s6] =	ssyncset.done $0x0  }
0x19: {  	s30 =	rddreg [dreg:$0x4];
	[sflag:s6] =	ssyncadd.s32 $0xFFFFE700  }
0x1a: {  	[tilespmem:s12], [sflag:$0x9] =	stream.linear.gather [hbm4b:s30+s1], $0x80, $0x38;
	[tilespmem:$0x1C280] =	vst v63  }
0x1b: {  	_ =	swait.ge [sflag:s6], $0x80  }
0x1c: {  	[sflag:s6] =	ssyncset.done $0x0  }
0x1d: {  	s31 =	simm.s32 $0x3280;
	s7 =	simm.s32 $0x19A0;
	[sflag:s6] =	ssyncadd.s32 $0xFFFFFF80  }
0x1e: {  	[tilespmem:s31], [sflag:$0x1] =	stream.indirect.gather [hbm4b:s2+s13], $0x80, s1, s13, $0xb8;
	[tilespmem:$0x1C280] =	vst v63  }
0x1f: {  	s8 =	simm.s32 $0x1A40;
	s10 =	simm.s32 $0x1AE0;
	s4 =	simm.s32 $0x0  }
0x20: {  	[tilespmem:s15], [sflag:$0x2] =	stream.indirect.gather [hbm4b:s2+s13], $0x80, s13, s13, $0xb8;
	[tilespmem:$0x1C280] =	vst v63  }
.LBB2_2:
0x21: {  	p0 =	seq.s32 s4, $0x0  }
0x22: {  	s1 =	simm.s32 @!p0 $0x7  }
0x23: {  	_ =	swait.ge @!p0 [sflag:s1], $0x5000  }
0x24: {  	[sflag:s1] =	ssyncset.done @!p0 $0x0  }
0x25: {  	[sflag:s1] =	ssyncadd.s32 @!p0 $0xFFFFB000  }
0x26: {  	s30 =	smul.u32 $0x280, s4;
	_ =	swait.ge @!p0 [sflag:s1], $0x1400  }
0x27: {  	[sflag:s1] =	ssyncset.done @!p0 $0x0  }
0x28: {  	s29 =	sadd.s32 $0x140, s30;
	[sflag:s1] =	ssyncadd.s32 @!p0 $0xFFFFEC00  }
0x29: {  	[tilespmem:s16], [sflag:$0x3] =	stream.indirect.gather [hbm4b:s2+s13], $0x80, s29, s13, $0xb8;
	[tilespmem:$0x1C280] =	vst v63  }
0x2a: {  	v1 =	vld [tilespmem:s0+$0x0];
	_ =	sdelay $0x4  }
0x2b: {  	v1 =	vshll.u32 v1, $0x5;
	_ =	sdelay $0x1  }
0x2c: {  	s14 =	simm.s32 $0x0  }
0x2d: {  	v2 =	vmov s14  }
0x2e: {  	v2 =	vshll.u32 v2, $0x5  }
0x2f: {  	v2 =	vor.u32 v0, v2;
	v3 =	vld.idx.msk [tilespmem:v1+s12+$0x0], $0xffff  }
0x30: {  	v4 =	vor.u32 $0x1, v1;
	_ =	sdelay $0x3  }
0x31: {  	[tilespmem:v2+s17+$0x0] =	vst.idx.msk $0xffff, v3  }
0x32: {  	v62 =	vor.u32 $0x1, v2;
	v3 =	vld.idx.msk [tilespmem:v4+s12+$0x0], $0xffff  }
0x33: {  	v5 =	vor.u32 $0x2, v1;
	_ =	sdelay $0x3  }
0x34: {  	[tilespmem:v62+s17+$0x0] =	vst.idx.msk $0xffff, v3  }
0x35: {  	v63 =	vor.u32 $0x2, v2;
	v3 =	vld.idx.msk [tilespmem:v5+s12+$0x0], $0xffff  }
0x36: {  	v8 =	vor.u32 $0x3, v1;
	_ =	sdelay $0x3  }
0x37: {  	[tilespmem:v63+s17+$0x0] =	vst.idx.msk $0xffff, v3  }
0x38: {  	v9 =	vor.u32 $0x3, v2;
	v3 =	vld.idx.msk [tilespmem:v8+s12+$0x0], $0xffff  }
0x39: {  	v10 =	vor.u32 $0x4, v1;
	_ =	sdelay $0x3  }
0x3a: {  	[tilespmem:v9+s17+$0x0] =	vst.idx.msk $0xffff, v3  }
0x3b: {  	v11 =	vor.u32 $0x4, v2;
	v3 =	vld.idx.msk [tilespmem:v10+s12+$0x0], $0xffff  }
0x3c: {  	v12 =	vor.u32 $0x5, v1;
	_ =	sdelay $0x3  }
0x3d: {  	[tilespmem:v11+s17+$0x0] =	vst.idx.msk $0xffff, v3  }
0x3e: {  	v13 =	vor.u32 $0x5, v2;
	v3 =	vld.idx.msk [tilespmem:v12+s12+$0x0], $0xffff  }
0x3f: {  	v14 =	vor.u32 $0x6, v1;
	_ =	sdelay $0x3  }
0x40: {  	[tilespmem:v13+s17+$0x0] =	vst.idx.msk $0xffff, v3  }
0x41: {  	v15 =	vor.u32 $0x6, v2;
	v3 =	vld.idx.msk [tilespmem:v14+s12+$0x0], $0xffff  }
0x42: {  	v16 =	vor.u32 $0x7, v1;
	_ =	sdelay $0x3  }
0x43: {  	[tilespmem:v15+s17+$0x0] =	vst.idx.msk $0xffff, v3  }
0x44: {  	v17 =	vor.u32 $0x7, v2;
	v3 =	vld.idx.msk [tilespmem:v16+s12+$0x0], $0xffff  }
0x45: {  	v18 =	vor.u32 $0x8, v1;
	_ =	sdelay $0x3  }
0x46: {  	[tilespmem:v17+s17+$0x0] =	vst.idx.msk $0xffff, v3  }
0x47: {  	v19 =	vor.u32 $0x8, v2;
	v3 =	vld.idx.msk [tilespmem:v18+s12+$0x0], $0xffff  }
0x48: {  	v20 =	vor.u32 $0x9, v1;
	_ =	sdelay $0x3  }
0x49: {  	[tilespmem:v19+s17+$0x0] =	vst.idx.msk $0xffff, v3  }
0x4a: {  	v21 =	vor.u32 $0x9, v2;
	v3 =	vld.idx.msk [tilespmem:v20+s12+$0x0], $0xffff  }
0x4b: {  	v22 =	vor.u32 $0xA, v1;
	_ =	sdelay $0x3  }
0x4c: {  	[tilespmem:v21+s17+$0x0] =	vst.idx.msk $0xffff, v3  }
0x4d: {  	v23 =	vor.u32 $0xA, v2;
	v3 =	vld.idx.msk [tilespmem:v22+s12+$0x0], $0xffff  }
0x4e: {  	v24 =	vor.u32 $0xB, v1;
	_ =	sdelay $0x3  }
0x4f: {  	[tilespmem:v23+s17+$0x0] =	vst.idx.msk $0xffff, v3  }
0x50: {  	v25 =	vor.u32 $0xB, v2;
	v3 =	vld.idx.msk [tilespmem:v24+s12+$0x0], $0xffff  }
0x51: {  	v26 =	vor.u32 $0xC, v1;
	_ =	sdelay $0x3  }
0x52: {  	[tilespmem:v25+s17+$0x0] =	vst.idx.msk $0xffff, v3  }
0x53: {  	v27 =	vor.u32 $0xC, v2;
	v3 =	vld.idx.msk [tilespmem:v26+s12+$0x0], $0xffff  }
0x54: {  	v28 =	vor.u32 $0xD, v1;
	_ =	sdelay $0x3  }
0x55: {  	[tilespmem:v27+s17+$0x0] =	vst.idx.msk $0xffff, v3  }
0x56: {  	v29 =	vor.u32 $0xD, v2;
	v3 =	vld.idx.msk [tilespmem:v28+s12+$0x0], $0xffff  }
0x57: {  	v30 =	vor.u32 $0xE, v1;
	_ =	sdelay $0x3  }
0x58: {  	[tilespmem:v29+s17+$0x0] =	vst.idx.msk $0xffff, v3  }
0x59: {  	v31 =	vor.u32 $0xE, v2;
	v3 =	vld.idx.msk [tilespmem:v30+s12+$0x0], $0xffff  }
0x5a: {  	v32 =	vor.u32 $0xF, v1;
	_ =	sdelay $0x3  }
0x5b: {  	[tilespmem:v31+s17+$0x0] =	vst.idx.msk $0xffff, v3  }
0x5c: {  	v33 =	vor.u32 $0xF, v2;
	v3 =	vld.idx.msk [tilespmem:v32+s12+$0x0], $0xffff  }
0x5d: {  	v34 =	vor.u32 $0x10, v1;
	_ =	sdelay $0x3  }
0x5e: {  	[tilespmem:v33+s17+$0x0] =	vst.idx.msk $0xffff, v3  }
0x5f: {  	v35 =	vor.u32 $0x10, v2;
	v3 =	vld.idx.msk [tilespmem:v34+s12+$0x0], $0xffff  }
0x60: {  	v36 =	vor.u32 $0x11, v1;
	_ =	sdelay $0x3  }
0x61: {  	[tilespmem:v35+s17+$0x0] =	vst.idx.msk $0xffff, v3  }
0x62: {  	v37 =	vor.u32 $0x11, v2;
	v3 =	vld.idx.msk [tilespmem:v36+s12+$0x0], $0xffff  }
0x63: {  	v38 =	vor.u32 $0x12, v1;
	_ =	sdelay $0x3  }
0x64: {  	[tilespmem:v37+s17+$0x0] =	vst.idx.msk $0xffff, v3  }
0x65: {  	v39 =	vor.u32 $0x12, v2;
	v3 =	vld.idx.msk [tilespmem:v38+s12+$0x0], $0xffff  }
0x66: {  	v40 =	vor.u32 $0x13, v1;
	_ =	sdelay $0x3  }
0x67: {  	[tilespmem:v39+s17+$0x0] =	vst.idx.msk $0xffff, v3  }
0x68: {  	v41 =	vor.u32 $0x13, v2;
	v3 =	vld.idx.msk [tilespmem:v40+s12+$0x0], $0xffff  }
0x69: {  	v42 =	vor.u32 $0x14, v1;
	_ =	sdelay $0x3  }
0x6a: {  	[tilespmem:v41+s17+$0x0] =	vst.idx.msk $0xffff, v3  }
0x6b: {  	v43 =	vor.u32 $0x14, v2;
	v3 =	vld.idx.msk [tilespmem:v42+s12+$0x0], $0xffff  }
0x6c: {  	v44 =	vor.u32 $0x15, v1;
	_ =	sdelay $0x3  }
0x6d: {  	[tilespmem:v43+s17+$0x0] =	vst.idx.msk $0xffff, v3  }
0x6e: {  	v45 =	vor.u32 $0x15, v2;
	v3 =	vld.idx.msk [tilespmem:v44+s12+$0x0], $0xffff  }
0x6f: {  	v46 =	vor.u32 $0x16, v1;
	_ =	sdelay $0x3  }
0x70: {  	[tilespmem:v45+s17+$0x0] =	vst.idx.msk $0xffff, v3  }
0x71: {  	v47 =	vor.u32 $0x16, v2;
	v3 =	vld.idx.msk [tilespmem:v46+s12+$0x0], $0xffff  }
0x72: {  	v48 =	vor.u32 $0x17, v1;
	_ =	sdelay $0x3  }
0x73: {  	[tilespmem:v47+s17+$0x0] =	vst.idx.msk $0xffff, v3  }
0x74: {  	v49 =	vor.u32 $0x17, v2;
	v3 =	vld.idx.msk [tilespmem:v48+s12+$0x0], $0xffff  }
0x75: {  	v50 =	vor.u32 $0x18, v1;
	_ =	sdelay $0x3  }
0x76: {  	[tilespmem:v49+s17+$0x0] =	vst.idx.msk $0xffff, v3  }
0x77: {  	v51 =	vor.u32 $0x18, v2;
	v3 =	vld.idx.msk [tilespmem:v50+s12+$0x0], $0xffff  }
0x78: {  	v52 =	vor.u32 $0x19, v1;
	_ =	sdelay $0x3  }
0x79: {  	[tilespmem:v51+s17+$0x0] =	vst.idx.msk $0xffff, v3  }
0x7a: {  	v53 =	vor.u32 $0x19, v2;
	v3 =	vld.idx.msk [tilespmem:v52+s12+$0x0], $0xffff  }
0x7b: {  	v54 =	vor.u32 $0x1A, v1;
	_ =	sdelay $0x3  }
0x7c: {  	[tilespmem:v53+s17+$0x0] =	vst.idx.msk $0xffff, v3  }
0x7d: {  	v55 =	vor.u32 $0x1A, v2;
	v3 =	vld.idx.msk [tilespmem:v54+s12+$0x0], $0xffff  }
0x7e: {  	v56 =	vor.u32 $0x1B, v1;
	_ =	sdelay $0x3  }
0x7f: {  	[tilespmem:v55+s17+$0x0] =	vst.idx.msk $0xffff, v3  }
0x80: {  	v57 =	vor.u32 $0x1B, v2;
	v3 =	vld.idx.msk [tilespmem:v56+s12+$0x0], $0xffff  }
0x81: {  	v58 =	vor.u32 $0x1C, v1;
	_ =	sdelay $0x3  }
0x82: {  	[tilespmem:v57+s17+$0x0] =	vst.idx.msk $0xffff, v3  }
0x83: {  	v59 =	vor.u32 $0x1C, v2;
	v3 =	vld.idx.msk [tilespmem:v58+s12+$0x0], $0xffff  }
0x84: {  	v60 =	vor.u32 $0x1D, v1;
	_ =	sdelay $0x3  }
0x85: {  	[tilespmem:v59+s17+$0x0] =	vst.idx.msk $0xffff, v3  }
0x86: {  	v61 =	vor.u32 $0x1D, v2;
	v3 =	vld.idx.msk [tilespmem:v60+s12+$0x0], $0xffff  }
0x87: {  	v62 =	vor.u32 $0x1E, v1;
	_ =	sdelay $0x3  }
0x88: {  	[tilespmem:v61+s17+$0x0] =	vst.idx.msk $0xffff, v3  }
0x89: {  	v63 =	vor.u32 $0x1E, v2;
	v3 =	vld.idx.msk [tilespmem:v62+s12+$0x0], $0xffff  }
0x8a: {  	v1 =	vor.u32 $0x1F, v1;
	_ =	sdelay $0x3  }
0x8b: {  	s31 =	smul.u32 $0xA00, s4;
	[tilespmem:v63+s17+$0x0] =	vst.idx.msk $0xffff, v3  }
0x8c: {  	s11 =	simm.s32 $0x10;
	s6 =	smov.u32 s0;
	s1 =	sshll.u32 s4, $0x2;
	v2 =	vor.u32 $0x1F, v2;
	v1 =	vld.idx.msk [tilespmem:v1+s12+$0x0], $0xffff  }
.LBB2_3:
0x8d: {  	_ =	sdelay $0x2  }
0x8e: {  	p1 =	sne.s32 s11, $0x90  }
0x8f: {  	s6 =	sadd.s32 $0x10, s6;
	s14 =	smov.u32 s11;
	s11 =	sadd.s32 $0x10, s11;
	[tilespmem:v2+s17+$0x0] =	vst.idx.msk $0xffff, v1  }
0x90: {  	v1 =	vld [tilespmem:s6+$0x0];
	_ =	sdelay $0x4  }
0x91: {  	v1 =	vshll.u32 v1, $0x5;
	_ =	sdelay $0x3  }
0x92: {  	v2 =	vmov s14  }
0x93: {  	v2 =	vshll.u32 v2, $0x5;
	v3 =	vld.idx.msk [tilespmem:v1+s12+$0x0], $0xffff  }
0x94: {  	v2 =	vor.u32 v0, v2  }
0x95: {  	v4 =	vor.u32 $0x1, v1;
	_ =	sdelay $0x3  }
0x96: {  	[tilespmem:v2+s17+$0x0] =	vst.idx.msk $0xffff, v3  }
0x97: {  	v3 =	vld.idx.msk [tilespmem:v4+s12+$0x0], $0xffff  }
0x98: {  	v4 =	vor.u32 $0x1, v2  }
0x99: {  	v5 =	vor.u32 $0x2, v1;
	_ =	sdelay $0x3  }
0x9a: {  	[tilespmem:v4+s17+$0x0] =	vst.idx.msk $0xffff, v3  }
0x9b: {  	v3 =	vld.idx.msk [tilespmem:v5+s12+$0x0], $0xffff  }
0x9c: {  	v4 =	vor.u32 $0x2, v2  }
0x9d: {  	v5 =	vor.u32 $0x3, v1;
	_ =	sdelay $0x3  }
0x9e: {  	[tilespmem:v4+s17+$0x0] =	vst.idx.msk $0xffff, v3  }
0x9f: {  	v3 =	vld.idx.msk [tilespmem:v5+s12+$0x0], $0xffff  }
0xa0: {  	v4 =	vor.u32 $0x3, v2  }
0xa1: {  	v5 =	vor.u32 $0x4, v1;
	_ =	sdelay $0x3  }
0xa2: {  	[tilespmem:v4+s17+$0x0] =	vst.idx.msk $0xffff, v3  }
0xa3: {  	v3 =	vld.idx.msk [tilespmem:v5+s12+$0x0], $0xffff  }
0xa4: {  	v4 =	vor.u32 $0x4, v2  }
0xa5: {  	v5 =	vor.u32 $0x5, v1;
	_ =	sdelay $0x3  }
0xa6: {  	[tilespmem:v4+s17+$0x0] =	vst.idx.msk $0xffff, v3  }
0xa7: {  	v3 =	vld.idx.msk [tilespmem:v5+s12+$0x0], $0xffff  }
0xa8: {  	v4 =	vor.u32 $0x5, v2  }
0xa9: {  	v5 =	vor.u32 $0x6, v1;
	_ =	sdelay $0x3  }
0xaa: {  	[tilespmem:v4+s17+$0x0] =	vst.idx.msk $0xffff, v3  }
0xab: {  	v3 =	vld.idx.msk [tilespmem:v5+s12+$0x0], $0xffff  }
0xac: {  	v4 =	vor.u32 $0x6, v2  }
0xad: {  	v5 =	vor.u32 $0x7, v1;
	_ =	sdelay $0x3  }
0xae: {  	[tilespmem:v4+s17+$0x0] =	vst.idx.msk $0xffff, v3  }
0xaf: {  	v3 =	vld.idx.msk [tilespmem:v5+s12+$0x0], $0xffff  }
0xb0: {  	v4 =	vor.u32 $0x7, v2  }
0xb1: {  	v5 =	vor.u32 $0x8, v1;
	_ =	sdelay $0x3  }
0xb2: {  	[tilespmem:v4+s17+$0x0] =	vst.idx.msk $0xffff, v3  }
0xb3: {  	v3 =	vld.idx.msk [tilespmem:v5+s12+$0x0], $0xffff  }
0xb4: {  	v4 =	vor.u32 $0x8, v2  }
0xb5: {  	v5 =	vor.u32 $0x9, v1;
	_ =	sdelay $0x3  }
0xb6: {  	[tilespmem:v4+s17+$0x0] =	vst.idx.msk $0xffff, v3  }
0xb7: {  	v3 =	vld.idx.msk [tilespmem:v5+s12+$0x0], $0xffff  }
0xb8: {  	v4 =	vor.u32 $0x9, v2  }
0xb9: {  	v5 =	vor.u32 $0xA, v1;
	_ =	sdelay $0x3  }
0xba: {  	[tilespmem:v4+s17+$0x0] =	vst.idx.msk $0xffff, v3  }
0xbb: {  	v3 =	vld.idx.msk [tilespmem:v5+s12+$0x0], $0xffff  }
0xbc: {  	v4 =	vor.u32 $0xA, v2  }
0xbd: {  	v5 =	vor.u32 $0xB, v1;
	_ =	sdelay $0x3  }
0xbe: {  	[tilespmem:v4+s17+$0x0] =	vst.idx.msk $0xffff, v3  }
0xbf: {  	v3 =	vld.idx.msk [tilespmem:v5+s12+$0x0], $0xffff  }
0xc0: {  	v4 =	vor.u32 $0xB, v2  }
0xc1: {  	v5 =	vor.u32 $0xC, v1;
	_ =	sdelay $0x3  }
0xc2: {  	[tilespmem:v4+s17+$0x0] =	vst.idx.msk $0xffff, v3  }
0xc3: {  	v3 =	vld.idx.msk [tilespmem:v5+s12+$0x0], $0xffff  }
0xc4: {  	v4 =	vor.u32 $0xC, v2  }
0xc5: {  	v5 =	vor.u32 $0xD, v1;
	_ =	sdelay $0x3  }
0xc6: {  	[tilespmem:v4+s17+$0x0] =	vst.idx.msk $0xffff, v3  }
0xc7: {  	v3 =	vld.idx.msk [tilespmem:v5+s12+$0x0], $0xffff  }
0xc8: {  	v4 =	vor.u32 $0xD, v2  }
0xc9: {  	v5 =	vor.u32 $0xE, v1;
	_ =	sdelay $0x3  }
0xca: {  	[tilespmem:v4+s17+$0x0] =	vst.idx.msk $0xffff, v3  }
0xcb: {  	v3 =	vld.idx.msk [tilespmem:v5+s12+$0x0], $0xffff  }
0xcc: {  	v4 =	vor.u32 $0xE, v2  }
0xcd: {  	v5 =	vor.u32 $0xF, v1;
	_ =	sdelay $0x3  }
0xce: {  	[tilespmem:v4+s17+$0x0] =	vst.idx.msk $0xffff, v3  }
0xcf: {  	v3 =	vld.idx.msk [tilespmem:v5+s12+$0x0], $0xffff  }
0xd0: {  	v4 =	vor.u32 $0xF, v2  }
0xd1: {  	v5 =	vor.u32 $0x10, v1;
	_ =	sdelay $0x3  }
0xd2: {  	[tilespmem:v4+s17+$0x0] =	vst.idx.msk $0xffff, v3  }
0xd3: {  	v3 =	vld.idx.msk [tilespmem:v5+s12+$0x0], $0xffff  }
0xd4: {  	v4 =	vor.u32 $0x10, v2  }
0xd5: {  	v5 =	vor.u32 $0x11, v1;
	_ =	sdelay $0x3  }
0xd6: {  	[tilespmem:v4+s17+$0x0] =	vst.idx.msk $0xffff, v3  }
0xd7: {  	v3 =	vld.idx.msk [tilespmem:v5+s12+$0x0], $0xffff  }
0xd8: {  	v4 =	vor.u32 $0x11, v2  }
0xd9: {  	v5 =	vor.u32 $0x12, v1;
	_ =	sdelay $0x3  }
0xda: {  	[tilespmem:v4+s17+$0x0] =	vst.idx.msk $0xffff, v3  }
0xdb: {  	v3 =	vld.idx.msk [tilespmem:v5+s12+$0x0], $0xffff  }
0xdc: {  	v4 =	vor.u32 $0x12, v2  }
0xdd: {  	v5 =	vor.u32 $0x13, v1;
	_ =	sdelay $0x3  }
0xde: {  	[tilespmem:v4+s17+$0x0] =	vst.idx.msk $0xffff, v3  }
0xdf: {  	v3 =	vld.idx.msk [tilespmem:v5+s12+$0x0], $0xffff  }
0xe0: {  	v4 =	vor.u32 $0x13, v2  }
0xe1: {  	v5 =	vor.u32 $0x14, v1;
	_ =	sdelay $0x3  }
0xe2: {  	[tilespmem:v4+s17+$0x0] =	vst.idx.msk $0xffff, v3  }
0xe3: {  	v3 =	vld.idx.msk [tilespmem:v5+s12+$0x0], $0xffff  }
0xe4: {  	v4 =	vor.u32 $0x14, v2  }
0xe5: {  	v5 =	vor.u32 $0x15, v1;
	_ =	sdelay $0x3  }
0xe6: {  	[tilespmem:v4+s17+$0x0] =	vst.idx.msk $0xffff, v3  }
0xe7: {  	v3 =	vld.idx.msk [tilespmem:v5+s12+$0x0], $0xffff  }
0xe8: {  	v4 =	vor.u32 $0x15, v2  }
0xe9: {  	v5 =	vor.u32 $0x16, v1;
	_ =	sdelay $0x3  }
0xea: {  	[tilespmem:v4+s17+$0x0] =	vst.idx.msk $0xffff, v3  }
0xeb: {  	v3 =	vld.idx.msk [tilespmem:v5+s12+$0x0], $0xffff  }
0xec: {  	v4 =	vor.u32 $0x16, v2  }
0xed: {  	v5 =	vor.u32 $0x17, v1;
	_ =	sdelay $0x3  }
0xee: {  	[tilespmem:v4+s17+$0x0] =	vst.idx.msk $0xffff, v3  }
0xef: {  	v3 =	vld.idx.msk [tilespmem:v5+s12+$0x0], $0xffff  }
0xf0: {  	v4 =	vor.u32 $0x17, v2  }
0xf1: {  	v5 =	vor.u32 $0x18, v1;
	_ =	sdelay $0x3  }
0xf2: {  	[tilespmem:v4+s17+$0x0] =	vst.idx.msk $0xffff, v3  }
0xf3: {  	v3 =	vld.idx.msk [tilespmem:v5+s12+$0x0], $0xffff  }
0xf4: {  	v4 =	vor.u32 $0x18, v2  }
0xf5: {  	v5 =	vor.u32 $0x19, v1;
	_ =	sdelay $0x3  }
0xf6: {  	[tilespmem:v4+s17+$0x0] =	vst.idx.msk $0xffff, v3  }
0xf7: {  	v3 =	vld.idx.msk [tilespmem:v5+s12+$0x0], $0xffff  }
0xf8: {  	v4 =	vor.u32 $0x19, v2  }
0xf9: {  	v5 =	vor.u32 $0x1A, v1;
	_ =	sdelay $0x3  }
0xfa: {  	[tilespmem:v4+s17+$0x0] =	vst.idx.msk $0xffff, v3  }
0xfb: {  	v3 =	vld.idx.msk [tilespmem:v5+s12+$0x0], $0xffff  }
0xfc: {  	v4 =	vor.u32 $0x1A, v2  }
0xfd: {  	v5 =	vor.u32 $0x1B, v1;
	_ =	sdelay $0x3  }
0xfe: {  	[tilespmem:v4+s17+$0x0] =	vst.idx.msk $0xffff, v3  }
0xff: {  	v3 =	vld.idx.msk [tilespmem:v5+s12+$0x0], $0xffff  }
0x100: {  	v4 =	vor.u32 $0x1B, v2  }
0x101: {  	v5 =	vor.u32 $0x1C, v1;
	_ =	sdelay $0x3  }
0x102: {  	[tilespmem:v4+s17+$0x0] =	vst.idx.msk $0xffff, v3  }
0x103: {  	v3 =	vld.idx.msk [tilespmem:v5+s12+$0x0], $0xffff  }
0x104: {  	v4 =	vor.u32 $0x1C, v2  }
0x105: {  	v5 =	vor.u32 $0x1D, v1;
	_ =	sdelay $0x3  }
0x106: {  	[tilespmem:v4+s17+$0x0] =	vst.idx.msk $0xffff, v3  }
0x107: {  	v3 =	vld.idx.msk [tilespmem:v5+s12+$0x0], $0xffff  }
0x108: {  	v4 =	vor.u32 $0x1D, v2  }
0x109: {  	v5 =	vor.u32 $0x1E, v1;
	_ =	sdelay $0x3  }
0x10a: {  	[tilespmem:v4+s17+$0x0] =	vst.idx.msk $0xffff, v3  }
0x10b: {  	v3 =	vld.idx.msk [tilespmem:v5+s12+$0x0], $0xffff  }
0x10c: {  	v4 =	vor.u32 $0x1E, v2  }
0x10d: {  	v1 =	vor.u32 $0x1F, v1;
	_ =	sdelay $0x1  }
.Ltmp0:
0x10e: {  	(pc) =	sbr.rel @p1 .LBB2_3-.Ltmp0, $4  }
0x10f: {  	_ = 	snop  }
0x110: {  	[tilespmem:v4+s17+$0x0] =	vst.idx.msk $0xffff, v3  }
0x111: {  	v1 =	vld.idx.msk [tilespmem:v1+s12+$0x0], $0xffff  }
0x112: {  	v2 =	vor.u32 $0x1F, v2  }
0x113: {  	_ =	sdelay $0x3  }
0x114: {  	s6 =	sadd.s32 s5, s30;
	[tilespmem:v2+s17+$0x0] =	vst.idx.msk $0xffff, v1  }
0x115: {  	s6 =	smul.u32 $0x14, s6;
	_ =	swait.ge [sflag:s18], $0x5000  }
0x116: {  	[sflag:s18] =	ssyncset.done $0x0  }
0x117: {  	s14 =	simm.s32 $0x3280;
	s11 =	sadd.s32 s3, s6;
	[sflag:s18] =	ssyncadd.s32 $0xFFFFB000  }
0x118: {  	[hbm4b:s11+s19] =	stream.strided.scatter [tilespmem:s14], [sflag:$0x5], $0x5000, s13, s19, $0x38;
	[tilespmem:$0x1C280] =	vst v63  }
0x119: {  	s6 =	sadd.s32 s6, s9  }
0x11a: {  	[hbm4b:s6+s20] =	stream.strided.scatter [tilespmem:s17], [sflag:$0x5], $0x1400, s13, s20, $0x38;
	[tilespmem:$0x1C280] =	vst v63  }
0x11b: {  	s6 =	simm.s32 @!p0 $0x8  }
0x11c: {  	_ =	swait.ge @!p0 [sflag:s6], $0x5000  }
0x11d: {  	[sflag:s6] =	ssyncset.done @!p0 $0x0  }
0x11e: {  	[sflag:s6] =	ssyncadd.s32 @!p0 $0xFFFFB000  }
0x11f: {  	_ =	swait.ge @!p0 [sflag:s6], $0x1400  }
0x120: {  	[sflag:s6] =	ssyncset.done @!p0 $0x0  }
0x121: {  	s30 =	sadd.s32 $0x1E0, s30;
	[sflag:s6] =	ssyncadd.s32 @!p0 $0xFFFFEC00  }
0x122: {  	[tilespmem:s21], [sflag:$0x4] =	stream.indirect.gather [hbm4b:s2+s13], $0x80, s30, s13, $0xb8;
	[tilespmem:$0x1C280] =	vst v63  }
0x123: {  	v1 =	vld [tilespmem:s7+$0x0];
	_ =	sdelay $0x4  }
0x124: {  	v1 =	vshll.u32 v1, $0x5;
	_ =	sdelay $0x1  }
0x125: {  	s14 =	simm.s32 $0x0  }
0x126: {  	v2 =	vmov s14  }
0x127: {  	v2 =	vshll.u32 v2, $0x5  }
0x128: {  	v2 =	vor.u32 v0, v2;
	v3 =	vld.idx.msk [tilespmem:v1+s12+$0x0], $0xffff  }
0x129: {  	v4 =	vor.u32 $0x1, v1;
	_ =	sdelay $0x3  }
0x12a: {  	[tilespmem:v2+s22+$0x0] =	vst.idx.msk $0xffff, v3  }
0x12b: {  	v62 =	vor.u32 $0x1, v2;
	v3 =	vld.idx.msk [tilespmem:v4+s12+$0x0], $0xffff  }
0x12c: {  	v5 =	vor.u32 $0x2, v1;
	_ =	sdelay $0x3  }
0x12d: {  	[tilespmem:v62+s22+$0x0] =	vst.idx.msk $0xffff, v3  }
0x12e: {  	v63 =	vor.u32 $0x2, v2;
	v3 =	vld.idx.msk [tilespmem:v5+s12+$0x0], $0xffff  }
0x12f: {  	v8 =	vor.u32 $0x3, v1;
	_ =	sdelay $0x3  }
0x130: {  	[tilespmem:v63+s22+$0x0] =	vst.idx.msk $0xffff, v3  }
0x131: {  	v9 =	vor.u32 $0x3, v2;
	v3 =	vld.idx.msk [tilespmem:v8+s12+$0x0], $0xffff  }
0x132: {  	v10 =	vor.u32 $0x4, v1;
	_ =	sdelay $0x3  }
0x133: {  	[tilespmem:v9+s22+$0x0] =	vst.idx.msk $0xffff, v3  }
0x134: {  	v11 =	vor.u32 $0x4, v2;
	v3 =	vld.idx.msk [tilespmem:v10+s12+$0x0], $0xffff  }
0x135: {  	v12 =	vor.u32 $0x5, v1;
	_ =	sdelay $0x3  }
0x136: {  	[tilespmem:v11+s22+$0x0] =	vst.idx.msk $0xffff, v3  }
0x137: {  	v13 =	vor.u32 $0x5, v2;
	v3 =	vld.idx.msk [tilespmem:v12+s12+$0x0], $0xffff  }
0x138: {  	v14 =	vor.u32 $0x6, v1;
	_ =	sdelay $0x3  }
0x139: {  	[tilespmem:v13+s22+$0x0] =	vst.idx.msk $0xffff, v3  }
0x13a: {  	v15 =	vor.u32 $0x6, v2;
	v3 =	vld.idx.msk [tilespmem:v14+s12+$0x0], $0xffff  }
0x13b: {  	v16 =	vor.u32 $0x7, v1;
	_ =	sdelay $0x3  }
0x13c: {  	[tilespmem:v15+s22+$0x0] =	vst.idx.msk $0xffff, v3  }
0x13d: {  	v17 =	vor.u32 $0x7, v2;
	v3 =	vld.idx.msk [tilespmem:v16+s12+$0x0], $0xffff  }
0x13e: {  	v18 =	vor.u32 $0x8, v1;
	_ =	sdelay $0x3  }
0x13f: {  	[tilespmem:v17+s22+$0x0] =	vst.idx.msk $0xffff, v3  }
0x140: {  	v19 =	vor.u32 $0x8, v2;
	v3 =	vld.idx.msk [tilespmem:v18+s12+$0x0], $0xffff  }
0x141: {  	v20 =	vor.u32 $0x9, v1;
	_ =	sdelay $0x3  }
0x142: {  	[tilespmem:v19+s22+$0x0] =	vst.idx.msk $0xffff, v3  }
0x143: {  	v21 =	vor.u32 $0x9, v2;
	v3 =	vld.idx.msk [tilespmem:v20+s12+$0x0], $0xffff  }
0x144: {  	v22 =	vor.u32 $0xA, v1;
	_ =	sdelay $0x3  }
0x145: {  	[tilespmem:v21+s22+$0x0] =	vst.idx.msk $0xffff, v3  }
0x146: {  	v23 =	vor.u32 $0xA, v2;
	v3 =	vld.idx.msk [tilespmem:v22+s12+$0x0], $0xffff  }
0x147: {  	v24 =	vor.u32 $0xB, v1;
	_ =	sdelay $0x3  }
0x148: {  	[tilespmem:v23+s22+$0x0] =	vst.idx.msk $0xffff, v3  }
0x149: {  	v25 =	vor.u32 $0xB, v2;
	v3 =	vld.idx.msk [tilespmem:v24+s12+$0x0], $0xffff  }
0x14a: {  	v26 =	vor.u32 $0xC, v1;
	_ =	sdelay $0x3  }
0x14b: {  	[tilespmem:v25+s22+$0x0] =	vst.idx.msk $0xffff, v3  }
0x14c: {  	v27 =	vor.u32 $0xC, v2;
	v3 =	vld.idx.msk [tilespmem:v26+s12+$0x0], $0xffff  }
0x14d: {  	v28 =	vor.u32 $0xD, v1;
	_ =	sdelay $0x3  }
0x14e: {  	[tilespmem:v27+s22+$0x0] =	vst.idx.msk $0xffff, v3  }
0x14f: {  	v29 =	vor.u32 $0xD, v2;
	v3 =	vld.idx.msk [tilespmem:v28+s12+$0x0], $0xffff  }
0x150: {  	v30 =	vor.u32 $0xE, v1;
	_ =	sdelay $0x3  }
0x151: {  	[tilespmem:v29+s22+$0x0] =	vst.idx.msk $0xffff, v3  }
0x152: {  	v31 =	vor.u32 $0xE, v2;
	v3 =	vld.idx.msk [tilespmem:v30+s12+$0x0], $0xffff  }
0x153: {  	v32 =	vor.u32 $0xF, v1;
	_ =	sdelay $0x3  }
0x154: {  	[tilespmem:v31+s22+$0x0] =	vst.idx.msk $0xffff, v3  }
0x155: {  	v33 =	vor.u32 $0xF, v2;
	v3 =	vld.idx.msk [tilespmem:v32+s12+$0x0], $0xffff  }
0x156: {  	v34 =	vor.u32 $0x10, v1;
	_ =	sdelay $0x3  }
0x157: {  	[tilespmem:v33+s22+$0x0] =	vst.idx.msk $0xffff, v3  }
0x158: {  	v35 =	vor.u32 $0x10, v2;
	v3 =	vld.idx.msk [tilespmem:v34+s12+$0x0], $0xffff  }
0x159: {  	v36 =	vor.u32 $0x11, v1;
	_ =	sdelay $0x3  }
0x15a: {  	[tilespmem:v35+s22+$0x0] =	vst.idx.msk $0xffff, v3  }
0x15b: {  	v37 =	vor.u32 $0x11, v2;
	v3 =	vld.idx.msk [tilespmem:v36+s12+$0x0], $0xffff  }
0x15c: {  	v38 =	vor.u32 $0x12, v1;
	_ =	sdelay $0x3  }
0x15d: {  	[tilespmem:v37+s22+$0x0] =	vst.idx.msk $0xffff, v3  }
0x15e: {  	v39 =	vor.u32 $0x12, v2;
	v3 =	vld.idx.msk [tilespmem:v38+s12+$0x0], $0xffff  }
0x15f: {  	v40 =	vor.u32 $0x13, v1;
	_ =	sdelay $0x3  }
0x160: {  	[tilespmem:v39+s22+$0x0] =	vst.idx.msk $0xffff, v3  }
0x161: {  	v41 =	vor.u32 $0x13, v2;
	v3 =	vld.idx.msk [tilespmem:v40+s12+$0x0], $0xffff  }
0x162: {  	v42 =	vor.u32 $0x14, v1;
	_ =	sdelay $0x3  }
0x163: {  	[tilespmem:v41+s22+$0x0] =	vst.idx.msk $0xffff, v3  }
0x164: {  	v43 =	vor.u32 $0x14, v2;
	v3 =	vld.idx.msk [tilespmem:v42+s12+$0x0], $0xffff  }
0x165: {  	v44 =	vor.u32 $0x15, v1;
	_ =	sdelay $0x3  }
0x166: {  	[tilespmem:v43+s22+$0x0] =	vst.idx.msk $0xffff, v3  }
0x167: {  	v45 =	vor.u32 $0x15, v2;
	v3 =	vld.idx.msk [tilespmem:v44+s12+$0x0], $0xffff  }
0x168: {  	v46 =	vor.u32 $0x16, v1;
	_ =	sdelay $0x3  }
0x169: {  	[tilespmem:v45+s22+$0x0] =	vst.idx.msk $0xffff, v3  }
0x16a: {  	v47 =	vor.u32 $0x16, v2;
	v3 =	vld.idx.msk [tilespmem:v46+s12+$0x0], $0xffff  }
0x16b: {  	v48 =	vor.u32 $0x17, v1;
	_ =	sdelay $0x3  }
0x16c: {  	[tilespmem:v47+s22+$0x0] =	vst.idx.msk $0xffff, v3  }
0x16d: {  	v49 =	vor.u32 $0x17, v2;
	v3 =	vld.idx.msk [tilespmem:v48+s12+$0x0], $0xffff  }
0x16e: {  	v50 =	vor.u32 $0x18, v1;
	_ =	sdelay $0x3  }
0x16f: {  	[tilespmem:v49+s22+$0x0] =	vst.idx.msk $0xffff, v3  }
0x170: {  	v51 =	vor.u32 $0x18, v2;
	v3 =	vld.idx.msk [tilespmem:v50+s12+$0x0], $0xffff  }
0x171: {  	v52 =	vor.u32 $0x19, v1;
	_ =	sdelay $0x3  }
0x172: {  	[tilespmem:v51+s22+$0x0] =	vst.idx.msk $0xffff, v3  }
0x173: {  	v53 =	vor.u32 $0x19, v2;
	v3 =	vld.idx.msk [tilespmem:v52+s12+$0x0], $0xffff  }
0x174: {  	v54 =	vor.u32 $0x1A, v1;
	_ =	sdelay $0x3  }
0x175: {  	[tilespmem:v53+s22+$0x0] =	vst.idx.msk $0xffff, v3  }
0x176: {  	v55 =	vor.u32 $0x1A, v2;
	v3 =	vld.idx.msk [tilespmem:v54+s12+$0x0], $0xffff  }
0x177: {  	v56 =	vor.u32 $0x1B, v1;
	_ =	sdelay $0x3  }
0x178: {  	[tilespmem:v55+s22+$0x0] =	vst.idx.msk $0xffff, v3  }
0x179: {  	v57 =	vor.u32 $0x1B, v2;
	v3 =	vld.idx.msk [tilespmem:v56+s12+$0x0], $0xffff  }
0x17a: {  	v58 =	vor.u32 $0x1C, v1;
	_ =	sdelay $0x3  }
0x17b: {  	[tilespmem:v57+s22+$0x0] =	vst.idx.msk $0xffff, v3  }
0x17c: {  	v59 =	vor.u32 $0x1C, v2;
	v3 =	vld.idx.msk [tilespmem:v58+s12+$0x0], $0xffff  }
0x17d: {  	v60 =	vor.u32 $0x1D, v1;
	_ =	sdelay $0x3  }
0x17e: {  	[tilespmem:v59+s22+$0x0] =	vst.idx.msk $0xffff, v3  }
0x17f: {  	v61 =	vor.u32 $0x1D, v2;
	v3 =	vld.idx.msk [tilespmem:v60+s12+$0x0], $0xffff  }
0x180: {  	v62 =	vor.u32 $0x1E, v1;
	_ =	sdelay $0x3  }
0x181: {  	[tilespmem:v61+s22+$0x0] =	vst.idx.msk $0xffff, v3  }
0x182: {  	v63 =	vor.u32 $0x1E, v2;
	v3 =	vld.idx.msk [tilespmem:v62+s12+$0x0], $0xffff  }
0x183: {  	v1 =	vor.u32 $0x1F, v1;
	_ =	sdelay $0x3  }
0x184: {  	[tilespmem:v63+s22+$0x0] =	vst.idx.msk $0xffff, v3  }
0x185: {  	s1 =	sor.u32 $0x1, s1;
	s11 =	simm.s32 $0x10;
	s6 =	smov.u32 s7;
	v2 =	vor.u32 $0x1F, v2;
	v1 =	vld.idx.msk [tilespmem:v1+s12+$0x0], $0xffff  }
.LBB2_5:
0x186: {  	_ =	sdelay $0x2  }
0x187: {  	p0 =	sne.s32 s11, $0x90  }
0x188: {  	s6 =	sadd.s32 $0x10, s6;
	s14 =	smov.u32 s11;
	s11 =	sadd.s32 $0x10, s11;
	[tilespmem:v2+s22+$0x0] =	vst.idx.msk $0xffff, v1  }
0x189: {  	v1 =	vld [tilespmem:s6+$0x0];
	_ =	sdelay $0x4  }
0x18a: {  	v1 =	vshll.u32 v1, $0x5;
	_ =	sdelay $0x3  }
0x18b: {  	v2 =	vmov s14  }
0x18c: {  	v2 =	vshll.u32 v2, $0x5;
	v3 =	vld.idx.msk [tilespmem:v1+s12+$0x0], $0xffff  }
0x18d: {  	v2 =	vor.u32 v0, v2  }
0x18e: {  	v4 =	vor.u32 $0x1, v1;
	_ =	sdelay $0x3  }
0x18f: {  	[tilespmem:v2+s22+$0x0] =	vst.idx.msk $0xffff, v3  }
0x190: {  	v3 =	vld.idx.msk [tilespmem:v4+s12+$0x0], $0xffff  }
0x191: {  	v4 =	vor.u32 $0x1, v2  }
0x192: {  	v5 =	vor.u32 $0x2, v1;
	_ =	sdelay $0x3  }
0x193: {  	[tilespmem:v4+s22+$0x0] =	vst.idx.msk $0xffff, v3  }
0x194: {  	v3 =	vld.idx.msk [tilespmem:v5+s12+$0x0], $0xffff  }
0x195: {  	v4 =	vor.u32 $0x2, v2  }
0x196: {  	v5 =	vor.u32 $0x3, v1;
	_ =	sdelay $0x3  }
0x197: {  	[tilespmem:v4+s22+$0x0] =	vst.idx.msk $0xffff, v3  }
0x198: {  	v3 =	vld.idx.msk [tilespmem:v5+s12+$0x0], $0xffff  }
0x199: {  	v4 =	vor.u32 $0x3, v2  }
0x19a: {  	v5 =	vor.u32 $0x4, v1;
	_ =	sdelay $0x3  }
0x19b: {  	[tilespmem:v4+s22+$0x0] =	vst.idx.msk $0xffff, v3  }
0x19c: {  	v3 =	vld.idx.msk [tilespmem:v5+s12+$0x0], $0xffff  }
0x19d: {  	v4 =	vor.u32 $0x4, v2  }
0x19e: {  	v5 =	vor.u32 $0x5, v1;
	_ =	sdelay $0x3  }
0x19f: {  	[tilespmem:v4+s22+$0x0] =	vst.idx.msk $0xffff, v3  }
0x1a0: {  	v3 =	vld.idx.msk [tilespmem:v5+s12+$0x0], $0xffff  }
0x1a1: {  	v4 =	vor.u32 $0x5, v2  }
0x1a2: {  	v5 =	vor.u32 $0x6, v1;
	_ =	sdelay $0x3  }
0x1a3: {  	[tilespmem:v4+s22+$0x0] =	vst.idx.msk $0xffff, v3  }
0x1a4: {  	v3 =	vld.idx.msk [tilespmem:v5+s12+$0x0], $0xffff  }
0x1a5: {  	v4 =	vor.u32 $0x6, v2  }
0x1a6: {  	v5 =	vor.u32 $0x7, v1;
	_ =	sdelay $0x3  }
0x1a7: {  	[tilespmem:v4+s22+$0x0] =	vst.idx.msk $0xffff, v3  }
0x1a8: {  	v3 =	vld.idx.msk [tilespmem:v5+s12+$0x0], $0xffff  }
0x1a9: {  	v4 =	vor.u32 $0x7, v2  }
0x1aa: {  	v5 =	vor.u32 $0x8, v1;
	_ =	sdelay $0x3  }
0x1ab: {  	[tilespmem:v4+s22+$0x0] =	vst.idx.msk $0xffff, v3  }
0x1ac: {  	v3 =	vld.idx.msk [tilespmem:v5+s12+$0x0], $0xffff  }
0x1ad: {  	v4 =	vor.u32 $0x8, v2  }
0x1ae: {  	v5 =	vor.u32 $0x9, v1;
	_ =	sdelay $0x3  }
0x1af: {  	[tilespmem:v4+s22+$0x0] =	vst.idx.msk $0xffff, v3  }
0x1b0: {  	v3 =	vld.idx.msk [tilespmem:v5+s12+$0x0], $0xffff  }
0x1b1: {  	v4 =	vor.u32 $0x9, v2  }
0x1b2: {  	v5 =	vor.u32 $0xA, v1;
	_ =	sdelay $0x3  }
0x1b3: {  	[tilespmem:v4+s22+$0x0] =	vst.idx.msk $0xffff, v3  }
0x1b4: {  	v3 =	vld.idx.msk [tilespmem:v5+s12+$0x0], $0xffff  }
0x1b5: {  	v4 =	vor.u32 $0xA, v2  }
0x1b6: {  	v5 =	vor.u32 $0xB, v1;
	_ =	sdelay $0x3  }
0x1b7: {  	[tilespmem:v4+s22+$0x0] =	vst.idx.msk $0xffff, v3  }
0x1b8: {  	v3 =	vld.idx.msk [tilespmem:v5+s12+$0x0], $0xffff  }
0x1b9: {  	v4 =	vor.u32 $0xB, v2  }
0x1ba: {  	v5 =	vor.u32 $0xC, v1;
	_ =	sdelay $0x3  }
0x1bb: {  	[tilespmem:v4+s22+$0x0] =	vst.idx.msk $0xffff, v3  }
0x1bc: {  	v3 =	vld.idx.msk [tilespmem:v5+s12+$0x0], $0xffff  }
0x1bd: {  	v4 =	vor.u32 $0xC, v2  }
0x1be: {  	v5 =	vor.u32 $0xD, v1;
	_ =	sdelay $0x3  }
0x1bf: {  	[tilespmem:v4+s22+$0x0] =	vst.idx.msk $0xffff, v3  }
0x1c0: {  	v3 =	vld.idx.msk [tilespmem:v5+s12+$0x0], $0xffff  }
0x1c1: {  	v4 =	vor.u32 $0xD, v2  }
0x1c2: {  	v5 =	vor.u32 $0xE, v1;
	_ =	sdelay $0x3  }
0x1c3: {  	[tilespmem:v4+s22+$0x0] =	vst.idx.msk $0xffff, v3  }
0x1c4: {  	v3 =	vld.idx.msk [tilespmem:v5+s12+$0x0], $0xffff  }
0x1c5: {  	v4 =	vor.u32 $0xE, v2  }
0x1c6: {  	v5 =	vor.u32 $0xF, v1;
	_ =	sdelay $0x3  }
0x1c7: {  	[tilespmem:v4+s22+$0x0] =	vst.idx.msk $0xffff, v3  }
0x1c8: {  	v3 =	vld.idx.msk [tilespmem:v5+s12+$0x0], $0xffff  }
0x1c9: {  	v4 =	vor.u32 $0xF, v2  }
0x1ca: {  	v5 =	vor.u32 $0x10, v1;
	_ =	sdelay $0x3  }
0x1cb: {  	[tilespmem:v4+s22+$0x0] =	vst.idx.msk $0xffff, v3  }
0x1cc: {  	v3 =	vld.idx.msk [tilespmem:v5+s12+$0x0], $0xffff  }
0x1cd: {  	v4 =	vor.u32 $0x10, v2  }
0x1ce: {  	v5 =	vor.u32 $0x11, v1;
	_ =	sdelay $0x3  }
0x1cf: {  	[tilespmem:v4+s22+$0x0] =	vst.idx.msk $0xffff, v3  }
0x1d0: {  	v3 =	vld.idx.msk [tilespmem:v5+s12+$0x0], $0xffff  }
0x1d1: {  	v4 =	vor.u32 $0x11, v2  }
0x1d2: {  	v5 =	vor.u32 $0x12, v1;
	_ =	sdelay $0x3  }
0x1d3: {  	[tilespmem:v4+s22+$0x0] =	vst.idx.msk $0xffff, v3  }
0x1d4: {  	v3 =	vld.idx.msk [tilespmem:v5+s12+$0x0], $0xffff  }
0x1d5: {  	v4 =	vor.u32 $0x12, v2  }
0x1d6: {  	v5 =	vor.u32 $0x13, v1;
	_ =	sdelay $0x3  }
0x1d7: {  	[tilespmem:v4+s22+$0x0] =	vst.idx.msk $0xffff, v3  }
0x1d8: {  	v3 =	vld.idx.msk [tilespmem:v5+s12+$0x0], $0xffff  }
0x1d9: {  	v4 =	vor.u32 $0x13, v2  }
0x1da: {  	v5 =	vor.u32 $0x14, v1;
	_ =	sdelay $0x3  }
0x1db: {  	[tilespmem:v4+s22+$0x0] =	vst.idx.msk $0xffff, v3  }
0x1dc: {  	v3 =	vld.idx.msk [tilespmem:v5+s12+$0x0], $0xffff  }
0x1dd: {  	v4 =	vor.u32 $0x14, v2  }
0x1de: {  	v5 =	vor.u32 $0x15, v1;
	_ =	sdelay $0x3  }
0x1df: {  	[tilespmem:v4+s22+$0x0] =	vst.idx.msk $0xffff, v3  }
0x1e0: {  	v3 =	vld.idx.msk [tilespmem:v5+s12+$0x0], $0xffff  }
0x1e1: {  	v4 =	vor.u32 $0x15, v2  }
0x1e2: {  	v5 =	vor.u32 $0x16, v1;
	_ =	sdelay $0x3  }
0x1e3: {  	[tilespmem:v4+s22+$0x0] =	vst.idx.msk $0xffff, v3  }
0x1e4: {  	v3 =	vld.idx.msk [tilespmem:v5+s12+$0x0], $0xffff  }
0x1e5: {  	v4 =	vor.u32 $0x16, v2  }
0x1e6: {  	v5 =	vor.u32 $0x17, v1;
	_ =	sdelay $0x3  }
0x1e7: {  	[tilespmem:v4+s22+$0x0] =	vst.idx.msk $0xffff, v3  }
0x1e8: {  	v3 =	vld.idx.msk [tilespmem:v5+s12+$0x0], $0xffff  }
0x1e9: {  	v4 =	vor.u32 $0x17, v2  }
0x1ea: {  	v5 =	vor.u32 $0x18, v1;
	_ =	sdelay $0x3  }
0x1eb: {  	[tilespmem:v4+s22+$0x0] =	vst.idx.msk $0xffff, v3  }
0x1ec: {  	v3 =	vld.idx.msk [tilespmem:v5+s12+$0x0], $0xffff  }
0x1ed: {  	v4 =	vor.u32 $0x18, v2  }
0x1ee: {  	v5 =	vor.u32 $0x19, v1;
	_ =	sdelay $0x3  }
0x1ef: {  	[tilespmem:v4+s22+$0x0] =	vst.idx.msk $0xffff, v3  }
0x1f0: {  	v3 =	vld.idx.msk [tilespmem:v5+s12+$0x0], $0xffff  }
0x1f1: {  	v4 =	vor.u32 $0x19, v2  }
0x1f2: {  	v5 =	vor.u32 $0x1A, v1;
	_ =	sdelay $0x3  }
0x1f3: {  	[tilespmem:v4+s22+$0x0] =	vst.idx.msk $0xffff, v3  }
0x1f4: {  	v3 =	vld.idx.msk [tilespmem:v5+s12+$0x0], $0xffff  }
0x1f5: {  	v4 =	vor.u32 $0x1A, v2  }
0x1f6: {  	v5 =	vor.u32 $0x1B, v1;
	_ =	sdelay $0x3  }
0x1f7: {  	[tilespmem:v4+s22+$0x0] =	vst.idx.msk $0xffff, v3  }
0x1f8: {  	v3 =	vld.idx.msk [tilespmem:v5+s12+$0x0], $0xffff  }
0x1f9: {  	v4 =	vor.u32 $0x1B, v2  }
0x1fa: {  	v5 =	vor.u32 $0x1C, v1;
	_ =	sdelay $0x3  }
0x1fb: {  	[tilespmem:v4+s22+$0x0] =	vst.idx.msk $0xffff, v3  }
0x1fc: {  	v3 =	vld.idx.msk [tilespmem:v5+s12+$0x0], $0xffff  }
0x1fd: {  	v4 =	vor.u32 $0x1C, v2  }
0x1fe: {  	v5 =	vor.u32 $0x1D, v1;
	_ =	sdelay $0x3  }
0x1ff: {  	[tilespmem:v4+s22+$0x0] =	vst.idx.msk $0xffff, v3  }
0x200: {  	v3 =	vld.idx.msk [tilespmem:v5+s12+$0x0], $0xffff  }
0x201: {  	v4 =	vor.u32 $0x1D, v2  }
0x202: {  	v5 =	vor.u32 $0x1E, v1;
	_ =	sdelay $0x3  }
0x203: {  	[tilespmem:v4+s22+$0x0] =	vst.idx.msk $0xffff, v3  }
0x204: {  	v3 =	vld.idx.msk [tilespmem:v5+s12+$0x0], $0xffff  }
0x205: {  	v4 =	vor.u32 $0x1E, v2  }
0x206: {  	v1 =	vor.u32 $0x1F, v1;
	_ =	sdelay $0x1  }
.Ltmp1:
0x207: {  	(pc) =	sbr.rel @p0 .LBB2_5-.Ltmp1, $4  }
0x208: {  	_ = 	snop  }
0x209: {  	[tilespmem:v4+s22+$0x0] =	vst.idx.msk $0xffff, v3  }
0x20a: {  	v1 =	vld.idx.msk [tilespmem:v1+s12+$0x0], $0xffff  }
0x20b: {  	v2 =	vor.u32 $0x1F, v2  }
0x20c: {  	_ =	sdelay $0x1  }
0x20d: {  	s1 =	smul.u32 $0xA0, s1;
	_ =	sdelay $0x1  }
0x20e: {  	s1 =	sadd.s32 s5, s1;
	[tilespmem:v2+s22+$0x0] =	vst.idx.msk $0xffff, v1  }
0x20f: {  	s1 =	smul.u32 $0x14, s1;
	_ =	swait.ge [sflag:s23], $0x5000  }
0x210: {  	[sflag:s23] =	ssyncset.done $0x0  }
0x211: {  	s6 =	sadd.s32 s3, s1;
	[sflag:s23] =	ssyncadd.s32 $0xFFFFB000  }
0x212: {  	[hbm4b:s6+s19] =	stream.strided.scatter [tilespmem:s15], [sflag:$0x6], $0x5000, s13, s19, $0x38;
	[tilespmem:$0x1C280] =	vst v63  }
0x213: {  	p0 =	seq.s32 s4, $0x9;
	s1 =	sadd.s32 s1, s9  }
0x214: {  	[hbm4b:s1+s20] =	stream.strided.scatter [tilespmem:s22], [sflag:$0x6], $0x1400, s13, s20, $0x38;
	[tilespmem:$0x1C280] =	vst v63  }
0x215: {  	s1 =	simm.s32 @!p0 $0x5  }
0x216: {  	_ =	swait.ge @!p0 [sflag:s1], $0x5000  }
0x217: {  	[sflag:s1] =	ssyncset.done @!p0 $0x0  }
0x218: {  	[sflag:s1] =	ssyncadd.s32 @!p0 $0xFFFFB000  }
0x219: {  	_ =	swait.ge @!p0 [sflag:s1], $0x1400  }
0x21a: {  	s31 =	sshra.s32 @!p0 s31, $0x2;
	s11 =	simm.s32 @!p0 $0x3280;
	[sflag:s1] =	ssyncset.done @!p0 $0x0  }
0x21b: {  	s6 =	simm.s32 @!p0 $0xA0;
	[sflag:s1] =	ssyncadd.s32 @!p0 $0xFFFFEC00;
	s1 =	sadd.s32 @!p0 $0x280, s31  }
0x21c: {  	[tilespmem:s11], [sflag:$0x1] =	stream.indirect.gather @!p0 [hbm4b:s2+s6], $0x80, s1, s6, $0xb8;
	[tilespmem:$0x1C280] =	vst v63  }
0x21d: {  	v1 =	vld [tilespmem:s8+$0x0];
	_ =	sdelay $0x4  }
0x21e: {  	v1 =	vshll.u32 v1, $0x5;
	_ =	sdelay $0x1  }
0x21f: {  	s14 =	simm.s32 $0x0  }
0x220: {  	v2 =	vmov s14  }
0x221: {  	v2 =	vshll.u32 v2, $0x5  }
0x222: {  	v2 =	vor.u32 v0, v2;
	v3 =	vld.idx.msk [tilespmem:v1+s12+$0x0], $0xffff  }
0x223: {  	v4 =	vor.u32 $0x1, v1;
	_ =	sdelay $0x3  }
0x224: {  	[tilespmem:v2+s24+$0x0] =	vst.idx.msk $0xffff, v3  }
0x225: {  	v62 =	vor.u32 $0x1, v2;
	v3 =	vld.idx.msk [tilespmem:v4+s12+$0x0], $0xffff  }
0x226: {  	v5 =	vor.u32 $0x2, v1;
	_ =	sdelay $0x3  }
0x227: {  	[tilespmem:v62+s24+$0x0] =	vst.idx.msk $0xffff, v3  }
0x228: {  	v63 =	vor.u32 $0x2, v2;
	v3 =	vld.idx.msk [tilespmem:v5+s12+$0x0], $0xffff  }
0x229: {  	v8 =	vor.u32 $0x3, v1;
	_ =	sdelay $0x3  }
0x22a: {  	[tilespmem:v63+s24+$0x0] =	vst.idx.msk $0xffff, v3  }
0x22b: {  	v9 =	vor.u32 $0x3, v2;
	v3 =	vld.idx.msk [tilespmem:v8+s12+$0x0], $0xffff  }
0x22c: {  	v10 =	vor.u32 $0x4, v1;
	_ =	sdelay $0x3  }
0x22d: {  	[tilespmem:v9+s24+$0x0] =	vst.idx.msk $0xffff, v3  }
0x22e: {  	v11 =	vor.u32 $0x4, v2;
	v3 =	vld.idx.msk [tilespmem:v10+s12+$0x0], $0xffff  }
0x22f: {  	v12 =	vor.u32 $0x5, v1;
	_ =	sdelay $0x3  }
0x230: {  	[tilespmem:v11+s24+$0x0] =	vst.idx.msk $0xffff, v3  }
0x231: {  	v13 =	vor.u32 $0x5, v2;
	v3 =	vld.idx.msk [tilespmem:v12+s12+$0x0], $0xffff  }
0x232: {  	v14 =	vor.u32 $0x6, v1;
	_ =	sdelay $0x3  }
0x233: {  	[tilespmem:v13+s24+$0x0] =	vst.idx.msk $0xffff, v3  }
0x234: {  	v15 =	vor.u32 $0x6, v2;
	v3 =	vld.idx.msk [tilespmem:v14+s12+$0x0], $0xffff  }
0x235: {  	v16 =	vor.u32 $0x7, v1;
	_ =	sdelay $0x3  }
0x236: {  	[tilespmem:v15+s24+$0x0] =	vst.idx.msk $0xffff, v3  }
0x237: {  	v17 =	vor.u32 $0x7, v2;
	v3 =	vld.idx.msk [tilespmem:v16+s12+$0x0], $0xffff  }
0x238: {  	v18 =	vor.u32 $0x8, v1;
	_ =	sdelay $0x3  }
0x239: {  	[tilespmem:v17+s24+$0x0] =	vst.idx.msk $0xffff, v3  }
0x23a: {  	v19 =	vor.u32 $0x8, v2;
	v3 =	vld.idx.msk [tilespmem:v18+s12+$0x0], $0xffff  }
0x23b: {  	v20 =	vor.u32 $0x9, v1;
	_ =	sdelay $0x3  }
0x23c: {  	[tilespmem:v19+s24+$0x0] =	vst.idx.msk $0xffff, v3  }
0x23d: {  	v21 =	vor.u32 $0x9, v2;
	v3 =	vld.idx.msk [tilespmem:v20+s12+$0x0], $0xffff  }
0x23e: {  	v22 =	vor.u32 $0xA, v1;
	_ =	sdelay $0x3  }
0x23f: {  	[tilespmem:v21+s24+$0x0] =	vst.idx.msk $0xffff, v3  }
0x240: {  	v23 =	vor.u32 $0xA, v2;
	v3 =	vld.idx.msk [tilespmem:v22+s12+$0x0], $0xffff  }
0x241: {  	v24 =	vor.u32 $0xB, v1;
	_ =	sdelay $0x3  }
0x242: {  	[tilespmem:v23+s24+$0x0] =	vst.idx.msk $0xffff, v3  }
0x243: {  	v25 =	vor.u32 $0xB, v2;
	v3 =	vld.idx.msk [tilespmem:v24+s12+$0x0], $0xffff  }
0x244: {  	v26 =	vor.u32 $0xC, v1;
	_ =	sdelay $0x3  }
0x245: {  	[tilespmem:v25+s24+$0x0] =	vst.idx.msk $0xffff, v3  }
0x246: {  	v27 =	vor.u32 $0xC, v2;
	v3 =	vld.idx.msk [tilespmem:v26+s12+$0x0], $0xffff  }
0x247: {  	v28 =	vor.u32 $0xD, v1;
	_ =	sdelay $0x3  }
0x248: {  	[tilespmem:v27+s24+$0x0] =	vst.idx.msk $0xffff, v3  }
0x249: {  	v29 =	vor.u32 $0xD, v2;
	v3 =	vld.idx.msk [tilespmem:v28+s12+$0x0], $0xffff  }
0x24a: {  	v30 =	vor.u32 $0xE, v1;
	_ =	sdelay $0x3  }
0x24b: {  	[tilespmem:v29+s24+$0x0] =	vst.idx.msk $0xffff, v3  }
0x24c: {  	v31 =	vor.u32 $0xE, v2;
	v3 =	vld.idx.msk [tilespmem:v30+s12+$0x0], $0xffff  }
0x24d: {  	v32 =	vor.u32 $0xF, v1;
	_ =	sdelay $0x3  }
0x24e: {  	[tilespmem:v31+s24+$0x0] =	vst.idx.msk $0xffff, v3  }
0x24f: {  	v33 =	vor.u32 $0xF, v2;
	v3 =	vld.idx.msk [tilespmem:v32+s12+$0x0], $0xffff  }
0x250: {  	v34 =	vor.u32 $0x10, v1;
	_ =	sdelay $0x3  }
0x251: {  	[tilespmem:v33+s24+$0x0] =	vst.idx.msk $0xffff, v3  }
0x252: {  	v35 =	vor.u32 $0x10, v2;
	v3 =	vld.idx.msk [tilespmem:v34+s12+$0x0], $0xffff  }
0x253: {  	v36 =	vor.u32 $0x11, v1;
	_ =	sdelay $0x3  }
0x254: {  	[tilespmem:v35+s24+$0x0] =	vst.idx.msk $0xffff, v3  }
0x255: {  	v37 =	vor.u32 $0x11, v2;
	v3 =	vld.idx.msk [tilespmem:v36+s12+$0x0], $0xffff  }
0x256: {  	v38 =	vor.u32 $0x12, v1;
	_ =	sdelay $0x3  }
0x257: {  	[tilespmem:v37+s24+$0x0] =	vst.idx.msk $0xffff, v3  }
0x258: {  	v39 =	vor.u32 $0x12, v2;
	v3 =	vld.idx.msk [tilespmem:v38+s12+$0x0], $0xffff  }
0x259: {  	v40 =	vor.u32 $0x13, v1;
	_ =	sdelay $0x3  }
0x25a: {  	[tilespmem:v39+s24+$0x0] =	vst.idx.msk $0xffff, v3  }
0x25b: {  	v41 =	vor.u32 $0x13, v2;
	v3 =	vld.idx.msk [tilespmem:v40+s12+$0x0], $0xffff  }
0x25c: {  	v42 =	vor.u32 $0x14, v1;
	_ =	sdelay $0x3  }
0x25d: {  	[tilespmem:v41+s24+$0x0] =	vst.idx.msk $0xffff, v3  }
0x25e: {  	v43 =	vor.u32 $0x14, v2;
	v3 =	vld.idx.msk [tilespmem:v42+s12+$0x0], $0xffff  }
0x25f: {  	v44 =	vor.u32 $0x15, v1;
	_ =	sdelay $0x3  }
0x260: {  	[tilespmem:v43+s24+$0x0] =	vst.idx.msk $0xffff, v3  }
0x261: {  	v45 =	vor.u32 $0x15, v2;
	v3 =	vld.idx.msk [tilespmem:v44+s12+$0x0], $0xffff  }
0x262: {  	v46 =	vor.u32 $0x16, v1;
	_ =	sdelay $0x3  }
0x263: {  	[tilespmem:v45+s24+$0x0] =	vst.idx.msk $0xffff, v3  }
0x264: {  	v47 =	vor.u32 $0x16, v2;
	v3 =	vld.idx.msk [tilespmem:v46+s12+$0x0], $0xffff  }
0x265: {  	v48 =	vor.u32 $0x17, v1;
	_ =	sdelay $0x3  }
0x266: {  	[tilespmem:v47+s24+$0x0] =	vst.idx.msk $0xffff, v3  }
0x267: {  	v49 =	vor.u32 $0x17, v2;
	v3 =	vld.idx.msk [tilespmem:v48+s12+$0x0], $0xffff  }
0x268: {  	v50 =	vor.u32 $0x18, v1;
	_ =	sdelay $0x3  }
0x269: {  	[tilespmem:v49+s24+$0x0] =	vst.idx.msk $0xffff, v3  }
0x26a: {  	v51 =	vor.u32 $0x18, v2;
	v3 =	vld.idx.msk [tilespmem:v50+s12+$0x0], $0xffff  }
0x26b: {  	v52 =	vor.u32 $0x19, v1;
	_ =	sdelay $0x3  }
0x26c: {  	[tilespmem:v51+s24+$0x0] =	vst.idx.msk $0xffff, v3  }
0x26d: {  	v53 =	vor.u32 $0x19, v2;
	v3 =	vld.idx.msk [tilespmem:v52+s12+$0x0], $0xffff  }
0x26e: {  	v54 =	vor.u32 $0x1A, v1;
	_ =	sdelay $0x3  }
0x26f: {  	[tilespmem:v53+s24+$0x0] =	vst.idx.msk $0xffff, v3  }
0x270: {  	v55 =	vor.u32 $0x1A, v2;
	v3 =	vld.idx.msk [tilespmem:v54+s12+$0x0], $0xffff  }
0x271: {  	v56 =	vor.u32 $0x1B, v1;
	_ =	sdelay $0x3  }
0x272: {  	[tilespmem:v55+s24+$0x0] =	vst.idx.msk $0xffff, v3  }
0x273: {  	v57 =	vor.u32 $0x1B, v2;
	v3 =	vld.idx.msk [tilespmem:v56+s12+$0x0], $0xffff  }
0x274: {  	v58 =	vor.u32 $0x1C, v1;
	_ =	sdelay $0x3  }
0x275: {  	[tilespmem:v57+s24+$0x0] =	vst.idx.msk $0xffff, v3  }
0x276: {  	v59 =	vor.u32 $0x1C, v2;
	v3 =	vld.idx.msk [tilespmem:v58+s12+$0x0], $0xffff  }
0x277: {  	v60 =	vor.u32 $0x1D, v1;
	_ =	sdelay $0x3  }
0x278: {  	[tilespmem:v59+s24+$0x0] =	vst.idx.msk $0xffff, v3  }
0x279: {  	v61 =	vor.u32 $0x1D, v2;
	v3 =	vld.idx.msk [tilespmem:v60+s12+$0x0], $0xffff  }
0x27a: {  	v62 =	vor.u32 $0x1E, v1;
	_ =	sdelay $0x3  }
0x27b: {  	[tilespmem:v61+s24+$0x0] =	vst.idx.msk $0xffff, v3  }
0x27c: {  	v63 =	vor.u32 $0x1E, v2;
	v3 =	vld.idx.msk [tilespmem:v62+s12+$0x0], $0xffff  }
0x27d: {  	v1 =	vor.u32 $0x1F, v1;
	_ =	sdelay $0x3  }
0x27e: {  	[tilespmem:v63+s24+$0x0] =	vst.idx.msk $0xffff, v3  }
0x27f: {  	s1 =	simm.s32 $0x10;
	s6 =	smov.u32 s8;
	v2 =	vor.u32 $0x1F, v2;
	v1 =	vld.idx.msk [tilespmem:v1+s12+$0x0], $0xffff  }
.LBB2_7:
0x280: {  	_ =	sdelay $0x2  }
0x281: {  	p1 =	sne.s32 s1, $0x90  }
0x282: {  	s6 =	sadd.s32 $0x10, s6;
	s11 =	smov.u32 s1;
	s1 =	sadd.s32 $0x10, s1;
	[tilespmem:v2+s24+$0x0] =	vst.idx.msk $0xffff, v1  }
0x283: {  	v1 =	vld [tilespmem:s6+$0x0];
	_ =	sdelay $0x4  }
0x284: {  	v1 =	vshll.u32 v1, $0x5;
	_ =	sdelay $0x3  }
0x285: {  	v2 =	vmov s11  }
0x286: {  	v2 =	vshll.u32 v2, $0x5;
	v3 =	vld.idx.msk [tilespmem:v1+s12+$0x0], $0xffff  }
0x287: {  	v2 =	vor.u32 v0, v2  }
0x288: {  	v4 =	vor.u32 $0x1, v1;
	_ =	sdelay $0x3  }
0x289: {  	[tilespmem:v2+s24+$0x0] =	vst.idx.msk $0xffff, v3  }
0x28a: {  	v3 =	vld.idx.msk [tilespmem:v4+s12+$0x0], $0xffff  }
0x28b: {  	v4 =	vor.u32 $0x1, v2  }
0x28c: {  	v5 =	vor.u32 $0x2, v1;
	_ =	sdelay $0x3  }
0x28d: {  	[tilespmem:v4+s24+$0x0] =	vst.idx.msk $0xffff, v3  }
0x28e: {  	v3 =	vld.idx.msk [tilespmem:v5+s12+$0x0], $0xffff  }
0x28f: {  	v4 =	vor.u32 $0x2, v2  }
0x290: {  	v5 =	vor.u32 $0x3, v1;
	_ =	sdelay $0x3  }
0x291: {  	[tilespmem:v4+s24+$0x0] =	vst.idx.msk $0xffff, v3  }
0x292: {  	v3 =	vld.idx.msk [tilespmem:v5+s12+$0x0], $0xffff  }
0x293: {  	v4 =	vor.u32 $0x3, v2  }
0x294: {  	v5 =	vor.u32 $0x4, v1;
	_ =	sdelay $0x3  }
0x295: {  	[tilespmem:v4+s24+$0x0] =	vst.idx.msk $0xffff, v3  }
0x296: {  	v3 =	vld.idx.msk [tilespmem:v5+s12+$0x0], $0xffff  }
0x297: {  	v4 =	vor.u32 $0x4, v2  }
0x298: {  	v5 =	vor.u32 $0x5, v1;
	_ =	sdelay $0x3  }
0x299: {  	[tilespmem:v4+s24+$0x0] =	vst.idx.msk $0xffff, v3  }
0x29a: {  	v3 =	vld.idx.msk [tilespmem:v5+s12+$0x0], $0xffff  }
0x29b: {  	v4 =	vor.u32 $0x5, v2  }
0x29c: {  	v5 =	vor.u32 $0x6, v1;
	_ =	sdelay $0x3  }
0x29d: {  	[tilespmem:v4+s24+$0x0] =	vst.idx.msk $0xffff, v3  }
0x29e: {  	v3 =	vld.idx.msk [tilespmem:v5+s12+$0x0], $0xffff  }
0x29f: {  	v4 =	vor.u32 $0x6, v2  }
0x2a0: {  	v5 =	vor.u32 $0x7, v1;
	_ =	sdelay $0x3  }
0x2a1: {  	[tilespmem:v4+s24+$0x0] =	vst.idx.msk $0xffff, v3  }
0x2a2: {  	v3 =	vld.idx.msk [tilespmem:v5+s12+$0x0], $0xffff  }
0x2a3: {  	v4 =	vor.u32 $0x7, v2  }
0x2a4: {  	v5 =	vor.u32 $0x8, v1;
	_ =	sdelay $0x3  }
0x2a5: {  	[tilespmem:v4+s24+$0x0] =	vst.idx.msk $0xffff, v3  }
0x2a6: {  	v3 =	vld.idx.msk [tilespmem:v5+s12+$0x0], $0xffff  }
0x2a7: {  	v4 =	vor.u32 $0x8, v2  }
0x2a8: {  	v5 =	vor.u32 $0x9, v1;
	_ =	sdelay $0x3  }
0x2a9: {  	[tilespmem:v4+s24+$0x0] =	vst.idx.msk $0xffff, v3  }
0x2aa: {  	v3 =	vld.idx.msk [tilespmem:v5+s12+$0x0], $0xffff  }
0x2ab: {  	v4 =	vor.u32 $0x9, v2  }
0x2ac: {  	v5 =	vor.u32 $0xA, v1;
	_ =	sdelay $0x3  }
0x2ad: {  	[tilespmem:v4+s24+$0x0] =	vst.idx.msk $0xffff, v3  }
0x2ae: {  	v3 =	vld.idx.msk [tilespmem:v5+s12+$0x0], $0xffff  }
0x2af: {  	v4 =	vor.u32 $0xA, v2  }
0x2b0: {  	v5 =	vor.u32 $0xB, v1;
	_ =	sdelay $0x3  }
0x2b1: {  	[tilespmem:v4+s24+$0x0] =	vst.idx.msk $0xffff, v3  }
0x2b2: {  	v3 =	vld.idx.msk [tilespmem:v5+s12+$0x0], $0xffff  }
0x2b3: {  	v4 =	vor.u32 $0xB, v2  }
0x2b4: {  	v5 =	vor.u32 $0xC, v1;
	_ =	sdelay $0x3  }
0x2b5: {  	[tilespmem:v4+s24+$0x0] =	vst.idx.msk $0xffff, v3  }
0x2b6: {  	v3 =	vld.idx.msk [tilespmem:v5+s12+$0x0], $0xffff  }
0x2b7: {  	v4 =	vor.u32 $0xC, v2  }
0x2b8: {  	v5 =	vor.u32 $0xD, v1;
	_ =	sdelay $0x3  }
0x2b9: {  	[tilespmem:v4+s24+$0x0] =	vst.idx.msk $0xffff, v3  }
0x2ba: {  	v3 =	vld.idx.msk [tilespmem:v5+s12+$0x0], $0xffff  }
0x2bb: {  	v4 =	vor.u32 $0xD, v2  }
0x2bc: {  	v5 =	vor.u32 $0xE, v1;
	_ =	sdelay $0x3  }
0x2bd: {  	[tilespmem:v4+s24+$0x0] =	vst.idx.msk $0xffff, v3  }
0x2be: {  	v3 =	vld.idx.msk [tilespmem:v5+s12+$0x0], $0xffff  }
0x2bf: {  	v4 =	vor.u32 $0xE, v2  }
0x2c0: {  	v5 =	vor.u32 $0xF, v1;
	_ =	sdelay $0x3  }
0x2c1: {  	[tilespmem:v4+s24+$0x0] =	vst.idx.msk $0xffff, v3  }
0x2c2: {  	v3 =	vld.idx.msk [tilespmem:v5+s12+$0x0], $0xffff  }
0x2c3: {  	v4 =	vor.u32 $0xF, v2  }
0x2c4: {  	v5 =	vor.u32 $0x10, v1;
	_ =	sdelay $0x3  }
0x2c5: {  	[tilespmem:v4+s24+$0x0] =	vst.idx.msk $0xffff, v3  }
0x2c6: {  	v3 =	vld.idx.msk [tilespmem:v5+s12+$0x0], $0xffff  }
0x2c7: {  	v4 =	vor.u32 $0x10, v2  }
0x2c8: {  	v5 =	vor.u32 $0x11, v1;
	_ =	sdelay $0x3  }
0x2c9: {  	[tilespmem:v4+s24+$0x0] =	vst.idx.msk $0xffff, v3  }
0x2ca: {  	v3 =	vld.idx.msk [tilespmem:v5+s12+$0x0], $0xffff  }
0x2cb: {  	v4 =	vor.u32 $0x11, v2  }
0x2cc: {  	v5 =	vor.u32 $0x12, v1;
	_ =	sdelay $0x3  }
0x2cd: {  	[tilespmem:v4+s24+$0x0] =	vst.idx.msk $0xffff, v3  }
0x2ce: {  	v3 =	vld.idx.msk [tilespmem:v5+s12+$0x0], $0xffff  }
0x2cf: {  	v4 =	vor.u32 $0x12, v2  }
0x2d0: {  	v5 =	vor.u32 $0x13, v1;
	_ =	sdelay $0x3  }
0x2d1: {  	[tilespmem:v4+s24+$0x0] =	vst.idx.msk $0xffff, v3  }
0x2d2: {  	v3 =	vld.idx.msk [tilespmem:v5+s12+$0x0], $0xffff  }
0x2d3: {  	v4 =	vor.u32 $0x13, v2  }
0x2d4: {  	v5 =	vor.u32 $0x14, v1;
	_ =	sdelay $0x3  }
0x2d5: {  	[tilespmem:v4+s24+$0x0] =	vst.idx.msk $0xffff, v3  }
0x2d6: {  	v3 =	vld.idx.msk [tilespmem:v5+s12+$0x0], $0xffff  }
0x2d7: {  	v4 =	vor.u32 $0x14, v2  }
0x2d8: {  	v5 =	vor.u32 $0x15, v1;
	_ =	sdelay $0x3  }
0x2d9: {  	[tilespmem:v4+s24+$0x0] =	vst.idx.msk $0xffff, v3  }
0x2da: {  	v3 =	vld.idx.msk [tilespmem:v5+s12+$0x0], $0xffff  }
0x2db: {  	v4 =	vor.u32 $0x15, v2  }
0x2dc: {  	v5 =	vor.u32 $0x16, v1;
	_ =	sdelay $0x3  }
0x2dd: {  	[tilespmem:v4+s24+$0x0] =	vst.idx.msk $0xffff, v3  }
0x2de: {  	v3 =	vld.idx.msk [tilespmem:v5+s12+$0x0], $0xffff  }
0x2df: {  	v4 =	vor.u32 $0x16, v2  }
0x2e0: {  	v5 =	vor.u32 $0x17, v1;
	_ =	sdelay $0x3  }
0x2e1: {  	[tilespmem:v4+s24+$0x0] =	vst.idx.msk $0xffff, v3  }
0x2e2: {  	v3 =	vld.idx.msk [tilespmem:v5+s12+$0x0], $0xffff  }
0x2e3: {  	v4 =	vor.u32 $0x17, v2  }
0x2e4: {  	v5 =	vor.u32 $0x18, v1;
	_ =	sdelay $0x3  }
0x2e5: {  	[tilespmem:v4+s24+$0x0] =	vst.idx.msk $0xffff, v3  }
0x2e6: {  	v3 =	vld.idx.msk [tilespmem:v5+s12+$0x0], $0xffff  }
0x2e7: {  	v4 =	vor.u32 $0x18, v2  }
0x2e8: {  	v5 =	vor.u32 $0x19, v1;
	_ =	sdelay $0x3  }
0x2e9: {  	[tilespmem:v4+s24+$0x0] =	vst.idx.msk $0xffff, v3  }
0x2ea: {  	v3 =	vld.idx.msk [tilespmem:v5+s12+$0x0], $0xffff  }
0x2eb: {  	v4 =	vor.u32 $0x19, v2  }
0x2ec: {  	v5 =	vor.u32 $0x1A, v1;
	_ =	sdelay $0x3  }
0x2ed: {  	[tilespmem:v4+s24+$0x0] =	vst.idx.msk $0xffff, v3  }
0x2ee: {  	v3 =	vld.idx.msk [tilespmem:v5+s12+$0x0], $0xffff  }
0x2ef: {  	v4 =	vor.u32 $0x1A, v2  }
0x2f0: {  	v5 =	vor.u32 $0x1B, v1;
	_ =	sdelay $0x3  }
0x2f1: {  	[tilespmem:v4+s24+$0x0] =	vst.idx.msk $0xffff, v3  }
0x2f2: {  	v3 =	vld.idx.msk [tilespmem:v5+s12+$0x0], $0xffff  }
0x2f3: {  	v4 =	vor.u32 $0x1B, v2  }
0x2f4: {  	v5 =	vor.u32 $0x1C, v1;
	_ =	sdelay $0x3  }
0x2f5: {  	[tilespmem:v4+s24+$0x0] =	vst.idx.msk $0xffff, v3  }
0x2f6: {  	v3 =	vld.idx.msk [tilespmem:v5+s12+$0x0], $0xffff  }
0x2f7: {  	v4 =	vor.u32 $0x1C, v2  }
0x2f8: {  	v5 =	vor.u32 $0x1D, v1;
	_ =	sdelay $0x3  }
0x2f9: {  	[tilespmem:v4+s24+$0x0] =	vst.idx.msk $0xffff, v3  }
0x2fa: {  	v3 =	vld.idx.msk [tilespmem:v5+s12+$0x0], $0xffff  }
0x2fb: {  	v4 =	vor.u32 $0x1D, v2  }
0x2fc: {  	v5 =	vor.u32 $0x1E, v1;
	_ =	sdelay $0x3  }
0x2fd: {  	[tilespmem:v4+s24+$0x0] =	vst.idx.msk $0xffff, v3  }
0x2fe: {  	v3 =	vld.idx.msk [tilespmem:v5+s12+$0x0], $0xffff  }
0x2ff: {  	v4 =	vor.u32 $0x1E, v2  }
0x300: {  	v1 =	vor.u32 $0x1F, v1;
	_ =	sdelay $0x1  }
.Ltmp2:
0x301: {  	(pc) =	sbr.rel @p1 .LBB2_7-.Ltmp2, $4  }
0x302: {  	_ = 	snop  }
0x303: {  	[tilespmem:v4+s24+$0x0] =	vst.idx.msk $0xffff, v3  }
0x304: {  	v1 =	vld.idx.msk [tilespmem:v1+s12+$0x0], $0xffff  }
0x305: {  	v2 =	vor.u32 $0x1F, v2  }
0x306: {  	_ =	sdelay $0x3  }
0x307: {  	s1 =	sadd.s32 s5, s29;
	[tilespmem:v2+s24+$0x0] =	vst.idx.msk $0xffff, v1  }
0x308: {  	s1 =	smul.u32 $0x14, s1;
	_ =	swait.ge [sflag:s25], $0x5000  }
0x309: {  	[sflag:s25] =	ssyncset.done $0x0  }
0x30a: {  	s6 =	sadd.s32 s3, s1;
	[sflag:s25] =	ssyncadd.s32 $0xFFFFB000  }
0x30b: {  	[hbm4b:s6+s19] =	stream.strided.scatter [tilespmem:s16], [sflag:$0x7], $0x5000, s13, s19, $0x38;
	[tilespmem:$0x1C280] =	vst v63  }
0x30c: {  	s1 =	sadd.s32 s1, s9  }
0x30d: {  	[hbm4b:s1+s20] =	stream.strided.scatter [tilespmem:s24], [sflag:$0x7], $0x1400, s13, s20, $0x38;
	[tilespmem:$0x1C280] =	vst v63  }
0x30e: {  	s1 =	simm.s32 @!p0 $0x6  }
0x30f: {  	_ =	swait.ge @!p0 [sflag:s1], $0x5000  }
0x310: {  	[sflag:s1] =	ssyncset.done @!p0 $0x0  }
0x311: {  	[sflag:s1] =	ssyncadd.s32 @!p0 $0xFFFFB000  }
0x312: {  	_ =	swait.ge @!p0 [sflag:s1], $0x1400  }
0x313: {  	s11 =	simm.s32 @!p0 $0x8280;
	[sflag:s1] =	ssyncset.done @!p0 $0x0  }
0x314: {  	s6 =	simm.s32 @!p0 $0xA0;
	[sflag:s1] =	ssyncadd.s32 @!p0 $0xFFFFEC00;
	s1 =	sadd.s32 @!p0 $0x320, s31  }
0x315: {  	[tilespmem:s11], [sflag:$0x2] =	stream.indirect.gather @!p0 [hbm4b:s2+s6], $0x80, s1, s6, $0xb8;
	[tilespmem:$0x1C280] =	vst v63  }
0x316: {  	v1 =	vld [tilespmem:s10+$0x0];
	_ =	sdelay $0x4  }
0x317: {  	v1 =	vshll.u32 v1, $0x5;
	_ =	sdelay $0x1  }
0x318: {  	s31 =	simm.s32 $0x0  }
0x319: {  	v2 =	vmov s31  }
0x31a: {  	v2 =	vshll.u32 v2, $0x5  }
0x31b: {  	v2 =	vor.u32 v0, v2;
	v3 =	vld.idx.msk [tilespmem:v1+s12+$0x0], $0xffff  }
0x31c: {  	v4 =	vor.u32 $0x1, v1;
	_ =	sdelay $0x3  }
0x31d: {  	[tilespmem:v2+s26+$0x0] =	vst.idx.msk $0xffff, v3  }
0x31e: {  	v62 =	vor.u32 $0x1, v2;
	v3 =	vld.idx.msk [tilespmem:v4+s12+$0x0], $0xffff  }
0x31f: {  	v5 =	vor.u32 $0x2, v1;
	_ =	sdelay $0x3  }
0x320: {  	[tilespmem:v62+s26+$0x0] =	vst.idx.msk $0xffff, v3  }
0x321: {  	v63 =	vor.u32 $0x2, v2;
	v3 =	vld.idx.msk [tilespmem:v5+s12+$0x0], $0xffff  }
0x322: {  	v8 =	vor.u32 $0x3, v1;
	_ =	sdelay $0x3  }
0x323: {  	[tilespmem:v63+s26+$0x0] =	vst.idx.msk $0xffff, v3  }
0x324: {  	v9 =	vor.u32 $0x3, v2;
	v3 =	vld.idx.msk [tilespmem:v8+s12+$0x0], $0xffff  }
0x325: {  	v10 =	vor.u32 $0x4, v1;
	_ =	sdelay $0x3  }
0x326: {  	[tilespmem:v9+s26+$0x0] =	vst.idx.msk $0xffff, v3  }
0x327: {  	v11 =	vor.u32 $0x4, v2;
	v3 =	vld.idx.msk [tilespmem:v10+s12+$0x0], $0xffff  }
0x328: {  	v12 =	vor.u32 $0x5, v1;
	_ =	sdelay $0x3  }
0x329: {  	[tilespmem:v11+s26+$0x0] =	vst.idx.msk $0xffff, v3  }
0x32a: {  	v13 =	vor.u32 $0x5, v2;
	v3 =	vld.idx.msk [tilespmem:v12+s12+$0x0], $0xffff  }
0x32b: {  	v14 =	vor.u32 $0x6, v1;
	_ =	sdelay $0x3  }
0x32c: {  	[tilespmem:v13+s26+$0x0] =	vst.idx.msk $0xffff, v3  }
0x32d: {  	v15 =	vor.u32 $0x6, v2;
	v3 =	vld.idx.msk [tilespmem:v14+s12+$0x0], $0xffff  }
0x32e: {  	v16 =	vor.u32 $0x7, v1;
	_ =	sdelay $0x3  }
0x32f: {  	[tilespmem:v15+s26+$0x0] =	vst.idx.msk $0xffff, v3  }
0x330: {  	v17 =	vor.u32 $0x7, v2;
	v3 =	vld.idx.msk [tilespmem:v16+s12+$0x0], $0xffff  }
0x331: {  	v18 =	vor.u32 $0x8, v1;
	_ =	sdelay $0x3  }
0x332: {  	[tilespmem:v17+s26+$0x0] =	vst.idx.msk $0xffff, v3  }
0x333: {  	v19 =	vor.u32 $0x8, v2;
	v3 =	vld.idx.msk [tilespmem:v18+s12+$0x0], $0xffff  }
0x334: {  	v20 =	vor.u32 $0x9, v1;
	_ =	sdelay $0x3  }
0x335: {  	[tilespmem:v19+s26+$0x0] =	vst.idx.msk $0xffff, v3  }
0x336: {  	v21 =	vor.u32 $0x9, v2;
	v3 =	vld.idx.msk [tilespmem:v20+s12+$0x0], $0xffff  }
0x337: {  	v22 =	vor.u32 $0xA, v1;
	_ =	sdelay $0x3  }
0x338: {  	[tilespmem:v21+s26+$0x0] =	vst.idx.msk $0xffff, v3  }
0x339: {  	v23 =	vor.u32 $0xA, v2;
	v3 =	vld.idx.msk [tilespmem:v22+s12+$0x0], $0xffff  }
0x33a: {  	v24 =	vor.u32 $0xB, v1;
	_ =	sdelay $0x3  }
0x33b: {  	[tilespmem:v23+s26+$0x0] =	vst.idx.msk $0xffff, v3  }
0x33c: {  	v25 =	vor.u32 $0xB, v2;
	v3 =	vld.idx.msk [tilespmem:v24+s12+$0x0], $0xffff  }
0x33d: {  	v26 =	vor.u32 $0xC, v1;
	_ =	sdelay $0x3  }
0x33e: {  	[tilespmem:v25+s26+$0x0] =	vst.idx.msk $0xffff, v3  }
0x33f: {  	v27 =	vor.u32 $0xC, v2;
	v3 =	vld.idx.msk [tilespmem:v26+s12+$0x0], $0xffff  }
0x340: {  	v28 =	vor.u32 $0xD, v1;
	_ =	sdelay $0x3  }
0x341: {  	[tilespmem:v27+s26+$0x0] =	vst.idx.msk $0xffff, v3  }
0x342: {  	v29 =	vor.u32 $0xD, v2;
	v3 =	vld.idx.msk [tilespmem:v28+s12+$0x0], $0xffff  }
0x343: {  	v30 =	vor.u32 $0xE, v1;
	_ =	sdelay $0x3  }
0x344: {  	[tilespmem:v29+s26+$0x0] =	vst.idx.msk $0xffff, v3  }
0x345: {  	v31 =	vor.u32 $0xE, v2;
	v3 =	vld.idx.msk [tilespmem:v30+s12+$0x0], $0xffff  }
0x346: {  	v32 =	vor.u32 $0xF, v1;
	_ =	sdelay $0x3  }
0x347: {  	[tilespmem:v31+s26+$0x0] =	vst.idx.msk $0xffff, v3  }
0x348: {  	v33 =	vor.u32 $0xF, v2;
	v3 =	vld.idx.msk [tilespmem:v32+s12+$0x0], $0xffff  }
0x349: {  	v34 =	vor.u32 $0x10, v1;
	_ =	sdelay $0x3  }
0x34a: {  	[tilespmem:v33+s26+$0x0] =	vst.idx.msk $0xffff, v3  }
0x34b: {  	v35 =	vor.u32 $0x10, v2;
	v3 =	vld.idx.msk [tilespmem:v34+s12+$0x0], $0xffff  }
0x34c: {  	v36 =	vor.u32 $0x11, v1;
	_ =	sdelay $0x3  }
0x34d: {  	[tilespmem:v35+s26+$0x0] =	vst.idx.msk $0xffff, v3  }
0x34e: {  	v37 =	vor.u32 $0x11, v2;
	v3 =	vld.idx.msk [tilespmem:v36+s12+$0x0], $0xffff  }
0x34f: {  	v38 =	vor.u32 $0x12, v1;
	_ =	sdelay $0x3  }
0x350: {  	[tilespmem:v37+s26+$0x0] =	vst.idx.msk $0xffff, v3  }
0x351: {  	v39 =	vor.u32 $0x12, v2;
	v3 =	vld.idx.msk [tilespmem:v38+s12+$0x0], $0xffff  }
0x352: {  	v40 =	vor.u32 $0x13, v1;
	_ =	sdelay $0x3  }
0x353: {  	[tilespmem:v39+s26+$0x0] =	vst.idx.msk $0xffff, v3  }
0x354: {  	v41 =	vor.u32 $0x13, v2;
	v3 =	vld.idx.msk [tilespmem:v40+s12+$0x0], $0xffff  }
0x355: {  	v42 =	vor.u32 $0x14, v1;
	_ =	sdelay $0x3  }
0x356: {  	[tilespmem:v41+s26+$0x0] =	vst.idx.msk $0xffff, v3  }
0x357: {  	v43 =	vor.u32 $0x14, v2;
	v3 =	vld.idx.msk [tilespmem:v42+s12+$0x0], $0xffff  }
0x358: {  	v44 =	vor.u32 $0x15, v1;
	_ =	sdelay $0x3  }
0x359: {  	[tilespmem:v43+s26+$0x0] =	vst.idx.msk $0xffff, v3  }
0x35a: {  	v45 =	vor.u32 $0x15, v2;
	v3 =	vld.idx.msk [tilespmem:v44+s12+$0x0], $0xffff  }
0x35b: {  	v46 =	vor.u32 $0x16, v1;
	_ =	sdelay $0x3  }
0x35c: {  	[tilespmem:v45+s26+$0x0] =	vst.idx.msk $0xffff, v3  }
0x35d: {  	v47 =	vor.u32 $0x16, v2;
	v3 =	vld.idx.msk [tilespmem:v46+s12+$0x0], $0xffff  }
0x35e: {  	v48 =	vor.u32 $0x17, v1;
	_ =	sdelay $0x3  }
0x35f: {  	[tilespmem:v47+s26+$0x0] =	vst.idx.msk $0xffff, v3  }
0x360: {  	v49 =	vor.u32 $0x17, v2;
	v3 =	vld.idx.msk [tilespmem:v48+s12+$0x0], $0xffff  }
0x361: {  	v50 =	vor.u32 $0x18, v1;
	_ =	sdelay $0x3  }
0x362: {  	[tilespmem:v49+s26+$0x0] =	vst.idx.msk $0xffff, v3  }
0x363: {  	v51 =	vor.u32 $0x18, v2;
	v3 =	vld.idx.msk [tilespmem:v50+s12+$0x0], $0xffff  }
0x364: {  	v52 =	vor.u32 $0x19, v1;
	_ =	sdelay $0x3  }
0x365: {  	[tilespmem:v51+s26+$0x0] =	vst.idx.msk $0xffff, v3  }
0x366: {  	v53 =	vor.u32 $0x19, v2;
	v3 =	vld.idx.msk [tilespmem:v52+s12+$0x0], $0xffff  }
0x367: {  	v54 =	vor.u32 $0x1A, v1;
	_ =	sdelay $0x3  }
0x368: {  	[tilespmem:v53+s26+$0x0] =	vst.idx.msk $0xffff, v3  }
0x369: {  	v55 =	vor.u32 $0x1A, v2;
	v3 =	vld.idx.msk [tilespmem:v54+s12+$0x0], $0xffff  }
0x36a: {  	v56 =	vor.u32 $0x1B, v1;
	_ =	sdelay $0x3  }
0x36b: {  	[tilespmem:v55+s26+$0x0] =	vst.idx.msk $0xffff, v3  }
0x36c: {  	v57 =	vor.u32 $0x1B, v2;
	v3 =	vld.idx.msk [tilespmem:v56+s12+$0x0], $0xffff  }
0x36d: {  	v58 =	vor.u32 $0x1C, v1;
	_ =	sdelay $0x3  }
0x36e: {  	[tilespmem:v57+s26+$0x0] =	vst.idx.msk $0xffff, v3  }
0x36f: {  	v59 =	vor.u32 $0x1C, v2;
	v3 =	vld.idx.msk [tilespmem:v58+s12+$0x0], $0xffff  }
0x370: {  	v60 =	vor.u32 $0x1D, v1;
	_ =	sdelay $0x3  }
0x371: {  	[tilespmem:v59+s26+$0x0] =	vst.idx.msk $0xffff, v3  }
0x372: {  	v61 =	vor.u32 $0x1D, v2;
	v3 =	vld.idx.msk [tilespmem:v60+s12+$0x0], $0xffff  }
0x373: {  	v62 =	vor.u32 $0x1E, v1;
	_ =	sdelay $0x3  }
0x374: {  	[tilespmem:v61+s26+$0x0] =	vst.idx.msk $0xffff, v3  }
0x375: {  	v63 =	vor.u32 $0x1E, v2;
	v3 =	vld.idx.msk [tilespmem:v62+s12+$0x0], $0xffff  }
0x376: {  	v1 =	vor.u32 $0x1F, v1;
	_ =	sdelay $0x3  }
0x377: {  	[tilespmem:v63+s26+$0x0] =	vst.idx.msk $0xffff, v3  }
0x378: {  	s1 =	simm.s32 $0x10;
	s6 =	smov.u32 s10;
	v2 =	vor.u32 $0x1F, v2;
	v1 =	vld.idx.msk [tilespmem:v1+s12+$0x0], $0xffff  }
.LBB2_9:
0x379: {  	_ =	sdelay $0x2  }
0x37a: {  	p0 =	sne.s32 s1, $0x90  }
0x37b: {  	s6 =	sadd.s32 $0x10, s6;
	s11 =	smov.u32 s1;
	s1 =	sadd.s32 $0x10, s1;
	[tilespmem:v2+s26+$0x0] =	vst.idx.msk $0xffff, v1  }
0x37c: {  	v1 =	vld [tilespmem:s6+$0x0];
	_ =	sdelay $0x4  }
0x37d: {  	v1 =	vshll.u32 v1, $0x5;
	_ =	sdelay $0x3  }
0x37e: {  	v2 =	vmov s11  }
0x37f: {  	v2 =	vshll.u32 v2, $0x5;
	v3 =	vld.idx.msk [tilespmem:v1+s12+$0x0], $0xffff  }
0x380: {  	v2 =	vor.u32 v0, v2  }
0x381: {  	v4 =	vor.u32 $0x1, v1;
	_ =	sdelay $0x3  }
0x382: {  	[tilespmem:v2+s26+$0x0] =	vst.idx.msk $0xffff, v3  }
0x383: {  	v3 =	vld.idx.msk [tilespmem:v4+s12+$0x0], $0xffff  }
0x384: {  	v4 =	vor.u32 $0x1, v2  }
0x385: {  	v5 =	vor.u32 $0x2, v1;
	_ =	sdelay $0x3  }
0x386: {  	[tilespmem:v4+s26+$0x0] =	vst.idx.msk $0xffff, v3  }
0x387: {  	v3 =	vld.idx.msk [tilespmem:v5+s12+$0x0], $0xffff  }
0x388: {  	v4 =	vor.u32 $0x2, v2  }
0x389: {  	v5 =	vor.u32 $0x3, v1;
	_ =	sdelay $0x3  }
0x38a: {  	[tilespmem:v4+s26+$0x0] =	vst.idx.msk $0xffff, v3  }
0x38b: {  	v3 =	vld.idx.msk [tilespmem:v5+s12+$0x0], $0xffff  }
0x38c: {  	v4 =	vor.u32 $0x3, v2  }
0x38d: {  	v5 =	vor.u32 $0x4, v1;
	_ =	sdelay $0x3  }
0x38e: {  	[tilespmem:v4+s26+$0x0] =	vst.idx.msk $0xffff, v3  }
0x38f: {  	v3 =	vld.idx.msk [tilespmem:v5+s12+$0x0], $0xffff  }
0x390: {  	v4 =	vor.u32 $0x4, v2  }
0x391: {  	v5 =	vor.u32 $0x5, v1;
	_ =	sdelay $0x3  }
0x392: {  	[tilespmem:v4+s26+$0x0] =	vst.idx.msk $0xffff, v3  }
0x393: {  	v3 =	vld.idx.msk [tilespmem:v5+s12+$0x0], $0xffff  }
0x394: {  	v4 =	vor.u32 $0x5, v2  }
0x395: {  	v5 =	vor.u32 $0x6, v1;
	_ =	sdelay $0x3  }
0x396: {  	[tilespmem:v4+s26+$0x0] =	vst.idx.msk $0xffff, v3  }
0x397: {  	v3 =	vld.idx.msk [tilespmem:v5+s12+$0x0], $0xffff  }
0x398: {  	v4 =	vor.u32 $0x6, v2  }
0x399: {  	v5 =	vor.u32 $0x7, v1;
	_ =	sdelay $0x3  }
0x39a: {  	[tilespmem:v4+s26+$0x0] =	vst.idx.msk $0xffff, v3  }
0x39b: {  	v3 =	vld.idx.msk [tilespmem:v5+s12+$0x0], $0xffff  }
0x39c: {  	v4 =	vor.u32 $0x7, v2  }
0x39d: {  	v5 =	vor.u32 $0x8, v1;
	_ =	sdelay $0x3  }
0x39e: {  	[tilespmem:v4+s26+$0x0] =	vst.idx.msk $0xffff, v3  }
0x39f: {  	v3 =	vld.idx.msk [tilespmem:v5+s12+$0x0], $0xffff  }
0x3a0: {  	v4 =	vor.u32 $0x8, v2  }
0x3a1: {  	v5 =	vor.u32 $0x9, v1;
	_ =	sdelay $0x3  }
0x3a2: {  	[tilespmem:v4+s26+$0x0] =	vst.idx.msk $0xffff, v3  }
0x3a3: {  	v3 =	vld.idx.msk [tilespmem:v5+s12+$0x0], $0xffff  }
0x3a4: {  	v4 =	vor.u32 $0x9, v2  }
0x3a5: {  	v5 =	vor.u32 $0xA, v1;
	_ =	sdelay $0x3  }
0x3a6: {  	[tilespmem:v4+s26+$0x0] =	vst.idx.msk $0xffff, v3  }
0x3a7: {  	v3 =	vld.idx.msk [tilespmem:v5+s12+$0x0], $0xffff  }
0x3a8: {  	v4 =	vor.u32 $0xA, v2  }
0x3a9: {  	v5 =	vor.u32 $0xB, v1;
	_ =	sdelay $0x3  }
0x3aa: {  	[tilespmem:v4+s26+$0x0] =	vst.idx.msk $0xffff, v3  }
0x3ab: {  	v3 =	vld.idx.msk [tilespmem:v5+s12+$0x0], $0xffff  }
0x3ac: {  	v4 =	vor.u32 $0xB, v2  }
0x3ad: {  	v5 =	vor.u32 $0xC, v1;
	_ =	sdelay $0x3  }
0x3ae: {  	[tilespmem:v4+s26+$0x0] =	vst.idx.msk $0xffff, v3  }
0x3af: {  	v3 =	vld.idx.msk [tilespmem:v5+s12+$0x0], $0xffff  }
0x3b0: {  	v4 =	vor.u32 $0xC, v2  }
0x3b1: {  	v5 =	vor.u32 $0xD, v1;
	_ =	sdelay $0x3  }
0x3b2: {  	[tilespmem:v4+s26+$0x0] =	vst.idx.msk $0xffff, v3  }
0x3b3: {  	v3 =	vld.idx.msk [tilespmem:v5+s12+$0x0], $0xffff  }
0x3b4: {  	v4 =	vor.u32 $0xD, v2  }
0x3b5: {  	v5 =	vor.u32 $0xE, v1;
	_ =	sdelay $0x3  }
0x3b6: {  	[tilespmem:v4+s26+$0x0] =	vst.idx.msk $0xffff, v3  }
0x3b7: {  	v3 =	vld.idx.msk [tilespmem:v5+s12+$0x0], $0xffff  }
0x3b8: {  	v4 =	vor.u32 $0xE, v2  }
0x3b9: {  	v5 =	vor.u32 $0xF, v1;
	_ =	sdelay $0x3  }
0x3ba: {  	[tilespmem:v4+s26+$0x0] =	vst.idx.msk $0xffff, v3  }
0x3bb: {  	v3 =	vld.idx.msk [tilespmem:v5+s12+$0x0], $0xffff  }
0x3bc: {  	v4 =	vor.u32 $0xF, v2  }
0x3bd: {  	v5 =	vor.u32 $0x10, v1;
	_ =	sdelay $0x3  }
0x3be: {  	[tilespmem:v4+s26+$0x0] =	vst.idx.msk $0xffff, v3  }
0x3bf: {  	v3 =	vld.idx.msk [tilespmem:v5+s12+$0x0], $0xffff  }
0x3c0: {  	v4 =	vor.u32 $0x10, v2  }
0x3c1: {  	v5 =	vor.u32 $0x11, v1;
	_ =	sdelay $0x3  }
0x3c2: {  	[tilespmem:v4+s26+$0x0] =	vst.idx.msk $0xffff, v3  }
0x3c3: {  	v3 =	vld.idx.msk [tilespmem:v5+s12+$0x0], $0xffff  }
0x3c4: {  	v4 =	vor.u32 $0x11, v2  }
0x3c5: {  	v5 =	vor.u32 $0x12, v1;
	_ =	sdelay $0x3  }
0x3c6: {  	[tilespmem:v4+s26+$0x0] =	vst.idx.msk $0xffff, v3  }
0x3c7: {  	v3 =	vld.idx.msk [tilespmem:v5+s12+$0x0], $0xffff  }
0x3c8: {  	v4 =	vor.u32 $0x12, v2  }
0x3c9: {  	v5 =	vor.u32 $0x13, v1;
	_ =	sdelay $0x3  }
0x3ca: {  	[tilespmem:v4+s26+$0x0] =	vst.idx.msk $0xffff, v3  }
0x3cb: {  	v3 =	vld.idx.msk [tilespmem:v5+s12+$0x0], $0xffff  }
0x3cc: {  	v4 =	vor.u32 $0x13, v2  }
0x3cd: {  	v5 =	vor.u32 $0x14, v1;
	_ =	sdelay $0x3  }
0x3ce: {  	[tilespmem:v4+s26+$0x0] =	vst.idx.msk $0xffff, v3  }
0x3cf: {  	v3 =	vld.idx.msk [tilespmem:v5+s12+$0x0], $0xffff  }
0x3d0: {  	v4 =	vor.u32 $0x14, v2  }
0x3d1: {  	v5 =	vor.u32 $0x15, v1;
	_ =	sdelay $0x3  }
0x3d2: {  	[tilespmem:v4+s26+$0x0] =	vst.idx.msk $0xffff, v3  }
0x3d3: {  	v3 =	vld.idx.msk [tilespmem:v5+s12+$0x0], $0xffff  }
0x3d4: {  	v4 =	vor.u32 $0x15, v2  }
0x3d5: {  	v5 =	vor.u32 $0x16, v1;
	_ =	sdelay $0x3  }
0x3d6: {  	[tilespmem:v4+s26+$0x0] =	vst.idx.msk $0xffff, v3  }
0x3d7: {  	v3 =	vld.idx.msk [tilespmem:v5+s12+$0x0], $0xffff  }
0x3d8: {  	v4 =	vor.u32 $0x16, v2  }
0x3d9: {  	v5 =	vor.u32 $0x17, v1;
	_ =	sdelay $0x3  }
0x3da: {  	[tilespmem:v4+s26+$0x0] =	vst.idx.msk $0xffff, v3  }
0x3db: {  	v3 =	vld.idx.msk [tilespmem:v5+s12+$0x0], $0xffff  }
0x3dc: {  	v4 =	vor.u32 $0x17, v2  }
0x3dd: {  	v5 =	vor.u32 $0x18, v1;
	_ =	sdelay $0x3  }
0x3de: {  	[tilespmem:v4+s26+$0x0] =	vst.idx.msk $0xffff, v3  }
0x3df: {  	v3 =	vld.idx.msk [tilespmem:v5+s12+$0x0], $0xffff  }
0x3e0: {  	v4 =	vor.u32 $0x18, v2  }
0x3e1: {  	v5 =	vor.u32 $0x19, v1;
	_ =	sdelay $0x3  }
0x3e2: {  	[tilespmem:v4+s26+$0x0] =	vst.idx.msk $0xffff, v3  }
0x3e3: {  	v3 =	vld.idx.msk [tilespmem:v5+s12+$0x0], $0xffff  }
0x3e4: {  	v4 =	vor.u32 $0x19, v2  }
0x3e5: {  	v5 =	vor.u32 $0x1A, v1;
	_ =	sdelay $0x3  }
0x3e6: {  	[tilespmem:v4+s26+$0x0] =	vst.idx.msk $0xffff, v3  }
0x3e7: {  	v3 =	vld.idx.msk [tilespmem:v5+s12+$0x0], $0xffff  }
0x3e8: {  	v4 =	vor.u32 $0x1A, v2  }
0x3e9: {  	v5 =	vor.u32 $0x1B, v1;
	_ =	sdelay $0x3  }
0x3ea: {  	[tilespmem:v4+s26+$0x0] =	vst.idx.msk $0xffff, v3  }
0x3eb: {  	v3 =	vld.idx.msk [tilespmem:v5+s12+$0x0], $0xffff  }
0x3ec: {  	v4 =	vor.u32 $0x1B, v2  }
0x3ed: {  	v5 =	vor.u32 $0x1C, v1;
	_ =	sdelay $0x3  }
0x3ee: {  	[tilespmem:v4+s26+$0x0] =	vst.idx.msk $0xffff, v3  }
0x3ef: {  	v3 =	vld.idx.msk [tilespmem:v5+s12+$0x0], $0xffff  }
0x3f0: {  	v4 =	vor.u32 $0x1C, v2  }
0x3f1: {  	v5 =	vor.u32 $0x1D, v1;
	_ =	sdelay $0x3  }
0x3f2: {  	[tilespmem:v4+s26+$0x0] =	vst.idx.msk $0xffff, v3  }
0x3f3: {  	v3 =	vld.idx.msk [tilespmem:v5+s12+$0x0], $0xffff  }
0x3f4: {  	v4 =	vor.u32 $0x1D, v2  }
0x3f5: {  	v5 =	vor.u32 $0x1E, v1;
	_ =	sdelay $0x3  }
0x3f6: {  	[tilespmem:v4+s26+$0x0] =	vst.idx.msk $0xffff, v3  }
0x3f7: {  	v3 =	vld.idx.msk [tilespmem:v5+s12+$0x0], $0xffff  }
0x3f8: {  	v4 =	vor.u32 $0x1E, v2  }
0x3f9: {  	v1 =	vor.u32 $0x1F, v1;
	_ =	sdelay $0x1  }
.Ltmp3:
0x3fa: {  	(pc) =	sbr.rel @p0 .LBB2_9-.Ltmp3, $4  }
0x3fb: {  	_ = 	snop  }
0x3fc: {  	[tilespmem:v4+s26+$0x0] =	vst.idx.msk $0xffff, v3  }
0x3fd: {  	v1 =	vld.idx.msk [tilespmem:v1+s12+$0x0], $0xffff  }
0x3fe: {  	v2 =	vor.u32 $0x1F, v2  }
0x3ff: {  	_ =	sdelay $0x3  }
0x400: {  	s1 =	sadd.s32 s5, s30;
	s4 =	sadd.s32 $0x1, s4;
	[tilespmem:v2+s26+$0x0] =	vst.idx.msk $0xffff, v1  }
0x401: {  	s1 =	smul.u32 $0x14, s1;
	p0 =	sne.s32 s4, $0xA;
	_ =	swait.ge [sflag:s28], $0x5000  }
.Ltmp4:
0x402: {  	s0 =	sadd.s32 $0x280, s0;
	[sflag:s28] =	ssyncset.done $0x0;
	(pc) =	sbr.rel @p0 .LBB2_2-.Ltmp4, $4  }
0x403: {  	s7 =	sadd.s32 $0x280, s7;
	s6 =	sadd.s32 s3, s1;
	[sflag:s28] =	ssyncadd.s32 $0xFFFFB000  }
0x404: {  	[hbm4b:s6+s19] =	stream.strided.scatter [tilespmem:s21], [sflag:$0x8], $0x5000, s13, s19, $0x38;
	[tilespmem:$0x1C280] =	vst v63  }
0x405: {  	s8 =	sadd.s32 $0x280, s8;
	s10 =	sadd.s32 $0x280, s10;
	s1 =	sadd.s32 s1, s9  }
0x406: {  	[hbm4b:s1+s20] =	stream.strided.scatter [tilespmem:s26], [sflag:$0x8], $0x1400, s13, s20, $0x38;
	[tilespmem:$0x1C280] =	vst v63  }
0x407: {  	s0 =	simm.s32 $0x5  }
0x408: {  	_ =	swait.ge [sflag:s0], $0x5000  }
0x409: {  	[sflag:s0] =	ssyncset.done $0x0  }
0x40a: {  	[sflag:s0] =	ssyncadd.s32 $0xFFFFB000  }
0x40b: {  	_ =	swait.ge [sflag:s0], $0x1400  }
0x40c: {  	[sflag:s0] =	ssyncset.done $0x0  }
0x40d: {  	s29 =	simm.s32 $0x6;
	[sflag:s0] =	ssyncadd.s32 $0xFFFFEC00  }
0x40e: {  	_ =	swait.ge [sflag:s29], $0x5000  }
0x40f: {  	[sflag:s29] =	ssyncset.done $0x0  }
0x410: {  	[sflag:s29] =	ssyncadd.s32 $0xFFFFB000  }
0x411: {  	_ =	swait.ge [sflag:s29], $0x1400  }
0x412: {  	[sflag:s29] =	ssyncset.done $0x0  }
0x413: {  	s30 =	simm.s32 $0x7;
	[sflag:s29] =	ssyncadd.s32 $0xFFFFEC00  }
0x414: {  	_ =	swait.ge [sflag:s30], $0x5000  }
0x415: {  	[sflag:s30] =	ssyncset.done $0x0  }
0x416: {  	[sflag:s30] =	ssyncadd.s32 $0xFFFFB000  }
0x417: {  	_ =	swait.ge [sflag:s30], $0x1400  }
0x418: {  	[sflag:s30] =	ssyncset.done $0x0  }
0x419: {  	s1 =	simm.s32 $0x8;
	[sflag:s30] =	ssyncadd.s32 $0xFFFFEC00  }
0x41a: {  	_ =	swait.ge [sflag:s1], $0x5000  }
0x41b: {  	[sflag:s1] =	ssyncset.done $0x0  }
0x41c: {  	[sflag:s1] =	ssyncadd.s32 $0xFFFFB000  }
0x41d: {  	_ =	swait.ge [sflag:s1], $0x1400  }
0x41e: {  	s4 =	rddreg [dreg:$0x8]  }
0x41f: {  	s31 =	rddreg [dreg:$0x7];
	s4 =	sadd.s32 $0x1, s4  }
0x420: {  	p0 =	sne.s32 s4, s31  }
.Ltmp5:
0x421: {  	_ = 	snop;
	(pc) =	sbr.rel @p0 .LBB2_1-.Ltmp5, $3  }
0x422: {  	_ =	sdelay $0x1  }
0x423: {  	[sflag:s1] =	ssyncset.done $0x0  }
0x424: {  	[sflag:s1] =	ssyncadd.s32 $0xFFFFEC00  }
0x425: {  	_ =	sfence.sel $0x180000  }
0x426: {  	[bflag:$0x0] =	sbarrier.arrive $0xFFFF  }
0x427: {  	_ =	strace $0x90000047  }
0x428: {  	s0 =	stileid.u32;
	[bflag:$0x2] =	sbarrier.arrive $0xFFFF  }
0x429: {  	p0 =	sne.s32 s0, $0x0;
	s0 =	rddreg [dreg:$0x3]  }
0x42a: {  	s0 =	sadd.s32 @!p0 $0x100000, s0  }
0x42b: {  	[sflag:s0] =	ssyncadd.tile.s32 @!p0 $0x1;
	_ =	shalt  }
.Lfunc_end2:
_tile_overlayer_lowered:
.L_overlay_start_2:
0x42c: {  	(tag) =	ssettag $0x2  }
0x42d: {  	s0 =	rddreg [dreg:$0x0];
	s2 =	stileid.u32  }
0x42e: {  	s1 =	rddreg [dreg:$0x1];
	p0 =	sne.s32 s2, $0x0  }
0x42f: {  	s3 =	rddreg [dreg:$0x2];
	[bflag:$0x3] =	sbarrier.arrive $0xFFFF;
	s2 =	simm.s32 @!p0 $0x1C09  }
0x430: {  	[timem:s3], [sflag:s2] =	dma.local @!p0 [hbm:s0], s1  }
0x431: {  	s0 =	simm.s32 @!p0 $0x9  }
0x432: {  	_ =	swait.ge @!p0 [sflag:s0], s1  }
0x433: {  	s1 =	ssub.s32 @!p0 $0x0, s1;
	[sflag:s0] =	ssyncset.done @!p0 $0x0  }
0x434: {  	[sflag:s0] =	ssyncadd.s32 @!p0 s1  }
0x435: {  	[bflag:$0x3] =	sbarrier.arrive $0xFFFF  }
0x436: {  	_ =	shalt  }

// kernel: sparse-core-data-format-call.cloned.1.call-start
scs
called_computation_lowered:
.L_overlay_start_0:
0x0: {  	s2 =	sld [smem:$0x3FD9]  }
0x1: {  	s3 =	sld [smem:$0x3FFE];
	_ =	sdelay $0x1  }
0x2: {  	s1 =	srdreg.scid  }
0x3: {  	s0 =	sand.u32 $0x1, s1  }
0x4: {  	s18 =	sshll.u32 s0, $0xA;
	s2 =	sadd.s32 s3, s2  }
0x5: {  	s2 =	sadd.s32 s2, s18  }
0x6: {  	[smem:$0x3FC4] =	sst s2  }
0x7: {  	_ = 	snop  }
0x8: {  	s2 =	sld [smem:$0x3FD0];
	(tm) =	ssettm $0x1  }
0x9: {  	s19 =	sld [smem:$0x3FFB];
	_ =	sdelay $0x3  }
0xa: {  	_ =	strace s19  }
0xb: {  	s3 =	sld [smem:$0x3FFC];
	_ =	sdelay $0x3  }
0xc: {  	_ =	strace s3  }
0xd: {  	s3 =	sld [smem:$0x3FFD];
	_ =	sdelay $0x3  }
0xe: {  	_ =	strace s3  }
0xf: {  	_ =	strace $0x8FFFFFFF  }
0x10: {  	s20 =	sld [smem:$0x3FDB];
	_ =	sdelay $0x1  }
0x11: {  	s4 =	simm.s32 $_scs_section_size  }
0x12: {  	s5 =	simm.s32 $_size__tile_overlayer_lowered;
	s6 =	simm.s32 $_tile_overlayer_lowered  }
0x13: {  	s23 =	simm.s32 $0x1BFF;
	s22 =	sshll.u32 s6, $0x1;
	s3 =	sadd.s32 s4, s20  }
0x14: {  	s7 =	simm.s32 $0x0;
	s21 =	sshll.u32 s5, $0x1;
	s5 =	sadd.s32 s22, s3  }
0x15: {  	[timem:s7], [sflag:s23] =	dma.local [hbm:s5], s21  }
0x16: {  	_ =	swait.ge [sflag:s23], s21  }
0x17: {  	s4 =	ssub.s32 $0x0, s21;
	[sflag:s23] =	ssyncset.done $0x0  }
0x18: {  	[sflag:s23] =	ssyncadd.s32 s4;
	_ =	sdelay $0x1  }
0x19: {  	s24 =	simm.s32 $0x1B8B  }
0x1a: {  	_ =	swait.ge [sflag:s24], $0x1  }
0x1b: {  	[sflag:s24] =	ssyncset.done $0x0  }
0x1c: {  	s26 =	simm.s32 $0x1B8E;
	s25 =	sld [smem:$0x3FFE];
	[sflag:s24] =	ssyncadd.s32 $0xFFFFFFFF  }
0x1d: {  	s27 =	simm.s32 $execute0_lowered;
	[smem:$0x3FD2] =	sst s26  }
0x1e: {  	s5 =	sshll.u32 s27, $0x1;
	_ =	strace $0x80000049;
	[dreg:$0x1] =	wrdreg $0xFFFFFFFF  }
0x1f: {  	s28 =	simm.s32 $_size_execute0_lowered;
	s3 =	sadd.s32 s3, s5;
	[dreg:$0x0] =	wrdreg $0x0  }
0x20: {  	s5 =	sshll.u32 s28, $0x1;
	[dreg:$0x2] =	wrdreg s3  }
0x21: {  	[dreg:$0x3] =	wrdreg s5  }
0x22: {  	[dreg:$0x4] =	wrdreg $0xC0  }
0x23: {  	_ =	task [dreg:s7], $0x5FFFF  }
0x24: {  	[dreg:$0x1] =	wrdreg $0xFFFFFFFF  }
0x25: {  	[dreg:$0x0] =	wrdreg $0x60  }
0x26: {  	[dreg:$0x2] =	wrdreg s25  }
0x27: {  	[dreg:$0x3] =	wrdreg s2  }
0x28: {  	[dreg:$0x4] =	wrdreg $0x9  }
0x29: {  	_ =	task.clear_ibuf [dreg:s7], $0x5FFFF;
	_ =	strace $0x90000049  }
0x2a: {  	s29 =	simm.s32 $0x9;
	_ =	strace $0x8000004B  }
0x2b: {  	_ =	swait.ge [sflag:s29], $0x1  }
0x2c: {  	[sflag:s29] =	ssyncadd.s32 $0xFFFFFFFF  }
0x2d: {  	_ =	strace $0x9000004B  }
0x2e: {  	_ =	sfence  }
0x2f: {  	s30 =	sld [smem:$0x0];
	_ =	sdelay $0x2  }
0x30: {  	s31 =	sshll.u32 s1, $0xD;
	s1 =	sshrl.u32 s1, $0x2  }
0x31: {  	s3 =	sand.u32 $0x4000, s31;
	s1 =	sadd.s32 s1, s30  }
0x32: {  	s0 =	sor.u32 s3, s0;
	s1 =	sshll.u32 s1, $0x11  }
0x33: {  	s0 =	sor.u32 s1, s0  }
0x34: {  	s0 =	sadd.s32 $0x8F2B, s0  }
0x35: {  	[sflag:s0] =	ssyncadd.remote.s32 $0x1  }
0x36: {  	_ =	sfence.sel $0xFFFF  }
0x37: {  	[dreg:$0x0] =	wrdreg $0xFFFFFFFF;
	(pc) =	sbr.abs _section_cstart, $3  }
0x38: {  	[dreg:$0x1] =	wrdreg $0xFFFFFFFF  }
0x39: {  	_ =	task.clear_ibuf [dreg:s7], $0x2FFFF;
	_ =	strace $0x9FFFFFFF  }
0x3a: {  	(tm) =	ssettm $0x7FFFFFFF  }
0x3b: {  	_ =	shalt  }
tec
execute0_lowered:
.L_overlay_start_1:
0x0: {  	(tag) =	ssettag $0x1  }
0x1: {  	s0 =	srdreg.scid;
	s6 =	rddreg [dreg:$0x0]  }
0x2: {  	s3 =	rddreg [dreg:$0x1];
	s1 =	sshll.u32 s0, $0x4  }
0x3: {  	s5 =	simm.s32 $0x1;
	s0 =	stileid.u32;
	s1 =	sand.u32 $0x10, s1  }
0x4: {  	s31 =	simm.s32 $0x2;
	s16 =	simm.s32 $0x0;
	s1 =	sor.u32 s0, s1  }
0x5: {  	s8 =	simm.s32 $0x8000;
	s18 =	simm.s32 $0x0;
	s2 =	sshll.u32 s1, $0x7  }
0x6: {  	s17 =	simm.s32 $0x0;
	s9 =	simm.s32 $0x0;
	s4 =	ssub.s32 $0x1000, s2  }
0x7: {  	s10 =	simm.s32 $0x0;
	s11 =	simm.s32 $0x0;
	s30 =	sand.u32 $0xF80, s4  }
0x8: {  	s12 =	simm.s32 $0x0;
	s13 =	simm.s32 $0x0;
	p0 =	sne.s32 s30, $0x0  }
.Ltmp0:
0x9: {  	s7 =	sshrl.u32 s4, $0xC;
	s5 =	simm.s32 @!p0 $0x0;
	(pc) =	sbr.rel .LBB1_1-.Ltmp0, $4  }
0xa: {  	s15 =	simm.s32 $0x0;
	s1 =	rddreg [dreg:$0x2];
	s5 =	sadd.s32 s5, s7  }
0xb: {  	_ =	strace $0x8000004A;
	s4 =	simm.s32 $0x1;
	s5 =	smul.u32 $0x64, s5  }
0xc: {  	s6 =	sadd.s32 $0x800, s6;
	s14 =	smov.u32 s2;
	[sflag:s4] =	ssyncpa.u1 $0x0  }
0xd: {  	[sflag:s31] =	ssyncpa.u1 $0x0;
	p0 =	por $0x0, $0x0;
	s7 =	sor.u32 $0x1, s5  }
.LBB1_4:
0xe: {  	s23 =	sshra.s32 s23, $0x2;
	s30 =	sshll.u32 s9, $0xC  }
0xf: {  	p1 =	sgt.s32 s10, $0x31;
	s24 =	smov.u32 s10;
	s25 =	sshra.s32 s10, $0x1F  }
0x10: {  	s26 =	sshll.u32 s11, $0x3;
	s28 =	smov.u32 s11;
	s29 =	sshra.s32 s11, $0x1F  }
0x11: {  	s22 =	sadd.s32 s23, s22;
	s24 =	simm.s32 @!p1 $0x31;
	s25 =	sand.u32 s25, s10  }
0x12: {  	s23 =	sand.u32 $0xFFFF8000, s30;
	s27 =	sand.u32 $0xFFFFFC00, s26;
	p1 =	sgt.s32 s9, $0x20  }
0x13: {  	s31 =	sand.u32 s29, s11;
	s29 =	sshll.u32 s9, $0x7;
	s30 =	sshra.s32 s9, $0x1F  }
0x14: {  	[tilespmem:s21+$0x2040 ss:$0x81] =	vst.msk $0xffff, v4;
	s24 =	ssub.s32 s24, s25;
	s23 =	sadd.s32 s27, s23;
	s27 =	smov.u32 s9  }
0x15: {  	[tilespmem:s21+$0x2850 ss:$0x81] =	vst.msk $0xffff, v3;
	s29 =	sand.u32 $0x380, s29;
	s25 =	sadd.s32 $0xFFFFFFCF, s24;
	s27 =	simm.s32 @!p1 $0x20  }
0x16: {  	v5 =	vld [tilespmem:s20+$0xFFFFFFD0];
	[tilespmem:s21+$0x3060 ss:$0x81] =	vst.msk $0xffff, v2;
	p1 =	sgt.s32 s11, $0xF80;
	s23 =	sshrl.u32 s23, $0xC;
	s24 =	ssub.s32 $0x32, s24  }
0x17: {  	v58 =	vld [tilespmem:s20+$0xFFFFFFE0];
	[tilespmem:s21+$0x0 ss:$0x81] =	vst.msk $0xffff, v1;
	s28 =	simm.s32 @!p1 $0xF80;
	p1 =	sgt.s32 s25, $0x0;
	s21 =	smulhi.u32 $0x199999A, s23  }
0x18: {  	v59 =	vld [tilespmem:s20+$0xFFFFFFF0];
	s25 =	ssub.s32 s28, s31;
	s28 =	sand.u32 s30, s9;
	s24 =	simm.s32 @p1 $0x0  }
0x19: {  	v60 =	vld [tilespmem:s20+$0x0];
	s27 =	ssub.s32 s27, s28;
	s31 =	sadd.s32 $0xFFFFF080, s25;
	s25 =	ssub.s32 $0x1000, s25  }
0x1a: {  	v61 =	vld [tilespmem:s20+$0x10];
	[tilespmem:s22+$0x3870 ss:$0x81] =	vst.msk $0xffff, v0;
	s21 =	smul.u32 $0xA0, s21;
	s28 =	sand.u32 $0x7, s11;
	p1 =	sgt.s32 s31, $0x7F  }
0x1b: {  	v62 =	vld [tilespmem:s20+$0x20];
	[tilespmem:s22+$0x810 ss:$0x81] =	vst.msk $0xffff, v5;
	s30 =	sadd.s32 $0xFFFFFFE0, s27;
	s31 =	sand.u32 $0x78, s11;
	s25 =	simm.s32 @p1 $0x0  }
0x1c: {  	v63 =	vld [tilespmem:s20+$0xFFFFFFC0];
	[tilespmem:s22+$0x1020 ss:$0x81] =	vst.msk $0xffff, v58;
	p1 =	sgt.s32 s30, $0x7F;
	s30 =	sand.u32 $0xC00, s26;
	s24 =	smul.u32 s25, s24  }
0x1d: {  	[tilespmem:s22+$0x1830 ss:$0x81] =	vst.msk $0xffff, v59;
	s26 =	ssub.s32 $0xA0, s27;
	s20 =	sor.u32 s31, s30;
	s31 =	smul.u32 $0x14000, s10  }
0x1e: {  	[tilespmem:s22+$0x2040 ss:$0x81] =	vst.msk $0xffff, v60;
	s21 =	ssub.s32 s23, s21;
	s26 =	simm.s32 @p1 $0x0;
	s20 =	sor.u32 s29, s20  }
0x1f: {  	[tilespmem:s22+$0x2850 ss:$0x81] =	vst.msk $0xffff, v61;
	s26 =	smul.u32 s26, s24;
	s20 =	sshrl.u32 s20, $0x3;
	s27 =	sadd.s32 s3, s31  }
0x20: {  	[tilespmem:s22+$0x3060 ss:$0x81] =	vst.msk $0xffff, v62;
	s21 =	sshll.u32 s21, $0x9;
	s29 =	sshll.u32 s28, $0x12;
	s20 =	sadd.s32 s20, s27  }
0x21: {  	[tilespmem:s22+$0x0 ss:$0x81] =	vst.msk $0xffff, v63;
	s31 =	sor.u32 $0x400, s29;
	s30 =	sand.u32 $0x3FFFFFFF, s26;
	s20 =	sadd.s32 s21, s20  }
0x22: {  	[hbm4b:s20+s31] =	stream.strided.scatter [tilespmem:s19], [sflag:$0x2], s30, s8, s31, $0x20;
	[tilespmem:$0x10100] =	vst v63  }
.LBB1_5:
0x23: {  	p1 =	slt.u32 s15, $0x2  }
0x24: {  	p2 =	sgt.s32 @!p1 s18, $0x31  }
0x25: {  	s19 =	smov.u32 s18;
	s20 =	sshra.s32 @!p1 s18, $0x1F;
	p2 =	por !p2, p1  }
0x26: {  	s18 =	sand.u32 @!p1 s20, s18;
	s19 =	simm.s32 @p2 $0x31  }
0x27: {  	p3 =	sgt.s32 @!p1 s16, $0x20;
	s18 =	ssub.s32 @!p1 s19, s18  }
0x28: {  	p4 =	sgt.s32 @!p1 s17, $0xF80;
	s21 =	sshra.s32 @!p1 s17, $0x1F;
	s19 =	sadd.s32 @!p1 $0xFFFFFFCF, s18  }
0x29: {  	s20 =	smov.u32 s16;
	p2 =	sgt.s32 @!p1 s19, $0x0;
	s19 =	sshra.s32 @!p1 s16, $0x1F  }
0x2a: {  	p4 =	por !p4, p1;
	s16 =	sand.u32 @!p1 s19, s16;
	s19 =	smov.u32 s17  }
0x2b: {  	p3 =	por !p3, p1;
	s17 =	sand.u32 @!p1 s21, s17;
	s19 =	simm.s32 @p4 $0xF80  }
0x2c: {  	s20 =	simm.s32 @p3 $0x20;
	s18 =	ssub.s32 @!p1 $0x32, s18;
	s17 =	ssub.s32 @!p1 s19, s17  }
0x2d: {  	p2 =	por !p2, p1;
	s16 =	ssub.s32 @!p1 s20, s16;
	s20 =	sadd.s32 @!p1 $0xFFFFF080, s17  }
0x2e: {  	s18 =	simm.s32 @!p2 $0x0;
	p3 =	sgt.s32 @!p1 s20, $0x7F  }
0x2f: {  	s19 =	sadd.s32 @!p1 $0xFFFFFFE0, s16;
	s17 =	ssub.s32 @!p1 $0x1000, s17;
	p3 =	por !p3, p1  }
0x30: {  	p2 =	sgt.s32 @!p1 s19, $0x7F;
	s19 =	sadd.s32 $0x80, s12;
	s17 =	simm.s32 @!p3 $0x0  }
0x31: {  	p3 =	sgt.s32 s19, $0x9F;
	s17 =	smul.u32 @!p1 s17, s18;
	s18 =	simm.s32 $0x1  }
0x32: {  	s16 =	ssub.s32 @!p1 $0xA0, s16;
	p2 =	por !p2, p1;
	s18 =	simm.s32 @!p3 $0x0  }
0x33: {  	s21 =	smov.u32 s14;
	s16 =	simm.s32 @!p2 $0x0;
	s20 =	sadd.s32 s18, s13  }
0x34: {  	s16 =	smul.u32 @!p1 s16, s17;
	s17 =	sadd.s32 $0x1000, s14;
	p2 =	sgt.s32 s20, $0x31  }
0x35: {  	p0 =	por !p0, !p0;
	s22 =	simm.s32 @!p1 $0x2;
	s21 =	smov.u32 @p2 s17  }
0x36: {  	s19 =	simm.s32 @p3 $0x0;
	s20 =	simm.s32 @p2 $0x0;
	p2 =	sgt.s32 s21, $0xFFF  }
0x37: {  	s18 =	smov.u32 s10;
	s21 =	smov.u32 @p2 s2;
	p2 =	sne.s32 s15, s7  }
.Ltmp1:
0x38: {  	s10 =	smov.u32 s13;
	s16 =	sand.u32 @!p1 $0x3FFFFFFF, s16;
	(pc) =	sbr.rel @!p2 .LBB1_6-.Ltmp1, $4  }
0x39: {  	s17 =	smov.u32 s11;
	s11 =	smov.u32 s14;
	_ =	swait.ge @!p1 [sflag:s22], s16  }
0x3a: {  	s23 =	ssub.s32 @!p1 $0x0, s16;
	s16 =	smov.u32 s9;
	s9 =	smov.u32 s12  }
0x3b: {  	s12 =	smov.u32 s19;
	s13 =	smov.u32 s20;
	[sflag:s22] =	ssyncset.done @!p1 $0x0  }
0x3c: {  	s15 =	sadd.s32 $0x1, s15;
	[sflag:s22] =	ssyncadd.s32 @!p1 s23;
	s14 =	smov.u32 s21  }
.LBB1_1:
0x3d: {  	p1 =	sge.u32 s15, s5  }
0x3e: {  	s19 =	sshll.u32 @!p1 s13, $0x8;
	s20 =	sshll.u32 @!p1 s12, $0x3  }
0x3f: {  	s21 =	sshll.u32 @!p1 s13, $0x7;
	s19 =	sand.u32 @!p1 $0xFFFFF800, s19;
	s20 =	sand.u32 @!p1 $0xFFFFFC00, s20  }
0x40: {  	s19 =	sadd.s32 @!p1 s19, s20;
	s20 =	sand.u32 @!p1 $0x300, s21  }
0x41: {  	s19 =	sor.u32 @!p1 s20, s19  }
0x42: {  	s19 =	sshrl.u32 @!p1 s19, $0x8  }
0x43: {  	s31 =	sadd.s32 $0xFFFFFFFF, s15;
	s20 =	smulhi.u32 @!p1 $0x4924925, s19  }
0x44: {  	s22 =	sxor.u32 @!p1 $0xFFFFFFFF, s15;
	s23 =	sand.u32 @!p1 $0x78, s12;
	s24 =	smul.u32 @!p1 $0x700, s14  }
0x45: {  	s22 =	sshll.u32 @!p1 s22, $0xE;
	s21 =	sand.u32 @!p1 $0x80, s21;
	s20 =	smul.u32 @!p1 $0x38, s20  }
0x46: {  	s22 =	sand.u32 @!p1 $0x4000, s22;
	s21 =	sor.u32 @!p1 s23, s21;
	s23 =	sand.u32 @!p1 $0x7, s12  }
0x47: {  	s19 =	ssub.s32 @!p1 s19, s20;
	s20 =	sshrl.u32 @!p1 s21, $0x3;
	s21 =	sadd.s32 @!p1 s6, s24  }
0x48: {  	s19 =	sshll.u32 @!p1 s19, $0x5;
	s20 =	sadd.s32 @!p1 s20, s21;
	s21 =	sshll.u32 @!p1 s23, $0x12  }
0x49: {  	s19 =	sadd.s32 @!p1 s19, s20;
	s20 =	sor.u32 @!p1 $0x80, s21;
	s21 =	simm.s32 @!p1 $0x3800  }
0x4a: {  	[tilespmem:s22], [sflag:$0x1] =	stream.strided.gather @!p1 [hbm4b:s19+s20], $0x4000, s21, s20, $0x38;
	[tilespmem:$0x10100] =	vst v63  }
0x4b: {  	p1 =	sge.u32 s31, s5  }
.Ltmp2:
0x4c: {  	_ = 	snop;
	(pc) =	sbr.rel @p1 .LBB1_5-.Ltmp2, $1  }
0x4d: {  	_ =	sdelay $0x3  }
0x4e: {  	s19 =	simm.s32 $0x1  }
0x4f: {  	_ =	swait.ge [sflag:s4], $0x4000;
	s19 =	simm.s32 @!p0 $0x0  }
0x50: {  	[sflag:s4] =	ssyncset.done $0x0;
	s20 =	sshll.u32 s19, $0xE  }
0x51: {  	[sflag:s4] =	ssyncadd.s32 $0xFFFFC000;
	s20 =	sor.u32 $0x40, s20  }
0x52: {  	s19 =	smul.u32 $0x10200, s19;
	v0 =	vld [tilespmem:s20+$0x30]  }
0x53: {  	v1 =	vld [tilespmem:s20+$0xFFFFFFD0]  }
0x54: {  	s19 =	sshrl.u32 s19, $0x2;
	v5 =	vld [tilespmem:s20+$0xFFFFFFE0]  }
0x55: {  	v6 =	vld [tilespmem:s20+$0xFFFFFFF0];
	s22 =	sor.u32 $0x8000, s19  }
0x56: {  	s31 =	sand.u32 $0x1, s15;
	v4 =	vld [tilespmem:s20+$0x0];
	s21 =	sadd.s32 $0x0, s22  }
0x57: {  	v3 =	vld [tilespmem:s20+$0x10];
	s19 =	smul.u32 $0x10200, s31;
	[tilespmem:s21+$0x3870 ss:$0x81] =	vst.msk $0xffff, v0  }
0x58: {  	v2 =	vld [tilespmem:s20+$0x20];
	[tilespmem:s21+$0x810 ss:$0x81] =	vst.msk $0xffff, v1  }
0x59: {  	s19 =	sshrl.u32 s19, $0x2;
	v1 =	vld [tilespmem:s20+$0xFFFFFFC0];
	[tilespmem:s21+$0x1020 ss:$0x81] =	vst.msk $0xffff, v5;
	s20 =	sadd.s32 $0x80, s20  }
0x5a: {  	s23 =	simm.s32 $0x4;
	s24 =	simm.s32 $0x8;
	s19 =	sor.u32 $0x8000, s19;
	[tilespmem:s21+$0x1830 ss:$0x81] =	vst.msk $0xffff, v6;
	v0 =	vld [tilespmem:s20+$0x30]  }
.LBB1_3:
0x5b: {  	p1 =	sne.s32 s24, $0x1FC;
	v5 =	vld [tilespmem:s20+$0xFFFFFFD0];
	[tilespmem:s21+$0x2040 ss:$0x81] =	vst.msk $0xffff, v4  }
0x5c: {  	v6 =	vld [tilespmem:s20+$0xFFFFFFE0];
	[tilespmem:s21+$0x2850 ss:$0x81] =	vst.msk $0xffff, v3  }
0x5d: {  	s25 =	sshra.s32 s23, $0x2;
	s23 =	smov.u32 s24;
	v7 =	vld [tilespmem:s20+$0xFFFFFFF0];
	[tilespmem:s21+$0x3060 ss:$0x81] =	vst.msk $0xffff, v2  }
.Ltmp3:
0x5e: {  	v4 =	vld [tilespmem:s20+$0x0];
	[tilespmem:s21+$0x0 ss:$0x81] =	vst.msk $0xffff, v1;
	s21 =	sadd.s32 s25, s22;
	(pc) =	sbr.rel @p1 .LBB1_3-.Ltmp3, $4  }
0x5f: {  	v3 =	vld [tilespmem:s20+$0x10];
	[tilespmem:s21+$0x3870 ss:$0x81] =	vst.msk $0xffff, v0  }
0x60: {  	[tilespmem:s21+$0x810 ss:$0x81] =	vst.msk $0xffff, v5;
	v2 =	vld [tilespmem:s20+$0x20]  }
0x61: {  	v1 =	vld [tilespmem:s20+$0xFFFFFFC0];
	[tilespmem:s21+$0x1020 ss:$0x81] =	vst.msk $0xffff, v6;
	s20 =	sadd.s32 $0x80, s20  }
0x62: {  	s24 =	sadd.s32 $0x4, s24;
	v0 =	vld [tilespmem:s20+$0x30];
	[tilespmem:s21+$0x1830 ss:$0x81] =	vst.msk $0xffff, v7  }
.Ltmp4:
0x63: {  	_ = 	snop;
	(pc) =	sbr.rel .LBB1_4-.Ltmp4, $1  }
0x64: {  	_ =	sdelay $0x3  }
.LBB1_6:
0x65: {  	_ =	sfence.sel $0x180000  }
0x66: {  	s2 =	simm.s32 $0x1;
	[bflag:$0x0] =	sbarrier.arrive $0xFFFF  }
0x67: {  	s31 =	simm.s32 $0x2;
	[sflag:s2] =	ssyncpa.u1 $0x1  }
0x68: {  	[sflag:s31] =	ssyncpa.u1 $0x1  }
0x69: {  	p0 =	sne.s32 s0, $0x0;
	_ =	strace $0x9000004A  }
0x6a: {  	s0 =	sadd.s32 @!p0 $0x100000, s1;
	[bflag:$0x2] =	sbarrier.arrive $0xFFFF  }
0x6b: {  	[sflag:s0] =	ssyncadd.tile.s32 @!p0 $0x1;
	_ =	shalt  }
.Lfunc_end1:
_tile_overlayer_lowered:
.L_overlay_start_2:
0x6c: {  	(tag) =	ssettag $0x2  }
0x6d: {  	s0 =	rddreg [dreg:$0x0];
	s2 =	stileid.u32  }
0x6e: {  	s1 =	rddreg [dreg:$0x1];
	p0 =	sne.s32 s2, $0x0  }
0x6f: {  	s3 =	rddreg [dreg:$0x2];
	[bflag:$0x3] =	sbarrier.arrive $0xFFFF;
	s2 =	simm.s32 @!p0 $0x1C01  }
0x70: {  	[timem:s3], [sflag:s2] =	dma.local @!p0 [hbm:s0], s1  }
0x71: {  	s0 =	simm.s32 @!p0 $0x1  }
0x72: {  	_ =	swait.ge @!p0 [sflag:s0], s1  }
0x73: {  	s1 =	ssub.s32 @!p0 $0x0, s1;
	[sflag:s0] =	ssyncset.done @!p0 $0x0  }
0x74: {  	[sflag:s0] =	ssyncadd.s32 @!p0 s1  }
0x75: {  	[bflag:$0x3] =	sbarrier.arrive $0xFFFF  }
0x76: {  	_ =	shalt  }

</sc_bundles>
